<compile_context>
chip_gen: v7x
topology: tpu7x:2x2x1
jax: 0.10.2.dev20260603
libtpu: 0.0.44.dev20260713+nightly
codegen_flags: <defaults>
</compile_context>

<pallas_src>
import functools

import jax
import jax.numpy as jnp
import numpy as np
from jax import lax
from jax.experimental import pallas as pl
from jax.experimental.pallas import tpu as pltpu
from jax.experimental.pallas import tpu_sc as plsc

LSH_NUM_PROJS = 8
BLOCK_SIZE = 256
SAMPLE_SIZE = 256
NUM_BUCKETS = 256
_SC_CORES = 2
_SC_SUBCORES = 16
_LANES = 16


def _unit_hamming_distance_array(size_n):
    a = np.array([0, 1], dtype=np.int32)
    for _ in range(size_n - 1):
        a = np.concatenate([a, a[::-1] + a.shape[0]], axis=0)
    return a


_PERM_NP = _unit_hamming_distance_array(LSH_NUM_PROJS)
_ORDER_NP = np.argsort(_PERM_NP).astype(np.int32)


def _sort_body(qh_hbm, kh_hbm, ord_hbm, qsi_hbm, ksi_hbm, qinv_hbm,
               hash_v, idx_v, inv_v, starts_v, ord_v, *, n):
    g = lax.axis_index("s") * _SC_CORES + lax.axis_index("c")
    zero16 = jnp.zeros((_LANES,), jnp.int32)
    lane = lax.iota(jnp.int32, _LANES)
    pltpu.sync_copy(ord_hbm, ord_v)

    for src, dst_idx, dst_inv in ((kh_hbm, ksi_hbm, None),
                                  (qh_hbm, qsi_hbm, qinv_hbm)):
        pltpu.sync_copy(src.at[g], hash_v)
        for i in range(NUM_BUCKETS // _LANES):
            starts_v[pl.ds(i * _LANES, _LANES)] = zero16

        def hist_step(i, carry):
            v = hash_v[pl.ds(i * _LANES, _LANES)]
            cnt, last = plsc.scan_count(v)
            plsc.addupdate_scatter(starts_v, [v], cnt, mask=last)
            return carry

        lax.fori_loop(0, n // _LANES, hist_step, jnp.int32(0))

        def pfx_step(i, run):
            bins = ord_v[pl.ds(i * _LANES, _LANES)]
            chunk = plsc.load_gather(starts_v, [bins])
            inc = plsc.cumsum(chunk)
            plsc.store_scatter(starts_v, [bins], (run + inc) - chunk)
            return run + jnp.sum(chunk)

        lax.fori_loop(0, NUM_BUCKETS // _LANES, pfx_step, jnp.int32(0))

        def scat_step(i, carry):
            off = i * _LANES
            v = hash_v[pl.ds(off, _LANES)]
            cnt, last = plsc.scan_count(v)
            base = plsc.load_gather(starts_v, [v])
            pos = (base + cnt) - 1
            plsc.store_scatter(idx_v, [pos], lane + off)
            inv_v[pl.ds(off, _LANES)] = pos
            plsc.store_scatter(starts_v, [v], base + cnt, mask=last)
            return carry

        lax.fori_loop(0, n // _LANES, scat_step, jnp.int32(0))
        pltpu.sync_copy(idx_v, dst_idx.at[g])
        if dst_inv is not None:
            pltpu.sync_copy(inv_v, dst_inv.at[g])


def _sc_sort(q_hash, k_hash, order):
    G, N = q_hash.shape
    mesh = plsc.VectorSubcoreMesh(core_axis_name="c", subcore_axis_name="s",
                                  num_cores=_SC_CORES,
                                  num_subcores=_SC_SUBCORES)
    f = functools.partial(
        pl.kernel,
        out_type=(jax.ShapeDtypeStruct((G, N), jnp.int32),
                  jax.ShapeDtypeStruct((G, N), jnp.int32),
                  jax.ShapeDtypeStruct((G, N), jnp.int32)),
        mesh=mesh,
        scratch_types=(pltpu.VMEM((N,), jnp.int32),
                       pltpu.VMEM((N,), jnp.int32),
                       pltpu.VMEM((N,), jnp.int32),
                       pltpu.VMEM((NUM_BUCKETS,), jnp.int32),
                       pltpu.VMEM((NUM_BUCKETS,), jnp.int32)),
        compiler_params=pltpu.CompilerParams(needs_layout_passes=False),
    )(functools.partial(_sort_body, n=N))
    return f(q_hash, k_hash, order)


def _attn_body(q_ref, k_ref, v_ref, ks_ref, vs_ref, samp_ref, o_ref, *, scale, n_total):
    j = pl.program_id(1)
    q = q_ref[0]
    k = k_ref[0]
    v = v_ref[0]
    ks = ks_ref[0]
    vs = vs_ref[0]
    samp = samp_ref[0, 0]

    s1 = jax.lax.dot_general(q, k, (((1,), (1,)), ((), ())),
                             preferred_element_type=jnp.float32) * scale
    m1 = jnp.max(s1, axis=-1, keepdims=True)
    e1 = jnp.exp(s1 - m1)
    d1 = jnp.sum(e1, axis=-1, keepdims=True)
    lse1 = m1 + jnp.log(d1)
    a1 = jnp.dot(e1 / d1, v, preferred_element_type=jnp.float32)

    s2 = jax.lax.dot_general(q, ks, (((1,), (1,)), ((), ())),
                             preferred_element_type=jnp.float32) * scale
    bias = jnp.where((samp // BLOCK_SIZE) == j,
                     jnp.finfo(jnp.float32).min, 0.0)
    s2 = s2 + bias[None, :]
    m2 = jnp.max(s2, axis=-1, keepdims=True)
    e2 = jnp.exp(s2 - m2)
    d2 = jnp.sum(e2, axis=-1, keepdims=True)
    lse2 = m2 + jnp.log(d2) + jnp.log(n_total / SAMPLE_SIZE)
    a2 = jnp.dot(e2 / d2, vs, preferred_element_type=jnp.float32)

    c = 1.0 / (1.0 + jnp.exp(lse2 - lse1))
    o_ref[0] = c * a1 + (1.0 - c) * a2


def _block_attention(q_sorted, k_sorted, v_sorted, k_subset, v_subset, sampled_set):
    G, N, D = q_sorted.shape
    nb = N // BLOCK_SIZE
    grid = (G, nb)
    body = functools.partial(_attn_body, scale=D ** (-0.5), n_total=float(N))
    return pl.pallas_call(
        body,
        grid=grid,
        in_specs=[
            pl.BlockSpec((1, BLOCK_SIZE, D), lambda i, j: (i, j, 0)),
            pl.BlockSpec((1, BLOCK_SIZE, D), lambda i, j: (i, j, 0)),
            pl.BlockSpec((1, BLOCK_SIZE, D), lambda i, j: (i, j, 0)),
            pl.BlockSpec((1, SAMPLE_SIZE, D), lambda i, j: (i, 0, 0)),
            pl.BlockSpec((1, SAMPLE_SIZE, D), lambda i, j: (i, 0, 0)),
            pl.BlockSpec((1, 1, SAMPLE_SIZE), lambda i, j: (i, 0, 0)),
        ],
        out_specs=pl.BlockSpec((1, BLOCK_SIZE, D), lambda i, j: (i, j, 0)),
        out_shape=jax.ShapeDtypeStruct((G, N, D), jnp.float32),
    )(q_sorted, k_sorted, v_sorted, k_subset, v_subset, sampled_set)


def kernel(query, key, value, proj_dir, sampled_set):
    B, N, H, D = query.shape
    G = B * H
    mask = (2 ** jnp.arange(LSH_NUM_PROJS)).astype(jnp.int32)

    def lsh(x):
        proj = jnp.einsum('bnhd,dp->bnhp', x, proj_dir)
        bins = jnp.sum((proj > 0).astype(jnp.int32) * mask, axis=-1)
        return jnp.transpose(bins, (0, 2, 1)).reshape(G, N)

    q_hash = lsh(query)
    k_hash = lsh(key)
    q_sort_idx, k_sort_idx, q_sort_idx_inv = _sc_sort(
        q_hash, k_hash, jnp.asarray(_ORDER_NP))

    g_idx = jnp.arange(G, dtype=jnp.int32)
    base = ((g_idx // H) * (N * H) + (g_idx % H))[:, None]
    qflat = query.reshape(B * N * H, D)
    kflat = key.reshape(B * N * H, D)
    vflat = value.reshape(B * N * H, D)

    def rows(flat, fidx):
        return flat[fidx.reshape(-1)].reshape(G, -1, D)

    q_sorted = rows(qflat, q_sort_idx * H + base)
    k_fidx = k_sort_idx * H + base
    k_sorted = rows(kflat, k_fidx)
    v_sorted = rows(vflat, k_fidx)

    samp = sampled_set.reshape(G, SAMPLE_SIZE)
    sub_fidx = jnp.take_along_axis(k_sort_idx, samp, axis=1) * H + base
    k_subset = rows(kflat, sub_fidx)
    v_subset = rows(vflat, sub_fidx)

    attn_sorted = _block_attention(q_sorted, k_sorted, v_sorted,
                                   k_subset, v_subset,
                                   samp.reshape(G, 1, SAMPLE_SIZE))

    ofidx = jnp.transpose((g_idx[:, None] * N + q_sort_idx_inv)
                          .reshape(B, H, N), (0, 2, 1))
    attn_flat = attn_sorted.reshape(G * N, D)
    return attn_flat[ofidx.reshape(-1)].reshape(B, N, H, D)

# --- scband reference (transcript-rebuilt; emitter-appended) ---
"""Pipeline reference for scband-hyper-attention-72172630442646 (READ-ONLY COPY).

The authoritative reference and input builder live on the scoring server;
editing this copy changes nothing except your own understanding.
"""

import jax, jax.numpy as jnp
import numpy as np

INPUT_DIM = 64
LSH_NUM_PROJS = 8
BLOCK_SIZE = 256
SAMPLE_SIZE = 256
MIN_SEQ_LEN = 2048


def _unit_hamming_distance_array(size_n):
    a = np.array([0, 1], dtype=np.int32)
    for _ in range(size_n - 1):
        a = np.concatenate([a, a[::-1] + a.shape[0]], axis=0)
    return a

PERM = jnp.asarray(_unit_hamming_distance_array(LSH_NUM_PROJS))


def lsh_hash(x, proj_dir):
    # x: (B, H, N, D), proj_dir: (D, P) -> bucket ids (B, H, N)
    proj = jnp.einsum('bhnd,dp->bhnp', x, proj_dir)
    mask = (2 ** jnp.arange(LSH_NUM_PROJS)).astype(jnp.int32)
    bin_ids = jnp.sum((proj > 0).astype(jnp.int32) * mask, axis=-1)
    return PERM[bin_ids]


def exact_attention(q, k, v, scale, bias=None):
    s = jnp.einsum('...nd,...md->...nm', q, k) * scale
    if bias is not None:
        s = s + bias
    lse = jax.scipy.special.logsumexp(s, axis=-1, keepdims=True)
    a = jnp.exp(s - lse)
    out = jnp.einsum('...nm,...me->...ne', a, v)
    return out, lse


def add_self_attentions(attn1, lse1, attn2, lse2):
    c = 1.0 / (1.0 + jnp.exp(lse2 - lse1))
    attn = c * attn1 + (1.0 - c) * attn2
    lse = lse1 - jnp.log(1.0 + jnp.exp(lse2 - lse1))
    return attn, lse


def hyper_attention(query, key, value, proj_dir, sampled_set):
    # query/key/value: (B, N, H, D); internal compute in (B, H, N, D)
    B, N, H, D = query.shape
    scale = D ** (-0.5)
    qt = jnp.transpose(query, (0, 2, 1, 3))
    kt = jnp.transpose(key, (0, 2, 1, 3))
    vt = jnp.transpose(value, (0, 2, 1, 3))
    q_hash = lsh_hash(qt, proj_dir)
    k_hash = lsh_hash(kt, proj_dir)
    q_sort_idx = jnp.argsort(q_hash, axis=2, stable=True)
    k_sort_idx = jnp.argsort(k_hash, axis=2, stable=True)
    q_sort_idx_inv = jnp.argsort(q_sort_idx, axis=2, stable=True)
    q_sorted = jnp.take_along_axis(qt, q_sort_idx[..., None], axis=2)
    k_sorted = jnp.take_along_axis(kt, k_sort_idx[..., None], axis=2)
    v_sorted = jnp.take_along_axis(vt, k_sort_idx[..., None], axis=2)
    num_blocks = N // BLOCK_SIZE
    qb = q_sorted.reshape(B, H, num_blocks, BLOCK_SIZE, D)
    kb = k_sorted.reshape(B, H, num_blocks, BLOCK_SIZE, D)
    vb = v_sorted.reshape(B, H, num_blocks, BLOCK_SIZE, D)
    attn_block, lse_block = exact_attention(qb, kb, vb, scale)
    attn_block = attn_block.reshape(B, H, N, D)
    lse_block = lse_block.reshape(B, H, N, 1)
    # residual low-rank part via uniform sampling of key columns
    offset_n = jnp.arange(N).reshape(1, 1, N, 1)
    weights = N / SAMPLE_SIZE
    k_subset = jnp.take_along_axis(k_sorted, sampled_set[..., None], axis=2)
    v_subset = jnp.take_along_axis(v_sorted, sampled_set[..., None], axis=2)
    block_mask = (offset_n // BLOCK_SIZE) == (sampled_set // BLOCK_SIZE)[:, :, None, :]
    bias = block_mask.astype(query.dtype) * jnp.finfo(query.dtype).min
    attn_res, lse_res = exact_attention(q_sorted, k_subset, v_subset, scale, bias=bias)
    lse_res = lse_res + jnp.log(weights)
    attn, lse = add_self_attentions(attn_block, lse_block, attn_res, lse_res)
    # un-sort rows back to original query order
    attn = jnp.take_along_axis(attn, q_sort_idx_inv[..., None], axis=2)
    lse = jnp.take_along_axis(lse, q_sort_idx_inv[..., None], axis=2)
    return jnp.transpose(attn, (0, 2, 1, 3))


def setup_inputs(seed: int = 0) -> dict:
    key = jax.random.key(seed)
    kq, kk, kv, kp, ks = jax.random.split(key, 5)
    B, N, H, D = 2, 4096, 16, 64
    query = jax.random.normal(kq, (B, N, H, D), dtype=jnp.float32)
    key_t = jax.random.normal(kk, (B, N, H, D), dtype=jnp.float32)
    value = jax.random.normal(kv, (B, N, H, D), dtype=jnp.float32)
    proj_dir = jax.random.normal(kp, (D, LSH_NUM_PROJS), dtype=jnp.float32)
    sampled_set = jax.random.randint(ks, (B, H, SAMPLE_SIZE), 0, N)
    return {"query": query, "key": key_t, "value": value, "proj_dir": proj_dir, "sampled_set": sampled_set}


def reference(query, key, value, proj_dir, sampled_set):
    return hyper_attention(query, key, value, proj_dir, sampled_set)

if __name__ == "__main__":
    import jax
    _d = setup_inputs()
    print(jax.jit(kernel)(*tuple(_d.values())))

</pallas_src>

<mosaic_0001>
#map = affine_map<(d0, d1) -> (0, 0)>
#map1 = affine_map<(d0, d1) -> (0)>
module attributes {stable_mosaic.version = 14 : i64} {
  func.func @_sort_body(%arg0: i32, %arg1: i32, %arg2: memref<32x4096xi32, #tpu.memory_space<hbm>>, %arg3: memref<32x4096xi32, #tpu.memory_space<hbm>>, %arg4: memref<256xi32, #tpu.memory_space<hbm>>, %arg5: memref<32x4096xi32, #tpu.memory_space<hbm>>, %arg6: memref<32x4096xi32, #tpu.memory_space<hbm>>, %arg7: memref<32x4096xi32, #tpu.memory_space<hbm>>, %arg8: memref<4096xi32, #tpu.memory_space<vmem>>, %arg9: memref<4096xi32, #tpu.memory_space<vmem>>, %arg10: memref<4096xi32, #tpu.memory_space<vmem>>, %arg11: memref<256xi32, #tpu.memory_space<vmem>>, %arg12: memref<256xi32, #tpu.memory_space<vmem>>) attributes {dimension_semantics = [#tpu.dimension_semantics<core_parallel>, #tpu.dimension_semantics<subcore_parallel>], iteration_bounds = array<i64: 2, 16>, scalar_prefetch = 0 : i64, scratch_operands = 5 : i64, tpu.core_type = #tpu.core_type<sc_vector_subcore>, window_params = [{transform_indices = #map}, {transform_indices = #map}, {transform_indices = #map1}, {transform_indices = #map}, {transform_indices = #map}, {transform_indices = #map}]} {
    %mul3A = arith.constant 2 : i32
    %mul3A_0 = arith.muli %arg1, %mul3A : i32
    %add3A = arith.addi %mul3A_0, %arg0 : i32
    %broadcast_in_dim3A = arith.constant 0 : i32
    %broadcast_in_dim3A_1 = vector.broadcast %broadcast_in_dim3A : i32 to vector<16xi32>
    %iota3A = tpu.iota {dimensions = array<i32: 0>} : vector<16xi32>
    "tpu.region"() ({
      %run_scoped3A = tpu.sem_alloc : memref<!tpu.dma_semaphore, #tpu.memory_space<semaphore_mem>>
      tpu.enqueue_dma source(%arg4 : memref<256xi32, #tpu.memory_space<hbm>>) target(%arg12 : memref<256xi32, #tpu.memory_space<vmem>>) target_semaphore(%run_scoped3A : memref<!tpu.dma_semaphore, #tpu.memory_space<semaphore_mem>>)
      tpu.wait_dma2 semaphore(%run_scoped3A : memref<!tpu.dma_semaphore, #tpu.memory_space<semaphore_mem>>) src(%arg4 : memref<256xi32, #tpu.memory_space<hbm>>) dst(%arg12 : memref<256xi32, #tpu.memory_space<vmem>>)
      tpu.yield
    }) : () -> ()
    "tpu.region"() ({
      %run_scoped3A = tpu.sem_alloc : memref<!tpu.dma_semaphore, #tpu.memory_space<semaphore_mem>>
      %dma_start3A = arith.constant 0 : i32
      %dma_start3A_102 = tpu.memref_slice %arg3[%add3A, %dma_start3A] : memref<32x4096xi32, #tpu.memory_space<hbm>> -> memref<1x4096xi32, #tpu.memory_space<hbm>>
      %dma_start3A_103 = tpu.memref_squeeze %dma_start3A_102 : memref<1x4096xi32, #tpu.memory_space<hbm>> -> memref<4096xi32, #tpu.memory_space<hbm>>
      %dma_start3A_104 = arith.constant 0 : i32
      %dma_start3A_105 = tpu.memref_slice %arg3[%add3A, %dma_start3A_104] : memref<32x4096xi32, #tpu.memory_space<hbm>> -> memref<1x4096xi32, #tpu.memory_space<hbm>>
      %dma_start3A_106 = tpu.memref_squeeze %dma_start3A_105 : memref<1x4096xi32, #tpu.memory_space<hbm>> -> memref<4096xi32, #tpu.memory_space<hbm>>
      tpu.enqueue_dma source(%dma_start3A_106 : memref<4096xi32, #tpu.memory_space<hbm>>) target(%arg8 : memref<4096xi32, #tpu.memory_space<vmem>>) target_semaphore(%run_scoped3A : memref<!tpu.dma_semaphore, #tpu.memory_space<semaphore_mem>>)
      %dma_wait3A = arith.constant 0 : i32
      %dma_wait3A_107 = tpu.memref_slice %arg3[%add3A, %dma_wait3A] : memref<32x4096xi32, #tpu.memory_space<hbm>> -> memref<1x4096xi32, #tpu.memory_space<hbm>>
      %dma_wait3A_108 = tpu.memref_squeeze %dma_wait3A_107 : memref<1x4096xi32, #tpu.memory_space<hbm>> -> memref<4096xi32, #tpu.memory_space<hbm>>
      %dma_wait3A_109 = arith.constant 0 : i32
      %dma_wait3A_110 = tpu.memref_slice %arg3[%add3A, %dma_wait3A_109] : memref<32x4096xi32, #tpu.memory_space<hbm>> -> memref<1x4096xi32, #tpu.memory_space<hbm>>
      %dma_wait3A_111 = tpu.memref_squeeze %dma_wait3A_110 : memref<1x4096xi32, #tpu.memory_space<hbm>> -> memref<4096xi32, #tpu.memory_space<hbm>>
      tpu.wait_dma2 semaphore(%run_scoped3A : memref<!tpu.dma_semaphore, #tpu.memory_space<semaphore_mem>>) src(%dma_wait3A_111 : memref<4096xi32, #tpu.memory_space<hbm>>) dst(%arg8 : memref<4096xi32, #tpu.memory_space<vmem>>)
      tpu.yield
    }) : () -> ()
    %swap3A = arith.constant 0 : index
    %swap3A_2 = tpu.vector_load %arg11[%swap3A] {strides = array<i32>} : memref<256xi32, #tpu.memory_space<vmem>>, vector<16xi32>,
    tpu.vector_store %arg11[%swap3A], %broadcast_in_dim3A_1 {strides = array<i32>} : memref<256xi32, #tpu.memory_space<vmem>>, vector<16xi32>,
    %swap3A_3 = arith.constant 16 : index
    %swap3A_4 = tpu.vector_load %arg11[%swap3A_3] {strides = array<i32>} : memref<256xi32, #tpu.memory_space<vmem>>, vector<16xi32>,
    tpu.vector_store %arg11[%swap3A_3], %broadcast_in_dim3A_1 {strides = array<i32>} : memref<256xi32, #tpu.memory_space<vmem>>, vector<16xi32>,
    %swap3A_5 = arith.constant 32 : index
    %swap3A_6 = tpu.vector_load %arg11[%swap3A_5] {strides = array<i32>} : memref<256xi32, #tpu.memory_space<vmem>>, vector<16xi32>,
    tpu.vector_store %arg11[%swap3A_5], %broadcast_in_dim3A_1 {strides = array<i32>} : memref<256xi32, #tpu.memory_space<vmem>>, vector<16xi32>,
    %swap3A_7 = arith.constant 48 : index
    %swap3A_8 = tpu.vector_load %arg11[%swap3A_7] {strides = array<i32>} : memref<256xi32, #tpu.memory_space<vmem>>, vector<16xi32>,
    tpu.vector_store %arg11[%swap3A_7], %broadcast_in_dim3A_1 {strides = array<i32>} : memref<256xi32, #tpu.memory_space<vmem>>, vector<16xi32>,
    %swap3A_9 = arith.constant 64 : index
    %swap3A_10 = tpu.vector_load %arg11[%swap3A_9] {strides = array<i32>} : memref<256xi32, #tpu.memory_space<vmem>>, vector<16xi32>,
    tpu.vector_store %arg11[%swap3A_9], %broadcast_in_dim3A_1 {strides = array<i32>} : memref<256xi32, #tpu.memory_space<vmem>>, vector<16xi32>,
    %swap3A_11 = arith.constant 80 : index
    %swap3A_12 = tpu.vector_load %arg11[%swap3A_11] {strides = array<i32>} : memref<256xi32, #tpu.memory_space<vmem>>, vector<16xi32>,
    tpu.vector_store %arg11[%swap3A_11], %broadcast_in_dim3A_1 {strides = array<i32>} : memref<256xi32, #tpu.memory_space<vmem>>, vector<16xi32>,
    %swap3A_13 = arith.constant 96 : index
    %swap3A_14 = tpu.vector_load %arg11[%swap3A_13] {strides = array<i32>} : memref<256xi32, #tpu.memory_space<vmem>>, vector<16xi32>,
    tpu.vector_store %arg11[%swap3A_13], %broadcast_in_dim3A_1 {strides = array<i32>} : memref<256xi32, #tpu.memory_space<vmem>>, vector<16xi32>,
    %swap3A_15 = arith.constant 112 : index
    %swap3A_16 = tpu.vector_load %arg11[%swap3A_15] {strides = array<i32>} : memref<256xi32, #tpu.memory_space<vmem>>, vector<16xi32>,
    tpu.vector_store %arg11[%swap3A_15], %broadcast_in_dim3A_1 {strides = array<i32>} : memref<256xi32, #tpu.memory_space<vmem>>, vector<16xi32>,
    %swap3A_17 = arith.constant 128 : index
    %swap3A_18 = tpu.vector_load %arg11[%swap3A_17] {strides = array<i32>} : memref<256xi32, #tpu.memory_space<vmem>>, vector<16xi32>,
    tpu.vector_store %arg11[%swap3A_17], %broadcast_in_dim3A_1 {strides = array<i32>} : memref<256xi32, #tpu.memory_space<vmem>>, vector<16xi32>,
    %swap3A_19 = arith.constant 144 : index
    %swap3A_20 = tpu.vector_load %arg11[%swap3A_19] {strides = array<i32>} : memref<256xi32, #tpu.memory_space<vmem>>, vector<16xi32>,
    tpu.vector_store %arg11[%swap3A_19], %broadcast_in_dim3A_1 {strides = array<i32>} : memref<256xi32, #tpu.memory_space<vmem>>, vector<16xi32>,
    %swap3A_21 = arith.constant 160 : index
    %swap3A_22 = tpu.vector_load %arg11[%swap3A_21] {strides = array<i32>} : memref<256xi32, #tpu.memory_space<vmem>>, vector<16xi32>,
    tpu.vector_store %arg11[%swap3A_21], %broadcast_in_dim3A_1 {strides = array<i32>} : memref<256xi32, #tpu.memory_space<vmem>>, vector<16xi32>,
    %swap3A_23 = arith.constant 176 : index
    %swap3A_24 = tpu.vector_load %arg11[%swap3A_23] {strides = array<i32>} : memref<256xi32, #tpu.memory_space<vmem>>, vector<16xi32>,
    tpu.vector_store %arg11[%swap3A_23], %broadcast_in_dim3A_1 {strides = array<i32>} : memref<256xi32, #tpu.memory_space<vmem>>, vector<16xi32>,
    %swap3A_25 = arith.constant 192 : index
    %swap3A_26 = tpu.vector_load %arg11[%swap3A_25] {strides = array<i32>} : memref<256xi32, #tpu.memory_space<vmem>>, vector<16xi32>,
    tpu.vector_store %arg11[%swap3A_25], %broadcast_in_dim3A_1 {strides = array<i32>} : memref<256xi32, #tpu.memory_space<vmem>>, vector<16xi32>,
    %swap3A_27 = arith.constant 208 : index
    %swap3A_28 = tpu.vector_load %arg11[%swap3A_27] {strides = array<i32>} : memref<256xi32, #tpu.memory_space<vmem>>, vector<16xi32>,
    tpu.vector_store %arg11[%swap3A_27], %broadcast_in_dim3A_1 {strides = array<i32>} : memref<256xi32, #tpu.memory_space<vmem>>, vector<16xi32>,
    %swap3A_29 = arith.constant 224 : index
    %swap3A_30 = tpu.vector_load %arg11[%swap3A_29] {strides = array<i32>} : memref<256xi32, #tpu.memory_space<vmem>>, vector<16xi32>,
    tpu.vector_store %arg11[%swap3A_29], %broadcast_in_dim3A_1 {strides = array<i32>} : memref<256xi32, #tpu.memory_space<vmem>>, vector<16xi32>,
    %swap3A_31 = arith.constant 240 : index
    %swap3A_32 = tpu.vector_load %arg11[%swap3A_31] {strides = array<i32>} : memref<256xi32, #tpu.memory_space<vmem>>, vector<16xi32>,
    tpu.vector_store %arg11[%swap3A_31], %broadcast_in_dim3A_1 {strides = array<i32>} : memref<256xi32, #tpu.memory_space<vmem>>, vector<16xi32>,
    %scan3A = arith.constant 0 : i32
    %scan3A_33 = arith.constant 0 : i32
    %scan3A_34 = arith.constant 256 : i32
    %scan3A_35 = arith.addi %scan3A_33, %scan3A_34 : i32
    %scan3A_36 = arith.constant 1 : i32
    scf.for %scan3A_102 = %scan3A_33 to %scan3A_35 step %scan3A_36  : i32 {
      %mul3A_103 = arith.constant 16 : i32
      %mul3A_104 = arith.muli %scan3A_102, %mul3A_103 : i32
      %get3A = arith.index_cast %mul3A_104 : i32 to index
      %get3A_105 = tpu.vector_load %arg8[%get3A] {strides = array<i32>} : memref<4096xi32, #tpu.memory_space<vmem>>, vector<16xi32>,
      %broadcast_in_dim3A_106 = arith.constant true
      %broadcast_in_dim3A_107 = vector.broadcast %broadcast_in_dim3A_106 : i1 to vector<16xi1>
      %unique3A, %unique3A_108 = tpu.scan_count mask(%broadcast_in_dim3A_107 : vector<16xi1>) value(%get3A_105 : vector<16xi32>) : vector<16xi1>, vector<16xi32>
      tpu.vector_store_idx %arg11[%get3A_105], %unique3A_108 masked %unique3A {add = true} : memref<256xi32, #tpu.memory_space<vmem>>[vector<16xi32>], vector<16xi32>, vector<16xi1>
    }
    %scan3A_37 = arith.constant 256 : i32
    %scan3A_38 = arith.constant 0 : i32
    %scan3A_39 = arith.constant 0 : i32
    %scan3A_40 = arith.constant 16 : i32
    %scan3A_41 = arith.addi %scan3A_39, %scan3A_40 : i32
    %scan3A_42 = arith.constant 1 : i32
    %scan3A_43 = scf.for %scan3A_102 = %scan3A_39 to %scan3A_41 step %scan3A_42 iter_args(%scan3A_103 = %scan3A_38) -> (i32)  : i32 {
      %mul3A_104 = arith.constant 16 : i32
      %mul3A_105 = arith.muli %scan3A_102, %mul3A_104 : i32
      %get3A = arith.index_cast %mul3A_105 : i32 to index
      %get3A_106 = tpu.vector_load %arg12[%get3A] {strides = array<i32>} : memref<256xi32, #tpu.memory_space<vmem>>, vector<16xi32>,
      %gather3A = tpu.vector_load_idx %arg11[%get3A_106] : memref<256xi32, #tpu.memory_space<vmem>>[vector<16xi32>], vector<16xi32>,
      %broadcast_in_dim3A_107 = arith.constant true
      %broadcast_in_dim3A_108 = vector.broadcast %broadcast_in_dim3A_107 : i1 to vector<16xi1>
      %masked_cumsum3A = tpu.scan <sum>, %gather3A masked %broadcast_in_dim3A_108 : vector<16xi32>, vector<16xi1> -> vector<16xi32>
      %add3A_109 = vector.broadcast %scan3A_103 : i32 to vector<16xi32>
      %add3A_110 = arith.addi %add3A_109, %masked_cumsum3A : vector<16xi32>
      %sub3A = arith.subi %add3A_110, %gather3A : vector<16xi32>
      tpu.vector_store_idx %arg11[%get3A_106], %sub3A : memref<256xi32, #tpu.memory_space<vmem>>[vector<16xi32>], vector<16xi32>,
      %reduce_sum3A = arith.constant true
      %reduce_sum3A_111 = vector.broadcast %reduce_sum3A : i1 to vector<16xi1>
      %reduce_sum3A_112 = tpu.scan <sum>, %gather3A masked %reduce_sum3A_111 : vector<16xi32>, vector<16xi1> -> vector<16xi32>
      %reduce_sum3A_113 = vector.extract %reduce_sum3A_112[15] : i32 from vector<16xi32>
      %add3A_114 = arith.addi %scan3A_103, %reduce_sum3A_113 : i32
      scf.yield %add3A_114 : i32
    }
    %scan3A_44 = arith.constant 16 : i32
    %scan3A_45 = arith.constant 0 : i32
    %scan3A_46 = arith.constant 0 : i32
    %scan3A_47 = arith.constant 256 : i32
    %scan3A_48 = arith.addi %scan3A_46, %scan3A_47 : i32
    %scan3A_49 = arith.constant 1 : i32
    scf.for %scan3A_102 = %scan3A_46 to %scan3A_48 step %scan3A_49  : i32 {
      %mul3A_103 = arith.constant 16 : i32
      %mul3A_104 = arith.muli %scan3A_102, %mul3A_103 : i32
      %get3A = arith.index_cast %mul3A_104 : i32 to index
      %get3A_105 = tpu.vector_load %arg8[%get3A] {strides = array<i32>} : memref<4096xi32, #tpu.memory_space<vmem>>, vector<16xi32>,
      %broadcast_in_dim3A_106 = arith.constant true
      %broadcast_in_dim3A_107 = vector.broadcast %broadcast_in_dim3A_106 : i1 to vector<16xi1>
      %unique3A, %unique3A_108 = tpu.scan_count mask(%broadcast_in_dim3A_107 : vector<16xi1>) value(%get3A_105 : vector<16xi32>) : vector<16xi1>, vector<16xi32>
      %gather3A = tpu.vector_load_idx %arg11[%get3A_105] : memref<256xi32, #tpu.memory_space<vmem>>[vector<16xi32>], vector<16xi32>,
      %add3A_109 = arith.addi %gather3A, %unique3A_108 : vector<16xi32>
      %sub3A = arith.constant 1 : i32
      %sub3A_110 = vector.broadcast %sub3A : i32 to vector<16xi32>
      %sub3A_111 = arith.subi %add3A_109, %sub3A_110 : vector<16xi32>
      %add3A_112 = vector.broadcast %mul3A_104 : i32 to vector<16xi32>
      %add3A_113 = arith.addi %iota3A, %add3A_112 : vector<16xi32>
      tpu.vector_store_idx %arg9[%sub3A_111], %add3A_113 : memref<4096xi32, #tpu.memory_space<vmem>>[vector<16xi32>], vector<16xi32>,
      %swap3A_114 = arith.index_cast %mul3A_104 : i32 to index
      %swap3A_115 = tpu.vector_load %arg10[%swap3A_114] {strides = array<i32>} : memref<4096xi32, #tpu.memory_space<vmem>>, vector<16xi32>,
      tpu.vector_store %arg10[%swap3A_114], %sub3A_111 {strides = array<i32>} : memref<4096xi32, #tpu.memory_space<vmem>>, vector<16xi32>,
      %add3A_116 = arith.addi %gather3A, %unique3A_108 : vector<16xi32>
      tpu.vector_store_idx %arg11[%get3A_105], %add3A_116 masked %unique3A : memref<256xi32, #tpu.memory_space<vmem>>[vector<16xi32>], vector<16xi32>, vector<16xi1>
    }
    %scan3A_50 = arith.constant 256 : i32
    "tpu.region"() ({
      %run_scoped3A = tpu.sem_alloc : memref<!tpu.dma_semaphore, #tpu.memory_space<semaphore_mem>>
      %dma_start3A = arith.constant 0 : i32
      %dma_start3A_102 = tpu.memref_slice %arg6[%add3A, %dma_start3A] : memref<32x4096xi32, #tpu.memory_space<hbm>> -> memref<1x4096xi32, #tpu.memory_space<hbm>>
      %dma_start3A_103 = tpu.memref_squeeze %dma_start3A_102 : memref<1x4096xi32, #tpu.memory_space<hbm>> -> memref<4096xi32, #tpu.memory_space<hbm>>
      %dma_start3A_104 = arith.constant 0 : i32
      %dma_start3A_105 = tpu.memref_slice %arg6[%add3A, %dma_start3A_104] : memref<32x4096xi32, #tpu.memory_space<hbm>> -> memref<1x4096xi32, #tpu.memory_space<hbm>>
      %dma_start3A_106 = tpu.memref_squeeze %dma_start3A_105 : memref<1x4096xi32, #tpu.memory_space<hbm>> -> memref<4096xi32, #tpu.memory_space<hbm>>
      tpu.enqueue_dma source(%arg9 : memref<4096xi32, #tpu.memory_space<vmem>>) target(%dma_start3A_106 : memref<4096xi32, #tpu.memory_space<hbm>>) target_semaphore(%run_scoped3A : memref<!tpu.dma_semaphore, #tpu.memory_space<semaphore_mem>>)
      %dma_wait3A = arith.constant 0 : i32
      %dma_wait3A_107 = tpu.memref_slice %arg6[%add3A, %dma_wait3A] : memref<32x4096xi32, #tpu.memory_space<hbm>> -> memref<1x4096xi32, #tpu.memory_space<hbm>>
      %dma_wait3A_108 = tpu.memref_squeeze %dma_wait3A_107 : memref<1x4096xi32, #tpu.memory_space<hbm>> -> memref<4096xi32, #tpu.memory_space<hbm>>
      %dma_wait3A_109 = arith.constant 0 : i32
      %dma_wait3A_110 = tpu.memref_slice %arg6[%add3A, %dma_wait3A_109] : memref<32x4096xi32, #tpu.memory_space<hbm>> -> memref<1x4096xi32, #tpu.memory_space<hbm>>
      %dma_wait3A_111 = tpu.memref_squeeze %dma_wait3A_110 : memref<1x4096xi32, #tpu.memory_space<hbm>> -> memref<4096xi32, #tpu.memory_space<hbm>>
      tpu.wait_dma2 semaphore(%run_scoped3A : memref<!tpu.dma_semaphore, #tpu.memory_space<semaphore_mem>>) src(%arg9 : memref<4096xi32, #tpu.memory_space<vmem>>) dst(%dma_wait3A_111 : memref<4096xi32, #tpu.memory_space<hbm>>)
      tpu.yield
    }) : () -> ()
    "tpu.region"() ({
      %run_scoped3A = tpu.sem_alloc : memref<!tpu.dma_semaphore, #tpu.memory_space<semaphore_mem>>
      %dma_start3A = arith.constant 0 : i32
      %dma_start3A_102 = tpu.memref_slice %arg2[%add3A, %dma_start3A] : memref<32x4096xi32, #tpu.memory_space<hbm>> -> memref<1x4096xi32, #tpu.memory_space<hbm>>
      %dma_start3A_103 = tpu.memref_squeeze %dma_start3A_102 : memref<1x4096xi32, #tpu.memory_space<hbm>> -> memref<4096xi32, #tpu.memory_space<hbm>>
      %dma_start3A_104 = arith.constant 0 : i32
      %dma_start3A_105 = tpu.memref_slice %arg2[%add3A, %dma_start3A_104] : memref<32x4096xi32, #tpu.memory_space<hbm>> -> memref<1x4096xi32, #tpu.memory_space<hbm>>
      %dma_start3A_106 = tpu.memref_squeeze %dma_start3A_105 : memref<1x4096xi32, #tpu.memory_space<hbm>> -> memref<4096xi32, #tpu.memory_space<hbm>>
      tpu.enqueue_dma source(%dma_start3A_106 : memref<4096xi32, #tpu.memory_space<hbm>>) target(%arg8 : memref<4096xi32, #tpu.memory_space<vmem>>) target_semaphore(%run_scoped3A : memref<!tpu.dma_semaphore, #tpu.memory_space<semaphore_mem>>)
      %dma_wait3A = arith.constant 0 : i32
      %dma_wait3A_107 = tpu.memref_slice %arg2[%add3A, %dma_wait3A] : memref<32x4096xi32, #tpu.memory_space<hbm>> -> memref<1x4096xi32, #tpu.memory_space<hbm>>
      %dma_wait3A_108 = tpu.memref_squeeze %dma_wait3A_107 : memref<1x4096xi32, #tpu.memory_space<hbm>> -> memref<4096xi32, #tpu.memory_space<hbm>>
      %dma_wait3A_109 = arith.constant 0 : i32
      %dma_wait3A_110 = tpu.memref_slice %arg2[%add3A, %dma_wait3A_109] : memref<32x4096xi32, #tpu.memory_space<hbm>> -> memref<1x4096xi32, #tpu.memory_space<hbm>>
      %dma_wait3A_111 = tpu.memref_squeeze %dma_wait3A_110 : memref<1x4096xi32, #tpu.memory_space<hbm>> -> memref<4096xi32, #tpu.memory_space<hbm>>
      tpu.wait_dma2 semaphore(%run_scoped3A : memref<!tpu.dma_semaphore, #tpu.memory_space<semaphore_mem>>) src(%dma_wait3A_111 : memref<4096xi32, #tpu.memory_space<hbm>>) dst(%arg8 : memref<4096xi32, #tpu.memory_space<vmem>>)
      tpu.yield
    }) : () -> ()
    %swap3A_51 = arith.constant 0 : index
    %swap3A_52 = tpu.vector_load %arg11[%swap3A_51] {strides = array<i32>} : memref<256xi32, #tpu.memory_space<vmem>>, vector<16xi32>,
    tpu.vector_store %arg11[%swap3A_51], %broadcast_in_dim3A_1 {strides = array<i32>} : memref<256xi32, #tpu.memory_space<vmem>>, vector<16xi32>,
    %swap3A_53 = arith.constant 16 : index
    %swap3A_54 = tpu.vector_load %arg11[%swap3A_53] {strides = array<i32>} : memref<256xi32, #tpu.memory_space<vmem>>, vector<16xi32>,
    tpu.vector_store %arg11[%swap3A_53], %broadcast_in_dim3A_1 {strides = array<i32>} : memref<256xi32, #tpu.memory_space<vmem>>, vector<16xi32>,
    %swap3A_55 = arith.constant 32 : index
    %swap3A_56 = tpu.vector_load %arg11[%swap3A_55] {strides = array<i32>} : memref<256xi32, #tpu.memory_space<vmem>>, vector<16xi32>,
    tpu.vector_store %arg11[%swap3A_55], %broadcast_in_dim3A_1 {strides = array<i32>} : memref<256xi32, #tpu.memory_space<vmem>>, vector<16xi32>,
    %swap3A_57 = arith.constant 48 : index
    %swap3A_58 = tpu.vector_load %arg11[%swap3A_57] {strides = array<i32>} : memref<256xi32, #tpu.memory_space<vmem>>, vector<16xi32>,
    tpu.vector_store %arg11[%swap3A_57], %broadcast_in_dim3A_1 {strides = array<i32>} : memref<256xi32, #tpu.memory_space<vmem>>, vector<16xi32>,
    %swap3A_59 = arith.constant 64 : index
    %swap3A_60 = tpu.vector_load %arg11[%swap3A_59] {strides = array<i32>} : memref<256xi32, #tpu.memory_space<vmem>>, vector<16xi32>,
    tpu.vector_store %arg11[%swap3A_59], %broadcast_in_dim3A_1 {strides = array<i32>} : memref<256xi32, #tpu.memory_space<vmem>>, vector<16xi32>,
    %swap3A_61 = arith.constant 80 : index
    %swap3A_62 = tpu.vector_load %arg11[%swap3A_61] {strides = array<i32>} : memref<256xi32, #tpu.memory_space<vmem>>, vector<16xi32>,
    tpu.vector_store %arg11[%swap3A_61], %broadcast_in_dim3A_1 {strides = array<i32>} : memref<256xi32, #tpu.memory_space<vmem>>, vector<16xi32>,
    %swap3A_63 = arith.constant 96 : index
    %swap3A_64 = tpu.vector_load %arg11[%swap3A_63] {strides = array<i32>} : memref<256xi32, #tpu.memory_space<vmem>>, vector<16xi32>,
    tpu.vector_store %arg11[%swap3A_63], %broadcast_in_dim3A_1 {strides = array<i32>} : memref<256xi32, #tpu.memory_space<vmem>>, vector<16xi32>,
    %swap3A_65 = arith.constant 112 : index
    %swap3A_66 = tpu.vector_load %arg11[%swap3A_65] {strides = array<i32>} : memref<256xi32, #tpu.memory_space<vmem>>, vector<16xi32>,
    tpu.vector_store %arg11[%swap3A_65], %broadcast_in_dim3A_1 {strides = array<i32>} : memref<256xi32, #tpu.memory_space<vmem>>, vector<16xi32>,
    %swap3A_67 = arith.constant 128 : index
    %swap3A_68 = tpu.vector_load %arg11[%swap3A_67] {strides = array<i32>} : memref<256xi32, #tpu.memory_space<vmem>>, vector<16xi32>,
    tpu.vector_store %arg11[%swap3A_67], %broadcast_in_dim3A_1 {strides = array<i32>} : memref<256xi32, #tpu.memory_space<vmem>>, vector<16xi32>,
    %swap3A_69 = arith.constant 144 : index
    %swap3A_70 = tpu.vector_load %arg11[%swap3A_69] {strides = array<i32>} : memref<256xi32, #tpu.memory_space<vmem>>, vector<16xi32>,
    tpu.vector_store %arg11[%swap3A_69], %broadcast_in_dim3A_1 {strides = array<i32>} : memref<256xi32, #tpu.memory_space<vmem>>, vector<16xi32>,
    %swap3A_71 = arith.constant 160 : index
    %swap3A_72 = tpu.vector_load %arg11[%swap3A_71] {strides = array<i32>} : memref<256xi32, #tpu.memory_space<vmem>>, vector<16xi32>,
    tpu.vector_store %arg11[%swap3A_71], %broadcast_in_dim3A_1 {strides = array<i32>} : memref<256xi32, #tpu.memory_space<vmem>>, vector<16xi32>,
    %swap3A_73 = arith.constant 176 : index
    %swap3A_74 = tpu.vector_load %arg11[%swap3A_73] {strides = array<i32>} : memref<256xi32, #tpu.memory_space<vmem>>, vector<16xi32>,
    tpu.vector_store %arg11[%swap3A_73], %broadcast_in_dim3A_1 {strides = array<i32>} : memref<256xi32, #tpu.memory_space<vmem>>, vector<16xi32>,
    %swap3A_75 = arith.constant 192 : index
    %swap3A_76 = tpu.vector_load %arg11[%swap3A_75] {strides = array<i32>} : memref<256xi32, #tpu.memory_space<vmem>>, vector<16xi32>,
    tpu.vector_store %arg11[%swap3A_75], %broadcast_in_dim3A_1 {strides = array<i32>} : memref<256xi32, #tpu.memory_space<vmem>>, vector<16xi32>,
    %swap3A_77 = arith.constant 208 : index
    %swap3A_78 = tpu.vector_load %arg11[%swap3A_77] {strides = array<i32>} : memref<256xi32, #tpu.memory_space<vmem>>, vector<16xi32>,
    tpu.vector_store %arg11[%swap3A_77], %broadcast_in_dim3A_1 {strides = array<i32>} : memref<256xi32, #tpu.memory_space<vmem>>, vector<16xi32>,
    %swap3A_79 = arith.constant 224 : index
    %swap3A_80 = tpu.vector_load %arg11[%swap3A_79] {strides = array<i32>} : memref<256xi32, #tpu.memory_space<vmem>>, vector<16xi32>,
    tpu.vector_store %arg11[%swap3A_79], %broadcast_in_dim3A_1 {strides = array<i32>} : memref<256xi32, #tpu.memory_space<vmem>>, vector<16xi32>,
    %swap3A_81 = arith.constant 240 : index
    %swap3A_82 = tpu.vector_load %arg11[%swap3A_81] {strides = array<i32>} : memref<256xi32, #tpu.memory_space<vmem>>, vector<16xi32>,
    tpu.vector_store %arg11[%swap3A_81], %broadcast_in_dim3A_1 {strides = array<i32>} : memref<256xi32, #tpu.memory_space<vmem>>, vector<16xi32>,
    %scan3A_83 = arith.constant 0 : i32
    %scan3A_84 = arith.constant 0 : i32
    %scan3A_85 = arith.constant 256 : i32
    %scan3A_86 = arith.addi %scan3A_84, %scan3A_85 : i32
    %scan3A_87 = arith.constant 1 : i32
    scf.for %scan3A_102 = %scan3A_84 to %scan3A_86 step %scan3A_87  : i32 {
      %mul3A_103 = arith.constant 16 : i32
      %mul3A_104 = arith.muli %scan3A_102, %mul3A_103 : i32
      %get3A = arith.index_cast %mul3A_104 : i32 to index
      %get3A_105 = tpu.vector_load %arg8[%get3A] {strides = array<i32>} : memref<4096xi32, #tpu.memory_space<vmem>>, vector<16xi32>,
      %broadcast_in_dim3A_106 = arith.constant true
      %broadcast_in_dim3A_107 = vector.broadcast %broadcast_in_dim3A_106 : i1 to vector<16xi1>
      %unique3A, %unique3A_108 = tpu.scan_count mask(%broadcast_in_dim3A_107 : vector<16xi1>) value(%get3A_105 : vector<16xi32>) : vector<16xi1>, vector<16xi32>
      tpu.vector_store_idx %arg11[%get3A_105], %unique3A_108 masked %unique3A {add = true} : memref<256xi32, #tpu.memory_space<vmem>>[vector<16xi32>], vector<16xi32>, vector<16xi1>
    }
    %scan3A_88 = arith.constant 256 : i32
    %scan3A_89 = arith.constant 0 : i32
    %scan3A_90 = arith.constant 0 : i32
    %scan3A_91 = arith.constant 16 : i32
    %scan3A_92 = arith.addi %scan3A_90, %scan3A_91 : i32
    %scan3A_93 = arith.constant 1 : i32
    %scan3A_94 = scf.for %scan3A_102 = %scan3A_90 to %scan3A_92 step %scan3A_93 iter_args(%scan3A_103 = %scan3A_89) -> (i32)  : i32 {
      %mul3A_104 = arith.constant 16 : i32
      %mul3A_105 = arith.muli %scan3A_102, %mul3A_104 : i32
      %get3A = arith.index_cast %mul3A_105 : i32 to index
      %get3A_106 = tpu.vector_load %arg12[%get3A] {strides = array<i32>} : memref<256xi32, #tpu.memory_space<vmem>>, vector<16xi32>,
      %gather3A = tpu.vector_load_idx %arg11[%get3A_106] : memref<256xi32, #tpu.memory_space<vmem>>[vector<16xi32>], vector<16xi32>,
      %broadcast_in_dim3A_107 = arith.constant true
      %broadcast_in_dim3A_108 = vector.broadcast %broadcast_in_dim3A_107 : i1 to vector<16xi1>
      %masked_cumsum3A = tpu.scan <sum>, %gather3A masked %broadcast_in_dim3A_108 : vector<16xi32>, vector<16xi1> -> vector<16xi32>
      %add3A_109 = vector.broadcast %scan3A_103 : i32 to vector<16xi32>
      %add3A_110 = arith.addi %add3A_109, %masked_cumsum3A : vector<16xi32>
      %sub3A = arith.subi %add3A_110, %gather3A : vector<16xi32>
      tpu.vector_store_idx %arg11[%get3A_106], %sub3A : memref<256xi32, #tpu.memory_space<vmem>>[vector<16xi32>], vector<16xi32>,
      %reduce_sum3A = arith.constant true
      %reduce_sum3A_111 = vector.broadcast %reduce_sum3A : i1 to vector<16xi1>
      %reduce_sum3A_112 = tpu.scan <sum>, %gather3A masked %reduce_sum3A_111 : vector<16xi32>, vector<16xi1> -> vector<16xi32>
      %reduce_sum3A_113 = vector.extract %reduce_sum3A_112[15] : i32 from vector<16xi32>
      %add3A_114 = arith.addi %scan3A_103, %reduce_sum3A_113 : i32
      scf.yield %add3A_114 : i32
    }
    %scan3A_95 = arith.constant 16 : i32
    %scan3A_96 = arith.constant 0 : i32
    %scan3A_97 = arith.constant 0 : i32
    %scan3A_98 = arith.constant 256 : i32
    %scan3A_99 = arith.addi %scan3A_97, %scan3A_98 : i32
    %scan3A_100 = arith.constant 1 : i32
    scf.for %scan3A_102 = %scan3A_97 to %scan3A_99 step %scan3A_100  : i32 {
      %mul3A_103 = arith.constant 16 : i32
      %mul3A_104 = arith.muli %scan3A_102, %mul3A_103 : i32
      %get3A = arith.index_cast %mul3A_104 : i32 to index
      %get3A_105 = tpu.vector_load %arg8[%get3A] {strides = array<i32>} : memref<4096xi32, #tpu.memory_space<vmem>>, vector<16xi32>,
      %broadcast_in_dim3A_106 = arith.constant true
      %broadcast_in_dim3A_107 = vector.broadcast %broadcast_in_dim3A_106 : i1 to vector<16xi1>
      %unique3A, %unique3A_108 = tpu.scan_count mask(%broadcast_in_dim3A_107 : vector<16xi1>) value(%get3A_105 : vector<16xi32>) : vector<16xi1>, vector<16xi32>
      %gather3A = tpu.vector_load_idx %arg11[%get3A_105] : memref<256xi32, #tpu.memory_space<vmem>>[vector<16xi32>], vector<16xi32>,
      %add3A_109 = arith.addi %gather3A, %unique3A_108 : vector<16xi32>
      %sub3A = arith.constant 1 : i32
      %sub3A_110 = vector.broadcast %sub3A : i32 to vector<16xi32>
      %sub3A_111 = arith.subi %add3A_109, %sub3A_110 : vector<16xi32>
      %add3A_112 = vector.broadcast %mul3A_104 : i32 to vector<16xi32>
      %add3A_113 = arith.addi %iota3A, %add3A_112 : vector<16xi32>
      tpu.vector_store_idx %arg9[%sub3A_111], %add3A_113 : memref<4096xi32, #tpu.memory_space<vmem>>[vector<16xi32>], vector<16xi32>,
      %swap3A_114 = arith.index_cast %mul3A_104 : i32 to index
      %swap3A_115 = tpu.vector_load %arg10[%swap3A_114] {strides = array<i32>} : memref<4096xi32, #tpu.memory_space<vmem>>, vector<16xi32>,
      tpu.vector_store %arg10[%swap3A_114], %sub3A_111 {strides = array<i32>} : memref<4096xi32, #tpu.memory_space<vmem>>, vector<16xi32>,
      %add3A_116 = arith.addi %gather3A, %unique3A_108 : vector<16xi32>
      tpu.vector_store_idx %arg11[%get3A_105], %add3A_116 masked %unique3A : memref<256xi32, #tpu.memory_space<vmem>>[vector<16xi32>], vector<16xi32>, vector<16xi1>
    }
    %scan3A_101 = arith.constant 256 : i32
    "tpu.region"() ({
      %run_scoped3A = tpu.sem_alloc : memref<!tpu.dma_semaphore, #tpu.memory_space<semaphore_mem>>
      %dma_start3A = arith.constant 0 : i32
      %dma_start3A_102 = tpu.memref_slice %arg5[%add3A, %dma_start3A] : memref<32x4096xi32, #tpu.memory_space<hbm>> -> memref<1x4096xi32, #tpu.memory_space<hbm>>
      %dma_start3A_103 = tpu.memref_squeeze %dma_start3A_102 : memref<1x4096xi32, #tpu.memory_space<hbm>> -> memref<4096xi32, #tpu.memory_space<hbm>>
      %dma_start3A_104 = arith.constant 0 : i32
      %dma_start3A_105 = tpu.memref_slice %arg5[%add3A, %dma_start3A_104] : memref<32x4096xi32, #tpu.memory_space<hbm>> -> memref<1x4096xi32, #tpu.memory_space<hbm>>
      %dma_start3A_106 = tpu.memref_squeeze %dma_start3A_105 : memref<1x4096xi32, #tpu.memory_space<hbm>> -> memref<4096xi32, #tpu.memory_space<hbm>>
      tpu.enqueue_dma source(%arg9 : memref<4096xi32, #tpu.memory_space<vmem>>) target(%dma_start3A_106 : memref<4096xi32, #tpu.memory_space<hbm>>) target_semaphore(%run_scoped3A : memref<!tpu.dma_semaphore, #tpu.memory_space<semaphore_mem>>)
      %dma_wait3A = arith.constant 0 : i32
      %dma_wait3A_107 = tpu.memref_slice %arg5[%add3A, %dma_wait3A] : memref<32x4096xi32, #tpu.memory_space<hbm>> -> memref<1x4096xi32, #tpu.memory_space<hbm>>
      %dma_wait3A_108 = tpu.memref_squeeze %dma_wait3A_107 : memref<1x4096xi32, #tpu.memory_space<hbm>> -> memref<4096xi32, #tpu.memory_space<hbm>>
      %dma_wait3A_109 = arith.constant 0 : i32
      %dma_wait3A_110 = tpu.memref_slice %arg5[%add3A, %dma_wait3A_109] : memref<32x4096xi32, #tpu.memory_space<hbm>> -> memref<1x4096xi32, #tpu.memory_space<hbm>>
      %dma_wait3A_111 = tpu.memref_squeeze %dma_wait3A_110 : memref<1x4096xi32, #tpu.memory_space<hbm>> -> memref<4096xi32, #tpu.memory_space<hbm>>
      tpu.wait_dma2 semaphore(%run_scoped3A : memref<!tpu.dma_semaphore, #tpu.memory_space<semaphore_mem>>) src(%arg9 : memref<4096xi32, #tpu.memory_space<vmem>>) dst(%dma_wait3A_111 : memref<4096xi32, #tpu.memory_space<hbm>>)
      tpu.yield
    }) : () -> ()
    "tpu.region"() ({
      %run_scoped3A = tpu.sem_alloc : memref<!tpu.dma_semaphore, #tpu.memory_space<semaphore_mem>>
      %dma_start3A = arith.constant 0 : i32
      %dma_start3A_102 = tpu.memref_slice %arg7[%add3A, %dma_start3A] : memref<32x4096xi32, #tpu.memory_space<hbm>> -> memref<1x4096xi32, #tpu.memory_space<hbm>>
      %dma_start3A_103 = tpu.memref_squeeze %dma_start3A_102 : memref<1x4096xi32, #tpu.memory_space<hbm>> -> memref<4096xi32, #tpu.memory_space<hbm>>
      %dma_start3A_104 = arith.constant 0 : i32
      %dma_start3A_105 = tpu.memref_slice %arg7[%add3A, %dma_start3A_104] : memref<32x4096xi32, #tpu.memory_space<hbm>> -> memref<1x4096xi32, #tpu.memory_space<hbm>>
      %dma_start3A_106 = tpu.memref_squeeze %dma_start3A_105 : memref<1x4096xi32, #tpu.memory_space<hbm>> -> memref<4096xi32, #tpu.memory_space<hbm>>
      tpu.enqueue_dma source(%arg10 : memref<4096xi32, #tpu.memory_space<vmem>>) target(%dma_start3A_106 : memref<4096xi32, #tpu.memory_space<hbm>>) target_semaphore(%run_scoped3A : memref<!tpu.dma_semaphore, #tpu.memory_space<semaphore_mem>>)
      %dma_wait3A = arith.constant 0 : i32
      %dma_wait3A_107 = tpu.memref_slice %arg7[%add3A, %dma_wait3A] : memref<32x4096xi32, #tpu.memory_space<hbm>> -> memref<1x4096xi32, #tpu.memory_space<hbm>>
      %dma_wait3A_108 = tpu.memref_squeeze %dma_wait3A_107 : memref<1x4096xi32, #tpu.memory_space<hbm>> -> memref<4096xi32, #tpu.memory_space<hbm>>
      %dma_wait3A_109 = arith.constant 0 : i32
      %dma_wait3A_110 = tpu.memref_slice %arg7[%add3A, %dma_wait3A_109] : memref<32x4096xi32, #tpu.memory_space<hbm>> -> memref<1x4096xi32, #tpu.memory_space<hbm>>
      %dma_wait3A_111 = tpu.memref_squeeze %dma_wait3A_110 : memref<1x4096xi32, #tpu.memory_space<hbm>> -> memref<4096xi32, #tpu.memory_space<hbm>>
      tpu.wait_dma2 semaphore(%run_scoped3A : memref<!tpu.dma_semaphore, #tpu.memory_space<semaphore_mem>>) src(%arg10 : memref<4096xi32, #tpu.memory_space<vmem>>) dst(%dma_wait3A_111 : memref<4096xi32, #tpu.memory_space<hbm>>)
      tpu.yield
    }) : () -> ()
    return
  }
}

module attributes {stable_mosaic.version = 14 : i64} {
  func.func @_attn_body(%arg0: i32, %arg1: i32, %arg2: memref<1x256x64xf32, #tpu.memory_space<vmem>>, %arg3: memref<1x256x64xf32, #tpu.memory_space<vmem>>, %arg4: memref<1x256x64xf32, #tpu.memory_space<vmem>>, %arg5: memref<1x256x64xf32, #tpu.memory_space<vmem>>, %arg6: memref<1x256x64xf32, #tpu.memory_space<vmem>>, %arg7: memref<1x1x256xi32, #tpu.memory_space<vmem>>, %arg8: memref<1x256x64xf32, #tpu.memory_space<vmem>>) attributes {dimension_semantics = [#tpu.dimension_semantics<arbitrary>, #tpu.dimension_semantics<arbitrary>], iteration_bounds = array<i64: 32, 16>, scalar_prefetch = 0 : i64, scratch_operands = 0 : i64, tpu.core_type = #tpu.core_type<tc>, window_params = [{transform_indices = @transform_0, window_bounds = array<i64: 1, 256, 64>}, {transform_indices = @transform_1, window_bounds = array<i64: 1, 256, 64>}, {transform_indices = @transform_2, window_bounds = array<i64: 1, 256, 64>}, {transform_indices = @transform_3, window_bounds = array<i64: 1, 256, 64>}, {transform_indices = @transform_4, window_bounds = array<i64: 1, 256, 64>}, {transform_indices = @transform_5, window_bounds = array<i64: 1, 1, 256>}, {transform_indices = @transform_6, window_bounds = array<i64: 1, 256, 64>}]} {
    %get3A = arith.constant 0 : index
    %get3A_0 = arith.constant 0 : index
    %get3A_1 = arith.constant 0 : index
    %get3A_2 = vector.load %arg2[%get3A, %get3A_0, %get3A_1] : memref<1x256x64xf32, #tpu.memory_space<vmem>>, vector<1x256x64xf32>
    %get3A_3 = vector.shape_cast %get3A_2 : vector<1x256x64xf32> to vector<256x64xf32>
    %get3A_4 = arith.constant 0 : index
    %get3A_5 = arith.constant 0 : index
    %get3A_6 = arith.constant 0 : index
    %get3A_7 = vector.load %arg3[%get3A_4, %get3A_5, %get3A_6] : memref<1x256x64xf32, #tpu.memory_space<vmem>>, vector<1x256x64xf32>
    %get3A_8 = vector.shape_cast %get3A_7 : vector<1x256x64xf32> to vector<256x64xf32>
    %get3A_9 = arith.constant 0 : index
    %get3A_10 = arith.constant 0 : index
    %get3A_11 = arith.constant 0 : index
    %get3A_12 = vector.load %arg4[%get3A_9, %get3A_10, %get3A_11] : memref<1x256x64xf32, #tpu.memory_space<vmem>>, vector<1x256x64xf32>
    %get3A_13 = vector.shape_cast %get3A_12 : vector<1x256x64xf32> to vector<256x64xf32>
    %get3A_14 = arith.constant 0 : index
    %get3A_15 = arith.constant 0 : index
    %get3A_16 = arith.constant 0 : index
    %get3A_17 = vector.load %arg5[%get3A_14, %get3A_15, %get3A_16] : memref<1x256x64xf32, #tpu.memory_space<vmem>>, vector<1x256x64xf32>
    %get3A_18 = vector.shape_cast %get3A_17 : vector<1x256x64xf32> to vector<256x64xf32>
    %get3A_19 = arith.constant 0 : index
    %get3A_20 = arith.constant 0 : index
    %get3A_21 = arith.constant 0 : index
    %get3A_22 = vector.load %arg6[%get3A_19, %get3A_20, %get3A_21] : memref<1x256x64xf32, #tpu.memory_space<vmem>>, vector<1x256x64xf32>
    %get3A_23 = vector.shape_cast %get3A_22 : vector<1x256x64xf32> to vector<256x64xf32>
    %get3A_24 = arith.constant 0 : index
    %get3A_25 = arith.constant 0 : index
    %get3A_26 = arith.constant 0 : index
    %get3A_27 = vector.load %arg7[%get3A_24, %get3A_25, %get3A_26] : memref<1x1x256xi32, #tpu.memory_space<vmem>>, vector<1x1x256xi32>
    %get3A_28 = vector.shape_cast %get3A_27 : vector<1x1x256xi32> to vector<256xi32>
    %dot_general3A = arith.constant dense<0.000000e+00> : vector<256x256xf32>
    %dot_general3A_29 = tpu.matmul %get3A_3, %get3A_8, %dot_general3A {dimension_numbers = #tpu.dot_dimension_numbers<[1], [1], [0], [0], [0, 0, 1, 0], [], []>, transpose_lhs_hint = false} : vector<256x64xf32>, vector<256x64xf32>, vector<256x256xf32> -> vector<256x256xf32>
    %mul3A = arith.constant 1.250000e-01 : f32
    %mul3A_30 = vector.broadcast %mul3A : f32 to vector<256x256xf32>
    %mul3A_31 = arith.mulf %dot_general3A_29, %mul3A_30 : vector<256x256xf32>
    %reduce_max3A = arith.constant dense<0xFF800000> : vector<256xf32>
    %reduce_max3A_32 = vector.multi_reduction <maximumf>, %mul3A_31, %reduce_max3A [1] : vector<256x256xf32> to vector<256xf32>
    %broadcast_in_dim3A = vector.shape_cast %reduce_max3A_32 : vector<256xf32> to vector<256x1xf32>
    %sub3A = vector.broadcast %broadcast_in_dim3A : vector<256x1xf32> to vector<256x256xf32>
    %sub3A_33 = arith.subf %mul3A_31, %sub3A : vector<256x256xf32>
    %exp3A = math.exp %sub3A_33 : vector<256x256xf32>
    %reduce_sum3A = arith.constant dense<0.000000e+00> : vector<256xf32>
    %reduce_sum3A_34 = vector.multi_reduction <add>, %exp3A, %reduce_sum3A [1] : vector<256x256xf32> to vector<256xf32>
    %broadcast_in_dim3A_35 = vector.shape_cast %reduce_sum3A_34 : vector<256xf32> to vector<256x1xf32>
    %log3A = math.log %broadcast_in_dim3A_35 : vector<256x1xf32>
    %add3A = arith.addf %broadcast_in_dim3A, %log3A : vector<256x1xf32>
    %div3A = vector.broadcast %broadcast_in_dim3A_35 : vector<256x1xf32> to vector<256x256xf32>
    %div3A_36 = arith.divf %exp3A, %div3A : vector<256x256xf32>
    %dot_general3A_37 = arith.constant dense<0.000000e+00> : vector<256x64xf32>
    %dot_general3A_38 = tpu.matmul %div3A_36, %get3A_13, %dot_general3A_37 {dimension_numbers = #tpu.dot_dimension_numbers<[1], [0], [0], [1], [0, 0, 1, 1], [], []>, transpose_lhs_hint = false} : vector<256x256xf32>, vector<256x64xf32>, vector<256x64xf32> -> vector<256x64xf32>
    %dot_general3A_39 = arith.constant dense<0.000000e+00> : vector<256x256xf32>
    %dot_general3A_40 = tpu.matmul %get3A_3, %get3A_18, %dot_general3A_39 {dimension_numbers = #tpu.dot_dimension_numbers<[1], [1], [0], [0], [0, 0, 1, 0], [], []>, transpose_lhs_hint = false} : vector<256x64xf32>, vector<256x64xf32>, vector<256x256xf32> -> vector<256x256xf32>
    %mul3A_41 = arith.constant 1.250000e-01 : f32
    %mul3A_42 = vector.broadcast %mul3A_41 : f32 to vector<256x256xf32>
    %mul3A_43 = arith.mulf %dot_general3A_40, %mul3A_42 : vector<256x256xf32>
    %jit3A = arith.constant 256 : i32
    %div3A_44 = vector.broadcast %jit3A : i32 to vector<256xi32>
    %div3A_45 = arith.divsi %get3A_28, %div3A_44 : vector<256xi32>
    %sign3A = arith.constant 0 : i32
    %sign3A_46 = vector.broadcast %sign3A : i32 to vector<256xi32>
    %sign3A_47 = arith.cmpi sgt, %get3A_28, %sign3A_46 : vector<256xi32>
    %sign3A_48 = arith.extui %sign3A_47 : vector<256xi1> to vector<256xi32>
    %sign3A_49 = arith.constant 0 : i32
    %sign3A_50 = vector.broadcast %sign3A_49 : i32 to vector<256xi32>
    %sign3A_51 = arith.cmpi slt, %get3A_28, %sign3A_50 : vector<256xi32>
    %sign3A_52 = arith.extui %sign3A_51 : vector<256xi1> to vector<256xi32>
    %sign3A_53 = arith.subi %sign3A_48, %sign3A_52 : vector<256xi32>
    %sign3A_54 = arith.constant 0 : i32
    %sign3A_55 = arith.cmpi sgt, %jit3A, %sign3A_54 : i32
    %sign3A_56 = arith.extui %sign3A_55 : i1 to i32
    %sign3A_57 = arith.constant 0 : i32
    %sign3A_58 = arith.cmpi slt, %jit3A, %sign3A_57 : i32
    %sign3A_59 = arith.extui %sign3A_58 : i1 to i32
    %sign3A_60 = arith.subi %sign3A_56, %sign3A_59 : i32
    %ne3A = vector.broadcast %sign3A_60 : i32 to vector<256xi32>
    %ne3A_61 = arith.cmpi ne, %sign3A_53, %ne3A : vector<256xi32>
    %rem3A = vector.broadcast %jit3A : i32 to vector<256xi32>
    %rem3A_62 = arith.remsi %get3A_28, %rem3A : vector<256xi32>
    %ne3A_63 = arith.constant 0 : i32
    %ne3A_64 = vector.broadcast %ne3A_63 : i32 to vector<256xi32>
    %ne3A_65 = arith.cmpi ne, %rem3A_62, %ne3A_64 : vector<256xi32>
    %and3A = arith.andi %ne3A_61, %ne3A_65 : vector<256xi1>
    %sub3A_66 = arith.constant 1 : i32
    %sub3A_67 = vector.broadcast %sub3A_66 : i32 to vector<256xi32>
    %sub3A_68 = arith.subi %div3A_45, %sub3A_67 : vector<256xi32>
    %select_n3A = arith.select %and3A, %sub3A_68, %div3A_45 : vector<256xi1>, vector<256xi32>
    %eq3A = vector.broadcast %arg1 : i32 to vector<256xi32>
    %eq3A_69 = arith.cmpi eq, %select_n3A, %eq3A : vector<256xi32>
    %jit3A_70 = arith.constant -3.40282347E+38 : f32
    %jit3A_71 = arith.constant 0.000000e+00 : f32
    %broadcast_in_dim3A_72 = vector.broadcast %jit3A_70 : f32 to vector<256xf32>
    %broadcast_in_dim3A_73 = vector.broadcast %jit3A_71 : f32 to vector<256xf32>
    %select_n3A_74 = arith.select %eq3A_69, %broadcast_in_dim3A_72, %broadcast_in_dim3A_73 : vector<256xi1>, vector<256xf32>
    %broadcast_in_dim3A_75 = vector.shape_cast %select_n3A_74 : vector<256xf32> to vector<1x256xf32>
    %add3A_76 = vector.broadcast %broadcast_in_dim3A_75 : vector<1x256xf32> to vector<256x256xf32>
    %add3A_77 = arith.addf %mul3A_43, %add3A_76 : vector<256x256xf32>
    %reduce_max3A_78 = arith.constant dense<0xFF800000> : vector<256xf32>
    %reduce_max3A_79 = vector.multi_reduction <maximumf>, %add3A_77, %reduce_max3A_78 [1] : vector<256x256xf32> to vector<256xf32>
    %broadcast_in_dim3A_80 = vector.shape_cast %reduce_max3A_79 : vector<256xf32> to vector<256x1xf32>
    %sub3A_81 = vector.broadcast %broadcast_in_dim3A_80 : vector<256x1xf32> to vector<256x256xf32>
    %sub3A_82 = arith.subf %add3A_77, %sub3A_81 : vector<256x256xf32>
    %exp3A_83 = math.exp %sub3A_82 : vector<256x256xf32>
    %reduce_sum3A_84 = arith.constant dense<0.000000e+00> : vector<256xf32>
    %reduce_sum3A_85 = vector.multi_reduction <add>, %exp3A_83, %reduce_sum3A_84 [1] : vector<256x256xf32> to vector<256xf32>
    %broadcast_in_dim3A_86 = vector.shape_cast %reduce_sum3A_85 : vector<256xf32> to vector<256x1xf32>
    %log3A_87 = math.log %broadcast_in_dim3A_86 : vector<256x1xf32>
    %add3A_88 = arith.addf %broadcast_in_dim3A_80, %log3A_87 : vector<256x1xf32>
    %log3A_89 = arith.constant 1.600000e+01 : f32
    %log3A_90 = math.log %log3A_89 : f32
    %add3A_91 = vector.broadcast %log3A_90 : f32 to vector<256x1xf32>
    %add3A_92 = arith.addf %add3A_88, %add3A_91 : vector<256x1xf32>
    %div3A_93 = vector.broadcast %broadcast_in_dim3A_86 : vector<256x1xf32> to vector<256x256xf32>
    %div3A_94 = arith.divf %exp3A_83, %div3A_93 : vector<256x256xf32>
    %dot_general3A_95 = arith.constant dense<0.000000e+00> : vector<256x64xf32>
    %dot_general3A_96 = tpu.matmul %div3A_94, %get3A_23, %dot_general3A_95 {dimension_numbers = #tpu.dot_dimension_numbers<[1], [0], [0], [1], [0, 0, 1, 1], [], []>, transpose_lhs_hint = false} : vector<256x256xf32>, vector<256x64xf32>, vector<256x64xf32> -> vector<256x64xf32>
    %sub3A_97 = arith.subf %add3A_92, %add3A : vector<256x1xf32>
    %exp3A_98 = math.exp %sub3A_97 : vector<256x1xf32>
    %add3A_99 = arith.constant 1.000000e+00 : f32
    %add3A_100 = vector.broadcast %add3A_99 : f32 to vector<256x1xf32>
    %add3A_101 = arith.addf %add3A_100, %exp3A_98 : vector<256x1xf32>
    %div3A_102 = arith.constant 1.000000e+00 : f32
    %div3A_103 = vector.broadcast %div3A_102 : f32 to vector<256x1xf32>
    %div3A_104 = arith.divf %div3A_103, %add3A_101 : vector<256x1xf32>
    %mul3A_105 = vector.broadcast %div3A_104 : vector<256x1xf32> to vector<256x64xf32>
    %mul3A_106 = arith.mulf %mul3A_105, %dot_general3A_38 : vector<256x64xf32>
    %sub3A_107 = arith.constant 1.000000e+00 : f32
    %sub3A_108 = vector.broadcast %sub3A_107 : f32 to vector<256x1xf32>
    %sub3A_109 = arith.subf %sub3A_108, %div3A_104 : vector<256x1xf32>
    %mul3A_110 = vector.broadcast %sub3A_109 : vector<256x1xf32> to vector<256x64xf32>
    %mul3A_111 = arith.mulf %mul3A_110, %dot_general3A_96 : vector<256x64xf32>
    %add3A_112 = arith.addf %mul3A_106, %mul3A_111 : vector<256x64xf32>
    %swap3A = arith.constant 0 : index
    %swap3A_113 = arith.constant 0 : index
    %swap3A_114 = arith.constant 0 : index
    %swap3A_115 = vector.load %arg8[%swap3A, %swap3A_113, %swap3A_114] : memref<1x256x64xf32, #tpu.memory_space<vmem>>, vector<1x256x64xf32>
    %swap3A_116 = vector.shape_cast %swap3A_115 : vector<1x256x64xf32> to vector<256x64xf32>
    %swap3A_117 = vector.shape_cast %add3A_112 : vector<256x64xf32> to vector<1x256x64xf32>
    tpu.vector_store %arg8[%swap3A, %swap3A_113, %swap3A_114], %swap3A_117 {strides = array<i32>} : memref<1x256x64xf32, #tpu.memory_space<vmem>>, vector<1x256x64xf32>,
    return
  }
  func.func @transform_0(%arg0: i32, %arg1: i32) -> (i32, i32, i32) {
    %c0_i32 = arith.constant 0 : i32
    %c0_i32_0 = arith.constant 0 : i32
    return %arg0, %arg1, %c0_i32 : i32, i32, i32
  }
  func.func @transform_1(%arg0: i32, %arg1: i32) -> (i32, i32, i32) {
    %c0_i32 = arith.constant 0 : i32
    %c0_i32_0 = arith.constant 0 : i32
    return %arg0, %arg1, %c0_i32 : i32, i32, i32
  }
  func.func @transform_2(%arg0: i32, %arg1: i32) -> (i32, i32, i32) {
    %c0_i32 = arith.constant 0 : i32
    %c0_i32_0 = arith.constant 0 : i32
    return %arg0, %arg1, %c0_i32 : i32, i32, i32
  }
  func.func @transform_3(%arg0: i32, %arg1: i32) -> (i32, i32, i32) {
    %c0_i32 = arith.constant 0 : i32
    %c0_i32_0 = arith.constant 0 : i32
    %c0_i32_1 = arith.constant 0 : i32
    return %arg0, %c0_i32, %c0_i32_0 : i32, i32, i32
  }
  func.func @transform_4(%arg0: i32, %arg1: i32) -> (i32, i32, i32) {
    %c0_i32 = arith.constant 0 : i32
    %c0_i32_0 = arith.constant 0 : i32
    %c0_i32_1 = arith.constant 0 : i32
    return %arg0, %c0_i32, %c0_i32_0 : i32, i32, i32
  }
  func.func @transform_5(%arg0: i32, %arg1: i32) -> (i32, i32, i32) {
    %c0_i32 = arith.constant 0 : i32
    %c0_i32_0 = arith.constant 0 : i32
    %c0_i32_1 = arith.constant 0 : i32
    return %arg0, %c0_i32, %c0_i32_0 : i32, i32, i32
  }
  func.func @transform_6(%arg0: i32, %arg1: i32) -> (i32, i32, i32) {
    %c0_i32 = arith.constant 0 : i32
    %c0_i32_0 = arith.constant 0 : i32
    return %arg0, %arg1, %c0_i32 : i32, i32, i32
  }
}

</mosaic_0001>

<sc_bundles>
// kernel: gather_offload_async_start.1
scs
__scs_entry_jumppad:
0x0: {  	(pc) =	sbr.rel $0x88, $3  }
0x1: {  	(tag) =	ssettag $0x0;
	lr =	simm.s32 $0x1  }
0x2: {  	[smem:$0x3F9C] =	sst lr;
	_ =	strace $0xD0000000  }
0x3: {  	_ = 	snop  }
0x4: {  	_ = 	snop  }
0x5: {  	_ = 	snop  }
0x6: {  	_ = 	snop  }
0x7: {  	_ = 	snop  }
__scs_overlays_trampoline_lowered:
0x8: {  	[smem:$0x3FAB] =	sst s0  }
0x9: {  	[smem:$0x3FAC] =	sst s1  }
0xa: {  	[smem:$0x3FAD] =	sst s2  }
0xb: {  	[smem:$0x3FAE] =	sst s3  }
0xc: {  	[smem:$0x3FAF] =	sst s4  }
0xd: {  	[smem:$0x3FB0] =	sst s5  }
0xe: {  	[smem:$0x3FB1] =	sst s6  }
0xf: {  	[smem:$0x3FB2] =	sst s7  }
0x10: {  	[smem:$0x3FB3] =	sst s8  }
0x11: {  	[smem:$0x3FB4] =	sst s9;
	s0 =	simm.s32 @!p0 $0x0  }
0x12: {  	s1 =	sld [smem:$0x3F9A];
	s0 =	simm.s32 @p0 $0x1  }
0x13: {  	[smem:$0x3FB5] =	sst s0;
	s0 =	simm.s32 @!p1 $0x0  }
0x14: {  	s2 =	sld [smem:$0x3F99];
	s0 =	simm.s32 @p1 $0x1  }
0x15: {  	[smem:$0x3FB6] =	sst s0;
	s0 =	simm.s32 @!p2 $0x0  }
0x16: {  	s3 =	sld [smem:$0x3FDB];
	s0 =	simm.s32 @p2 $0x1  }
0x17: {  	s4 =	simm.s32 $0x1BF5;
	[smem:$0x3FB8] =	sst s0  }
0x18: {  	s0 =	sld [smem:$0x3F9B];
	_ =	swait.ge [sflag:s4], $0x0  }
0x19: {  	s7 =	sld [smem:$0x3F9C]  }
0x1a: {  	s8 =	sadd.s32 $0xFFFFE003, lr  }
0x1b: {  	s9 =	sadd.s32 $0xFFFFFEF7, lr;
	s5 =	simm.s32 $0xFFFFFFFF;
	p2 =	slt.u32 s8, $0xFFFFF086  }
0x1c: {  	p1 =	slt.u32 s9, $0xF7A;
	s5 =	simm.s32 @!p2 $0x0  }
0x1d: {  	s5 =	simm.s32 @p1 $0x1;
	p0 =	seq.s32 s7, s2  }
0x1e: {  	s7 =	smul.u32 @!p0 $0xF7A, s2;
	p2 =	seq.s32 @!p0 s5, $0x0  }
0x1f: {  	s9 =	smul.u32 $0xF7A, s1;
	s8 =	simm.s32 @!p0 $0x1BF5;
	p2 =	por !p2, p0  }
0x20: {  	[sflag:s8] =	ssyncset.s32 @!p0 $0xFFFFF086;
	s6 =	sadd.s32 @!p0 s3, s7;
	s7 =	simm.s32 @!p0 $0x108  }
0x21: {  	s3 =	sadd.s32 s3, s9;
	s6 =	sadd.s32 @!p0 $0x88, s6;
	s7 =	simm.s32 @p2 $0x1082  }
0x22: {  	[simem:s7], [sflag:s8] =	dma.local @!p0 [hbm:s6], $0xF7A  }
0x23: {  	s9 =	sor.u32 $0xD0000000, s2;
	s6 =	simm.s32 $0x108;
	_ =	swait.ge @!p0 [sflag:s8], $0x0  }
0x24: {  	s3 =	sadd.s32 $0x88, s3;
	s6 =	simm.s32 @!p1 $0x1082;
	[sflag:s4] =	ssyncset.s32 $0xFFFFF086  }
0x25: {  	[simem:s6], [sflag:s4] =	dma.local [hbm:s3], $0xF7A  }
0x26: {  	[smem:$0x3F9C] =	sst s1;
	(tag) =	ssettag s2;
	_ =	strace s9  }
0x27: {  	s1 =	sld [smem:$0x3FAC]  }
0x28: {  	s2 =	sld [smem:$0x3FAD]  }
0x29: {  	s4 =	sld [smem:$0x3FAF]  }
0x2a: {  	p0 =	seq.s32 s5, $0x0;
	s5 =	sld [smem:$0x3FB0]  }
0x2b: {  	s6 =	sld [smem:$0x3FB1]  }
0x2c: {  	s7 =	sld [smem:$0x3FB2]  }
0x2d: {  	s3 =	simm.s32 $0x108;
	s8 =	sld [smem:$0x3FB3]  }
0x2e: {  	s3 =	simm.s32 @!p0 $0x1082;
	s9 =	sld [smem:$0x3FB4]  }
0x2f: {  	lr =	sadd.s32 s0, s3;
	s0 =	sld [smem:$0x3FAB]  }
0x30: {  	s3 =	sld [smem:$0x3FAE]  }
0x31: {  	[smem:$0x3FB7] =	sst s10  }
0x32: {  	s10 =	sld [smem:$0x3FB5];
	_ =	sdelay $0x3  }
0x33: {  	p0 =	seq.s32 s10, $0x1;
	s10 =	sld [smem:$0x3FB7];
	_ =	sdelay $0x3  }
0x34: {  	[smem:$0x3FB7] =	sst s10  }
0x35: {  	s10 =	sld [smem:$0x3FB6];
	_ =	sdelay $0x3  }
0x36: {  	p1 =	seq.s32 s10, $0x1;
	s10 =	sld [smem:$0x3FB7];
	_ =	sdelay $0x3  }
0x37: {  	[smem:$0x3FB7] =	sst s10  }
0x38: {  	s10 =	sld [smem:$0x3FB8]  }
0x39: {  	_ = 	snop;
	(pc) =	sbr.ind lr, $3  }
0x3a: {  	_ = 	snop  }
0x3b: {  	_ = 	snop  }
0x3c: {  	p2 =	seq.s32 s10, $0x1;
	s10 =	sld [smem:$0x3FB7]  }
0x3d: {  	_ =	shalt  }
0x3e: {  	_ =	shalt  }
0x3f: {  	_ =	shalt  }
0x40: {  	_ =	shalt  }
0x41: {  	_ =	shalt  }
0x42: {  	_ =	shalt  }
0x43: {  	_ =	shalt  }
0x44: {  	_ =	shalt  }
0x45: {  	_ =	shalt  }
0x46: {  	_ =	shalt  }
0x47: {  	_ =	shalt  }
0x48: {  	_ =	shalt  }
0x49: {  	_ =	shalt  }
0x4a: {  	_ =	shalt  }
0x4b: {  	_ =	shalt  }
0x4c: {  	_ =	shalt  }
0x4d: {  	_ =	shalt  }
0x4e: {  	_ =	shalt  }
0x4f: {  	_ =	shalt  }
0x50: {  	_ =	shalt  }
0x51: {  	_ =	shalt  }
0x52: {  	_ =	shalt  }
0x53: {  	_ =	shalt  }
0x54: {  	_ =	shalt  }
0x55: {  	_ =	shalt  }
0x56: {  	_ =	shalt  }
0x57: {  	_ =	shalt  }
0x58: {  	_ =	shalt  }
0x59: {  	_ =	shalt  }
0x5a: {  	_ =	shalt  }
0x5b: {  	_ =	shalt  }
0x5c: {  	_ =	shalt  }
0x5d: {  	_ =	shalt  }
0x5e: {  	_ =	shalt  }
0x5f: {  	_ =	shalt  }
0x60: {  	_ =	shalt  }
0x61: {  	_ =	shalt  }
0x62: {  	_ =	shalt  }
0x63: {  	_ =	shalt  }
0x64: {  	_ =	shalt  }
0x65: {  	_ =	shalt  }
0x66: {  	_ =	shalt  }
0x67: {  	_ =	shalt  }
0x68: {  	_ =	shalt  }
0x69: {  	_ =	shalt  }
0x6a: {  	_ =	shalt  }
0x6b: {  	_ =	shalt  }
0x6c: {  	_ =	shalt  }
0x6d: {  	_ =	shalt  }
0x6e: {  	_ =	shalt  }
0x6f: {  	_ =	shalt  }
0x70: {  	_ =	shalt  }
0x71: {  	_ =	shalt  }
0x72: {  	_ =	shalt  }
0x73: {  	_ =	shalt  }
0x74: {  	_ =	shalt  }
0x75: {  	_ =	shalt  }
0x76: {  	_ =	shalt  }
0x77: {  	_ =	shalt  }
0x78: {  	_ =	shalt  }
0x79: {  	_ =	shalt  }
0x7a: {  	_ =	shalt  }
0x7b: {  	_ =	shalt  }
0x7c: {  	_ =	shalt  }
0x7d: {  	_ =	shalt  }
0x7e: {  	_ =	shalt  }
0x7f: {  	_ =	shalt  }
0x80: {  	_ =	shalt  }
0x81: {  	_ =	shalt  }
0x82: {  	_ =	shalt  }
0x83: {  	_ =	shalt  }
0x84: {  	_ =	shalt  }
0x85: {  	_ =	shalt  }
0x86: {  	_ =	shalt  }
0x87: {  	_ =	shalt  }
.Lfunc_end0:
.L_simem_size_0:
called_computation.2_lowered:
.L_overlay_start_0:
0x88: {  	s2 =	sld [smem:$0x3FD9]  }
0x89: {  	s3 =	sld [smem:$0x3FFE];
	_ =	sdelay $0x1  }
0x8a: {  	s1 =	srdreg.scid  }
0x8b: {  	s0 =	sand.u32 $0x1, s1  }
0x8c: {  	s17 =	sshll.u32 s0, $0xA;
	s2 =	sadd.s32 s3, s2  }
0x8d: {  	s2 =	sadd.s32 s2, s17  }
0x8e: {  	[smem:$0x3FC3] =	sst s2  }
0x8f: {  	_ = 	snop  }
0x90: {  	(tm) =	ssettm $0x1  }
0x91: {  	s18 =	sld [smem:$0x3FFB];
	_ =	sdelay $0x3  }
0x92: {  	_ =	strace s18  }
0x93: {  	s2 =	sld [smem:$0x3FFC];
	_ =	sdelay $0x3  }
0x94: {  	_ =	strace s2  }
0x95: {  	s2 =	sld [smem:$0x3FFD];
	_ =	sdelay $0x3  }
0x96: {  	_ =	strace s2  }
0x97: {  	_ =	strace $0x8FFFFFFF  }
0x98: {  	s19 =	sld [smem:$0x3FDB];
	_ =	sdelay $0x1  }
0x99: {  	s20 =	simm.s32 $_scs_section_size  }
0x9a: {  	s4 =	simm.s32 $_size__tile_overlayer_lowered;
	s5 =	simm.s32 $_tile_overlayer_lowered  }
0x9b: {  	s6 =	simm.s32 $0x1BFF;
	s21 =	sshll.u32 s5, $0x1;
	s3 =	sadd.s32 s20, s19  }
0x9c: {  	s22 =	simm.s32 $0x0;
	s4 =	sshll.u32 s4, $0x1;
	s5 =	sadd.s32 s21, s3  }
0x9d: {  	[timem:s22], [sflag:s6] =	dma.local [hbm:s5], s4  }
0x9e: {  	_ =	swait.ge [sflag:s6], s4  }
0x9f: {  	s4 =	ssub.s32 $0x0, s4;
	[sflag:s6] =	ssyncset.done $0x0  }
0xa0: {  	[sflag:s6] =	ssyncadd.s32 s4;
	_ =	sdelay $0x1  }
0xa1: {  	s23 =	simm.s32 $0x1B8B  }
0xa2: {  	_ =	swait.ge [sflag:s23], $0x1  }
0xa3: {  	[sflag:s23] =	ssyncset.done $0x0  }
0xa4: {  	[sflag:s23] =	ssyncadd.s32 $0xFFFFFFFF  }
0xa5: {  	s4 =	sld [smem:$0x0]  }
0xa6: {  	s5 =	sand.u32 $0xFFFFFFFE, s1  }
0xa7: {  	p0 =	sne.s32 s1, s5  }
0xa8: {  	s5 =	sshll.u32 @p0 s5, $0xE  }
0xa9: {  	s5 =	sadd.s32 @p0 $0x11B8D, s5;
	s6 =	sshll.u32 @p0 s4, $0x11  }
0xaa: {  	s5 =	sor.u32 @p0 s6, s5  }
0xab: {  	[sflag:s5] =	ssyncadd.remote.s32 @p0 $0x1;
	_ =	sdelay $0x1  }
0xac: {  	s5 =	simm.s32 @p0 $0x1B8D  }
0xad: {  	_ =	swait.eq @p0 [sflag:s5], $0x1  }
0xae: {  	[sflag:s5] =	ssyncadd.s32 @p0 $0xFFFFFFFF  }
0xaf: {  	s6 =	sshll.u32 @!p0 s1, $0xE  }
0xb0: {  	s6 =	sor.u32 @!p0 $0x4000, s6;
	s5 =	simm.s32 @!p0 $0x1B8D  }
0xb1: {  	s4 =	sshll.u32 @!p0 s4, $0x11;
	s6 =	sadd.s32 @!p0 $0x11B8D, s6;
	_ =	swait.eq @!p0 [sflag:s5], $0x1  }
0xb2: {  	s4 =	sor.u32 @!p0 s4, s6;
	[sflag:s5] =	ssyncadd.s32 @!p0 $0xFFFFFFFF  }
0xb3: {  	s25 =	simm.s32 $0x1B8E;
	s24 =	sld [smem:$0x3FFE];
	[sflag:s4] =	ssyncadd.remote.s32 @!p0 $0x1  }
0xb4: {  	s26 =	simm.s32 $execute0_lowered;
	[smem:$0x3FD2] =	sst s25  }
0xb5: {  	s5 =	sshll.u32 s26, $0x1;
	_ =	strace $0x80000052;
	[dreg:$0x1] =	wrdreg $0xFFFFFFFF  }
0xb6: {  	s28 =	simm.s32 $_size_execute0_lowered;
	s3 =	sadd.s32 s3, s5;
	[dreg:$0x0] =	wrdreg $0x0  }
0xb7: {  	s5 =	sshll.u32 s28, $0x1;
	[dreg:$0x2] =	wrdreg s3  }
0xb8: {  	[dreg:$0x3] =	wrdreg s5  }
0xb9: {  	[dreg:$0x4] =	wrdreg $0xC0  }
0xba: {  	_ =	task [dreg:s22], $0x5FFFF  }
0xbb: {  	[dreg:$0x1] =	wrdreg $0xFFFFFFFF  }
0xbc: {  	[dreg:$0x0] =	wrdreg $0x60  }
0xbd: {  	[dreg:$0x2] =	wrdreg s24  }
0xbe: {  	[dreg:$0x3] =	wrdreg $0xA  }
0xbf: {  	_ =	task.clear_ibuf [dreg:s22], $0x4FFFF;
	_ =	strace $0x90000052  }
0xc0: {  	s29 =	simm.s32 $0xA;
	_ =	strace $0x80000054  }
0xc1: {  	_ =	swait.ge [sflag:s29], $0x1  }
0xc2: {  	[sflag:s29] =	ssyncadd.s32 $0xFFFFFFFF  }
0xc3: {  	_ =	strace $0x90000054  }
0xc4: {  	_ =	sfence  }
0xc5: {  	s30 =	sld [smem:$0x0];
	_ =	sdelay $0x2  }
0xc6: {  	s31 =	sshll.u32 s1, $0xD;
	s1 =	sshrl.u32 s1, $0x2  }
0xc7: {  	s4 =	sand.u32 $0x4000, s31;
	s1 =	sadd.s32 s1, s30  }
0xc8: {  	s0 =	sor.u32 s4, s0;
	s1 =	sshll.u32 s1, $0x11  }
0xc9: {  	s0 =	sor.u32 s1, s0  }
0xca: {  	s0 =	sadd.s32 $0x8F2B, s0  }
0xcb: {  	[sflag:s0] =	ssyncadd.remote.s32 $0x1  }
0xcc: {  	_ =	sfence.sel $0xFFFF  }
0xcd: {  	[dreg:$0x0] =	wrdreg $0xFFFFFFFF;
	(pc) =	sbr.abs _section_cstart, $3  }
0xce: {  	[dreg:$0x1] =	wrdreg $0xFFFFFFFF  }
0xcf: {  	_ =	task.clear_ibuf [dreg:s22], $0x2FFFF;
	_ =	strace $0x9FFFFFFF  }
0xd0: {  	(tm) =	ssettm $0x7FFFFFFF  }
0xd1: {  	_ =	shalt  }
tec
execute0_lowered:
.L_overlay_start_1:
0x0: {  	(tag) =	ssettag $0x1  }
0x1: {  	s7 =	rddreg [dreg:$0x0]  }
0x2: {  	s0 =	rddreg [dreg:$0x1];
	_ =	strace $0x80000053  }
0x3: {  	s1 =	srdreg.scid;
	s4 =	simm.s32 $0x1;
	s9 =	simm.s32 $0x3  }
0x4: {  	s11 =	simm.s32 $0x0;
	p0 =	por $0x0, $0x0;
	s5 =	sshll.u32 s1, $0x4  }
.Ltmp0:
0x5: {  	s1 =	stileid.u32;
	s5 =	sand.u32 $0x10, s5;
	(pc) =	sbr.rel .LBB2_1-.Ltmp0, $4  }
0x6: {  	s2 =	sadd.s32 $0x212E00, s7;
	s3 =	sadd.s32 $0x2C00, s7;
	s6 =	sor.u32 s1, s5  }
0x7: {  	[sflag:s4] =	ssyncpa.u1 $0x0;
	s5 =	simm.s32 $0x2;
	s6 =	sshll.u32 s6, $0xC  }
0x8: {  	s7 =	sadd.s32 $0x633200, s7;
	[sflag:s5] =	ssyncpa.u1 $0x0;
	s8 =	sadd.s32 $0x1000, s6  }
0x9: {  	vm0 =	vmmov $0xff;
	vm1 =	vcmask $0x3F20;
	[sflag:s9] =	ssyncpa.u1 $0x0;
	s10 =	smov.u32 s6;
	s9 =	simm.s32 $0x0  }
.LBB2_7:
0xa: {  	p1 =	slt.u32 s9, $0x2;
	s11 =	sadd.s32 $0x100, s10  }
0xb: {  	s13 =	smov.u32 s6;
	s9 =	sadd.s32 $0x1, s9;
	p2 =	slt.s32 s11, s8  }
0xc: {  	s13 =	smov.u32 @p2 s11;
	p2 =	sne.s32 s9, $0x12  }
.Ltmp1:
0xd: {  	_ = 	snop;
	(pc) =	sbr.rel @!p2 .LBB2_8-.Ltmp1, $4  }
0xe: {  	s12 =	simm.s32 @!p1 $0x3  }
0xf: {  	_ =	swait.ge @!p1 [sflag:s12], $0x8000  }
0x10: {  	p0 =	por !p0, !p0;
	[sflag:s12] =	ssyncset.done @!p1 $0x0  }
0x11: {  	s11 =	smov.u32 s10;
	s10 =	smov.u32 s13;
	[sflag:s12] =	ssyncadd.s32 @!p1 $0xFFFF8000  }
.LBB2_1:
0x12: {  	p1 =	sgt.u32 s9, $0xF  }
0x13: {  	s12 =	sxor.u32 @!p1 $0xFFFFFFFF, s9  }
0x14: {  	s13 =	sshrl.u32 @!p1 s10, $0x3;
	s12 =	sshll.u32 @!p1 s12, $0x8  }
0x15: {  	s14 =	sand.u32 @!p1 $0x7, s10;
	s13 =	sadd.s32 @!p1 s3, s13;
	s12 =	sand.u32 @!p1 $0x100, s12  }
0x16: {  	[tilespmem:s12], [sflag:$0x2] =	stream.linear.gather @!p1 [hbm4b:s13+s14], $0x100, $0x38;
	[tilespmem:$0x10200] =	vst v63  }
0x17: {  	p1 =	seq.s32 s9, $0x0  }
0x18: {  	p2 =	seq.s32 @!p1 s9, $0x11  }
0x19: {  	p1 =	por p1, p2  }
.Ltmp2:
0x1a: {  	_ = 	snop;
	(pc) =	sbr.rel @p1 .LBB2_7-.Ltmp2, $1  }
0x1b: {  	_ =	sdelay $0x3  }
0x1c: {  	s12 =	simm.s32 $0x1  }
0x1d: {  	_ =	swait.ge [sflag:s5], $0x100;
	s12 =	simm.s32 @!p0 $0x0  }
0x1e: {  	[sflag:s5] =	ssyncset.done $0x0;
	s14 =	sshll.u32 s12, $0x8  }
0x1f: {  	[sflag:s5] =	ssyncadd.s32 $0xFFFFFF00;
	s13 =	sadd.s32 $0x0, s14  }
0x20: {  	v0 =	vld.msk [tilespmem:s13+$0x0 ss:$0x1], $0xffff;
	_ =	sdelay $0x4  }
0x21: {  	vm2 =	vgt.s32 v0, $0x0  }
0x22: {  	v0 =	vnsel vm2, $0x0, v0  }
0x23: {  	v0 =	vmin.u32 v0, $0x1FFFF  }
0x24: {  	v0 =	vshll.u32 v0, $0x4;
	_ =	sdelay $0x2  }
0x25: {  	s12 =	sshll.u32 s12, $0xF  }
0x26: {  	s12 =	sor.u32 $0x200, s12  }
0x27: {  	[tilespmem:s12], [sflag:$0x1] =	stream.indirect_vreg.gather [hbm:s2], $0x80, v0, vm0, $0x38;
	[tilespmem:$0x10200] =	vst v63  }
0x28: {  	s15 =	sadd.s32 $0x10, s14;
	s13 =	sadd.s32 $0x400, s12  }
0x29: {  	[tilespmem:s13], [sflag:$0x1] =	stream.indirect_vreg.gather [hbm:s2], $0x80, v0, vm1, $0x38;
	[tilespmem:$0x10200] =	vst v63  }
0x2a: {  	s16 =	simm.s32 $0x80;
	v0 =	vld.msk [tilespmem:s15+$0x0 ss:$0x1], $0xffff;
	s15 =	smov.u32 s12  }
.LBB2_3:
0x2b: {  	p1 =	sne.s32 s16, $0x3C0;
	_ =	sdelay $0x4  }
0x2c: {  	vm2 =	vgt.s32 v0, $0x0  }
0x2d: {  	v0 =	vnsel vm2, $0x0, v0  }
0x2e: {  	v0 =	vmin.u32 v0, $0x1FFFF  }
0x2f: {  	v0 =	vshll.u32 v0, $0x4;
	_ =	sdelay $0x3  }
.Ltmp3:
0x30: {  	s17 =	sshra.s32 s16, $0x2;
	s15 =	sadd.s32 $0x800, s15;
	(pc) =	sbr.rel @p1 .LBB2_3-.Ltmp3, $4  }
0x31: {  	[tilespmem:s15], [sflag:$0x1] =	stream.indirect_vreg.gather [hbm:s2], $0x80, v0, vm0, $0x38;
	[tilespmem:$0x10200] =	vst v63  }
0x32: {  	s17 =	sadd.s32 s17, s14;
	s18 =	sadd.s32 $0x400, s15  }
0x33: {  	[tilespmem:s18], [sflag:$0x1] =	stream.indirect_vreg.gather [hbm:s2], $0x80, v0, vm1, $0x38;
	[tilespmem:$0x10200] =	vst v63  }
0x34: {  	s16 =	sadd.s32 $0x40, s16;
	v0 =	vld.msk [tilespmem:s17+$0x0 ss:$0x1], $0xffff  }
0x35: {  	_ =	sdelay $0x3  }
0x36: {  	vm2 =	vgt.s32 v0, $0x0  }
0x37: {  	v0 =	vnsel vm2, $0x0, v0  }
0x38: {  	v0 =	vmin.u32 v0, $0x1FFFF  }
0x39: {  	v0 =	vshll.u32 v0, $0x4;
	_ =	sdelay $0x3  }
0x3a: {  	s14 =	sadd.s32 $0x800, s15  }
0x3b: {  	[tilespmem:s14], [sflag:$0x1] =	stream.indirect_vreg.gather [hbm:s2], $0x80, v0, vm0, $0x38;
	[tilespmem:$0x10200] =	vst v63  }
0x3c: {  	s14 =	sadd.s32 $0x400, s14  }
0x3d: {  	[tilespmem:s14], [sflag:$0x1] =	stream.indirect_vreg.gather [hbm:s2], $0x80, v0, vm1, $0x38;
	[tilespmem:$0x10200] =	vst v63  }
0x3e: {  	s11 =	sshll.u32 s11, $0x4;
	_ =	swait.ge [sflag:s4], $0x8000  }
0x3f: {  	s11 =	sadd.s32 s11, s7;
	[sflag:s4] =	ssyncset.done $0x0  }
0x40: {  	s15 =	sadd.s32 $0x0, s11;
	s14 =	simm.s32 $0x80;
	[sflag:s4] =	ssyncadd.s32 $0xFFFF8000  }
.LBB2_5:
0x41: {  	[hbm:s15] =	stream.linear.scatter [tilespmem:s12], [sflag:$0x3], $0x400, $0x38;
	[tilespmem:$0x10200] =	vst v63  }
0x42: {  	s15 =	smov.u32 s14;
	s12 =	smov.u32 s13;
	p1 =	sne.s32 s14, $0xF80  }
.Ltmp4:
0x43: {  	s14 =	sadd.s32 $0x80, s14;
	(pc) =	sbr.rel @p1 .LBB2_5-.Ltmp4, $2  }
0x44: {  	_ =	sdelay $0x2  }
0x45: {  	s13 =	sadd.s32 $0x400, s13;
	s15 =	sadd.s32 s15, s11  }
.Ltmp5:
0x46: {  	(pc) =	sbr.rel .LBB2_7-.Ltmp5, $2  }
0x47: {  	_ =	sdelay $0x2  }
0x48: {  	[hbm:s15] =	stream.linear.scatter [tilespmem:s12], [sflag:$0x3], $0x400, $0x38;
	[tilespmem:$0x10200] =	vst v63  }
.LBB2_8:
0x49: {  	_ =	sfence.sel $0x180000  }
0x4a: {  	s2 =	simm.s32 $0x2;
	[bflag:$0x0] =	sbarrier.arrive $0xFFFF  }
0x4b: {  	s30 =	simm.s32 $0x3;
	[sflag:s2] =	ssyncpa.u1 $0x1  }
0x4c: {  	s31 =	simm.s32 $0x1;
	[sflag:s30] =	ssyncpa.u1 $0x1  }
0x4d: {  	[sflag:s31] =	ssyncpa.u1 $0x1  }
0x4e: {  	p0 =	sne.s32 s1, $0x0;
	_ =	strace $0x90000053  }
0x4f: {  	s0 =	sadd.s32 @!p0 $0x100000, s0;
	[bflag:$0x2] =	sbarrier.arrive $0xFFFF  }
0x50: {  	[sflag:s0] =	ssyncadd.tile.s32 @!p0 $0x1;
	_ =	shalt  }
.Lfunc_end2:
_tile_overlayer_lowered:
.L_overlay_start_2:
0x51: {  	(tag) =	ssettag $0x2  }
0x52: {  	s0 =	rddreg [dreg:$0x0];
	s2 =	stileid.u32  }
0x53: {  	s1 =	rddreg [dreg:$0x1];
	p0 =	sne.s32 s2, $0x0  }
0x54: {  	s3 =	rddreg [dreg:$0x2];
	[bflag:$0x3] =	sbarrier.arrive $0xFFFF;
	s2 =	simm.s32 @!p0 $0x1C01  }
0x55: {  	[timem:s3], [sflag:s2] =	dma.local @!p0 [hbm:s0], s1  }
0x56: {  	s0 =	simm.s32 @!p0 $0x1  }
0x57: {  	_ =	swait.ge @!p0 [sflag:s0], s1  }
0x58: {  	s1 =	ssub.s32 @!p0 $0x0, s1;
	[sflag:s0] =	ssyncset.done @!p0 $0x0  }
0x59: {  	[sflag:s0] =	ssyncadd.s32 @!p0 s1  }
0x5a: {  	[bflag:$0x3] =	sbarrier.arrive $0xFFFF  }
0x5b: {  	_ =	shalt  }

// kernel: gather_offload_async_start.2
scs
__scs_entry_jumppad:
0x0: {  	(pc) =	sbr.rel $0x88, $3  }
0x1: {  	(tag) =	ssettag $0x0;
	lr =	simm.s32 $0x1  }
0x2: {  	[smem:$0x3F9C] =	sst lr;
	_ =	strace $0xD0000000  }
0x3: {  	_ = 	snop  }
0x4: {  	_ = 	snop  }
0x5: {  	_ = 	snop  }
0x6: {  	_ = 	snop  }
0x7: {  	_ = 	snop  }
__scs_overlays_trampoline_lowered:
0x8: {  	[smem:$0x3FAB] =	sst s0  }
0x9: {  	[smem:$0x3FAC] =	sst s1  }
0xa: {  	[smem:$0x3FAD] =	sst s2  }
0xb: {  	[smem:$0x3FAE] =	sst s3  }
0xc: {  	[smem:$0x3FAF] =	sst s4  }
0xd: {  	[smem:$0x3FB0] =	sst s5  }
0xe: {  	[smem:$0x3FB1] =	sst s6  }
0xf: {  	[smem:$0x3FB2] =	sst s7  }
0x10: {  	[smem:$0x3FB3] =	sst s8  }
0x11: {  	[smem:$0x3FB4] =	sst s9;
	s0 =	simm.s32 @!p0 $0x0  }
0x12: {  	s1 =	sld [smem:$0x3F9A];
	s0 =	simm.s32 @p0 $0x1  }
0x13: {  	[smem:$0x3FB5] =	sst s0;
	s0 =	simm.s32 @!p1 $0x0  }
0x14: {  	s2 =	sld [smem:$0x3F99];
	s0 =	simm.s32 @p1 $0x1  }
0x15: {  	[smem:$0x3FB6] =	sst s0;
	s0 =	simm.s32 @!p2 $0x0  }
0x16: {  	s3 =	sld [smem:$0x3FDB];
	s0 =	simm.s32 @p2 $0x1  }
0x17: {  	s4 =	simm.s32 $0x1BF5;
	[smem:$0x3FB8] =	sst s0  }
0x18: {  	s0 =	sld [smem:$0x3F9B];
	_ =	swait.ge [sflag:s4], $0x0  }
0x19: {  	s7 =	sld [smem:$0x3F9C]  }
0x1a: {  	s8 =	sadd.s32 $0xFFFFE003, lr  }
0x1b: {  	s9 =	sadd.s32 $0xFFFFFEF7, lr;
	s5 =	simm.s32 $0xFFFFFFFF;
	p2 =	slt.u32 s8, $0xFFFFF086  }
0x1c: {  	p1 =	slt.u32 s9, $0xF7A;
	s5 =	simm.s32 @!p2 $0x0  }
0x1d: {  	s5 =	simm.s32 @p1 $0x1;
	p0 =	seq.s32 s7, s2  }
0x1e: {  	s7 =	smul.u32 @!p0 $0xF7A, s2;
	p2 =	seq.s32 @!p0 s5, $0x0  }
0x1f: {  	s9 =	smul.u32 $0xF7A, s1;
	s8 =	simm.s32 @!p0 $0x1BF5;
	p2 =	por !p2, p0  }
0x20: {  	[sflag:s8] =	ssyncset.s32 @!p0 $0xFFFFF086;
	s6 =	sadd.s32 @!p0 s3, s7;
	s7 =	simm.s32 @!p0 $0x108  }
0x21: {  	s3 =	sadd.s32 s3, s9;
	s6 =	sadd.s32 @!p0 $0x88, s6;
	s7 =	simm.s32 @p2 $0x1082  }
0x22: {  	[simem:s7], [sflag:s8] =	dma.local @!p0 [hbm:s6], $0xF7A  }
0x23: {  	s9 =	sor.u32 $0xD0000000, s2;
	s6 =	simm.s32 $0x108;
	_ =	swait.ge @!p0 [sflag:s8], $0x0  }
0x24: {  	s3 =	sadd.s32 $0x88, s3;
	s6 =	simm.s32 @!p1 $0x1082;
	[sflag:s4] =	ssyncset.s32 $0xFFFFF086  }
0x25: {  	[simem:s6], [sflag:s4] =	dma.local [hbm:s3], $0xF7A  }
0x26: {  	[smem:$0x3F9C] =	sst s1;
	(tag) =	ssettag s2;
	_ =	strace s9  }
0x27: {  	s1 =	sld [smem:$0x3FAC]  }
0x28: {  	s2 =	sld [smem:$0x3FAD]  }
0x29: {  	s4 =	sld [smem:$0x3FAF]  }
0x2a: {  	p0 =	seq.s32 s5, $0x0;
	s5 =	sld [smem:$0x3FB0]  }
0x2b: {  	s6 =	sld [smem:$0x3FB1]  }
0x2c: {  	s7 =	sld [smem:$0x3FB2]  }
0x2d: {  	s3 =	simm.s32 $0x108;
	s8 =	sld [smem:$0x3FB3]  }
0x2e: {  	s3 =	simm.s32 @!p0 $0x1082;
	s9 =	sld [smem:$0x3FB4]  }
0x2f: {  	lr =	sadd.s32 s0, s3;
	s0 =	sld [smem:$0x3FAB]  }
0x30: {  	s3 =	sld [smem:$0x3FAE]  }
0x31: {  	[smem:$0x3FB7] =	sst s10  }
0x32: {  	s10 =	sld [smem:$0x3FB5];
	_ =	sdelay $0x3  }
0x33: {  	p0 =	seq.s32 s10, $0x1;
	s10 =	sld [smem:$0x3FB7];
	_ =	sdelay $0x3  }
0x34: {  	[smem:$0x3FB7] =	sst s10  }
0x35: {  	s10 =	sld [smem:$0x3FB6];
	_ =	sdelay $0x3  }
0x36: {  	p1 =	seq.s32 s10, $0x1;
	s10 =	sld [smem:$0x3FB7];
	_ =	sdelay $0x3  }
0x37: {  	[smem:$0x3FB7] =	sst s10  }
0x38: {  	s10 =	sld [smem:$0x3FB8]  }
0x39: {  	_ = 	snop;
	(pc) =	sbr.ind lr, $3  }
0x3a: {  	_ = 	snop  }
0x3b: {  	_ = 	snop  }
0x3c: {  	p2 =	seq.s32 s10, $0x1;
	s10 =	sld [smem:$0x3FB7]  }
0x3d: {  	_ =	shalt  }
0x3e: {  	_ =	shalt  }
0x3f: {  	_ =	shalt  }
0x40: {  	_ =	shalt  }
0x41: {  	_ =	shalt  }
0x42: {  	_ =	shalt  }
0x43: {  	_ =	shalt  }
0x44: {  	_ =	shalt  }
0x45: {  	_ =	shalt  }
0x46: {  	_ =	shalt  }
0x47: {  	_ =	shalt  }
0x48: {  	_ =	shalt  }
0x49: {  	_ =	shalt  }
0x4a: {  	_ =	shalt  }
0x4b: {  	_ =	shalt  }
0x4c: {  	_ =	shalt  }
0x4d: {  	_ =	shalt  }
0x4e: {  	_ =	shalt  }
0x4f: {  	_ =	shalt  }
0x50: {  	_ =	shalt  }
0x51: {  	_ =	shalt  }
0x52: {  	_ =	shalt  }
0x53: {  	_ =	shalt  }
0x54: {  	_ =	shalt  }
0x55: {  	_ =	shalt  }
0x56: {  	_ =	shalt  }
0x57: {  	_ =	shalt  }
0x58: {  	_ =	shalt  }
0x59: {  	_ =	shalt  }
0x5a: {  	_ =	shalt  }
0x5b: {  	_ =	shalt  }
0x5c: {  	_ =	shalt  }
0x5d: {  	_ =	shalt  }
0x5e: {  	_ =	shalt  }
0x5f: {  	_ =	shalt  }
0x60: {  	_ =	shalt  }
0x61: {  	_ =	shalt  }
0x62: {  	_ =	shalt  }
0x63: {  	_ =	shalt  }
0x64: {  	_ =	shalt  }
0x65: {  	_ =	shalt  }
0x66: {  	_ =	shalt  }
0x67: {  	_ =	shalt  }
0x68: {  	_ =	shalt  }
0x69: {  	_ =	shalt  }
0x6a: {  	_ =	shalt  }
0x6b: {  	_ =	shalt  }
0x6c: {  	_ =	shalt  }
0x6d: {  	_ =	shalt  }
0x6e: {  	_ =	shalt  }
0x6f: {  	_ =	shalt  }
0x70: {  	_ =	shalt  }
0x71: {  	_ =	shalt  }
0x72: {  	_ =	shalt  }
0x73: {  	_ =	shalt  }
0x74: {  	_ =	shalt  }
0x75: {  	_ =	shalt  }
0x76: {  	_ =	shalt  }
0x77: {  	_ =	shalt  }
0x78: {  	_ =	shalt  }
0x79: {  	_ =	shalt  }
0x7a: {  	_ =	shalt  }
0x7b: {  	_ =	shalt  }
0x7c: {  	_ =	shalt  }
0x7d: {  	_ =	shalt  }
0x7e: {  	_ =	shalt  }
0x7f: {  	_ =	shalt  }
0x80: {  	_ =	shalt  }
0x81: {  	_ =	shalt  }
0x82: {  	_ =	shalt  }
0x83: {  	_ =	shalt  }
0x84: {  	_ =	shalt  }
0x85: {  	_ =	shalt  }
0x86: {  	_ =	shalt  }
0x87: {  	_ =	shalt  }
.Lfunc_end0:
.L_simem_size_0:
called_computation.3_lowered:
.L_overlay_start_0:
0x88: {  	s2 =	sld [smem:$0x3FD9]  }
0x89: {  	s3 =	sld [smem:$0x3FFE];
	_ =	sdelay $0x1  }
0x8a: {  	s1 =	srdreg.scid  }
0x8b: {  	s0 =	sand.u32 $0x1, s1  }
0x8c: {  	s17 =	sshll.u32 s0, $0xA;
	s2 =	sadd.s32 s3, s2  }
0x8d: {  	s2 =	sadd.s32 s2, s17  }
0x8e: {  	[smem:$0x3FC3] =	sst s2  }
0x8f: {  	_ = 	snop  }
0x90: {  	(tm) =	ssettm $0x1  }
0x91: {  	s18 =	sld [smem:$0x3FFB];
	_ =	sdelay $0x3  }
0x92: {  	_ =	strace s18  }
0x93: {  	s2 =	sld [smem:$0x3FFC];
	_ =	sdelay $0x3  }
0x94: {  	_ =	strace s2  }
0x95: {  	s2 =	sld [smem:$0x3FFD];
	_ =	sdelay $0x3  }
0x96: {  	_ =	strace s2  }
0x97: {  	_ =	strace $0x8FFFFFFF  }
0x98: {  	s19 =	sld [smem:$0x3FDB];
	_ =	sdelay $0x1  }
0x99: {  	s20 =	simm.s32 $_scs_section_size  }
0x9a: {  	s4 =	simm.s32 $_size__tile_overlayer_lowered;
	s5 =	simm.s32 $_tile_overlayer_lowered  }
0x9b: {  	s6 =	simm.s32 $0x1BFF;
	s21 =	sshll.u32 s5, $0x1;
	s3 =	sadd.s32 s20, s19  }
0x9c: {  	s22 =	simm.s32 $0x0;
	s4 =	sshll.u32 s4, $0x1;
	s5 =	sadd.s32 s21, s3  }
0x9d: {  	[timem:s22], [sflag:s6] =	dma.local [hbm:s5], s4  }
0x9e: {  	_ =	swait.ge [sflag:s6], s4  }
0x9f: {  	s4 =	ssub.s32 $0x0, s4;
	[sflag:s6] =	ssyncset.done $0x0  }
0xa0: {  	[sflag:s6] =	ssyncadd.s32 s4;
	_ =	sdelay $0x1  }
0xa1: {  	s23 =	simm.s32 $0x1B8B  }
0xa2: {  	_ =	swait.ge [sflag:s23], $0x1  }
0xa3: {  	[sflag:s23] =	ssyncset.done $0x0  }
0xa4: {  	[sflag:s23] =	ssyncadd.s32 $0xFFFFFFFF  }
0xa5: {  	s4 =	sld [smem:$0x0]  }
0xa6: {  	s5 =	sand.u32 $0xFFFFFFFE, s1  }
0xa7: {  	p0 =	sne.s32 s1, s5  }
0xa8: {  	s5 =	sshll.u32 @p0 s5, $0xE  }
0xa9: {  	s5 =	sadd.s32 @p0 $0x11B8D, s5;
	s6 =	sshll.u32 @p0 s4, $0x11  }
0xaa: {  	s5 =	sor.u32 @p0 s6, s5  }
0xab: {  	[sflag:s5] =	ssyncadd.remote.s32 @p0 $0x1;
	_ =	sdelay $0x1  }
0xac: {  	s5 =	simm.s32 @p0 $0x1B8D  }
0xad: {  	_ =	swait.eq @p0 [sflag:s5], $0x1  }
0xae: {  	[sflag:s5] =	ssyncadd.s32 @p0 $0xFFFFFFFF  }
0xaf: {  	s6 =	sshll.u32 @!p0 s1, $0xE  }
0xb0: {  	s6 =	sor.u32 @!p0 $0x4000, s6;
	s5 =	simm.s32 @!p0 $0x1B8D  }
0xb1: {  	s4 =	sshll.u32 @!p0 s4, $0x11;
	s6 =	sadd.s32 @!p0 $0x11B8D, s6;
	_ =	swait.eq @!p0 [sflag:s5], $0x1  }
0xb2: {  	s4 =	sor.u32 @!p0 s4, s6;
	[sflag:s5] =	ssyncadd.s32 @!p0 $0xFFFFFFFF  }
0xb3: {  	s25 =	simm.s32 $0x1B8E;
	s24 =	sld [smem:$0x3FFE];
	[sflag:s4] =	ssyncadd.remote.s32 @!p0 $0x1  }
0xb4: {  	s26 =	simm.s32 $execute0_lowered;
	[smem:$0x3FD2] =	sst s25  }
0xb5: {  	s5 =	sshll.u32 s26, $0x1;
	_ =	strace $0x80000058;
	[dreg:$0x1] =	wrdreg $0xFFFFFFFF  }
0xb6: {  	s28 =	simm.s32 $_size_execute0_lowered;
	s3 =	sadd.s32 s3, s5;
	[dreg:$0x0] =	wrdreg $0x0  }
0xb7: {  	s5 =	sshll.u32 s28, $0x1;
	[dreg:$0x2] =	wrdreg s3  }
0xb8: {  	[dreg:$0x3] =	wrdreg s5  }
0xb9: {  	[dreg:$0x4] =	wrdreg $0xC0  }
0xba: {  	_ =	task [dreg:s22], $0x5FFFF  }
0xbb: {  	[dreg:$0x1] =	wrdreg $0xFFFFFFFF  }
0xbc: {  	[dreg:$0x0] =	wrdreg $0x60  }
0xbd: {  	[dreg:$0x2] =	wrdreg s24  }
0xbe: {  	[dreg:$0x3] =	wrdreg $0xB  }
0xbf: {  	_ =	task.clear_ibuf [dreg:s22], $0x4FFFF;
	_ =	strace $0x90000058  }
0xc0: {  	s29 =	simm.s32 $0xB;
	_ =	strace $0x8000005A  }
0xc1: {  	_ =	swait.ge [sflag:s29], $0x1  }
0xc2: {  	[sflag:s29] =	ssyncadd.s32 $0xFFFFFFFF  }
0xc3: {  	_ =	strace $0x9000005A  }
0xc4: {  	_ =	sfence  }
0xc5: {  	s30 =	sld [smem:$0x0];
	_ =	sdelay $0x2  }
0xc6: {  	s31 =	sshll.u32 s1, $0xD;
	s1 =	sshrl.u32 s1, $0x2  }
0xc7: {  	s4 =	sand.u32 $0x4000, s31;
	s1 =	sadd.s32 s1, s30  }
0xc8: {  	s0 =	sor.u32 s4, s0;
	s1 =	sshll.u32 s1, $0x11  }
0xc9: {  	s0 =	sor.u32 s1, s0  }
0xca: {  	s0 =	sadd.s32 $0x8F2B, s0  }
0xcb: {  	[sflag:s0] =	ssyncadd.remote.s32 $0x1  }
0xcc: {  	_ =	sfence.sel $0xFFFF  }
0xcd: {  	[dreg:$0x0] =	wrdreg $0xFFFFFFFF;
	(pc) =	sbr.abs _section_cstart, $3  }
0xce: {  	[dreg:$0x1] =	wrdreg $0xFFFFFFFF  }
0xcf: {  	_ =	task.clear_ibuf [dreg:s22], $0x2FFFF;
	_ =	strace $0x9FFFFFFF  }
0xd0: {  	(tm) =	ssettm $0x7FFFFFFF  }
0xd1: {  	_ =	shalt  }
tec
execute0_lowered:
.L_overlay_start_1:
0x0: {  	(tag) =	ssettag $0x1  }
0x1: {  	s7 =	rddreg [dreg:$0x0]  }
0x2: {  	s0 =	rddreg [dreg:$0x1];
	_ =	strace $0x80000059  }
0x3: {  	s1 =	srdreg.scid;
	s4 =	simm.s32 $0x1;
	s9 =	simm.s32 $0x3  }
0x4: {  	s11 =	simm.s32 $0x0;
	p0 =	por $0x0, $0x0;
	s5 =	sshll.u32 s1, $0x4  }
.Ltmp0:
0x5: {  	s1 =	stileid.u32;
	s5 =	sand.u32 $0x10, s5;
	(pc) =	sbr.rel .LBB2_1-.Ltmp0, $4  }
0x6: {  	s2 =	sadd.s32 $0x413200, s7;
	s3 =	sadd.s32 $0x2C00, s7;
	s6 =	sor.u32 s1, s5  }
0x7: {  	[sflag:s4] =	ssyncpa.u1 $0x0;
	s5 =	simm.s32 $0x2;
	s6 =	sshll.u32 s6, $0xC  }
0x8: {  	s7 =	sadd.s32 $0xA33200, s7;
	[sflag:s5] =	ssyncpa.u1 $0x0;
	s8 =	sadd.s32 $0x1000, s6  }
0x9: {  	vm0 =	vmmov $0xff;
	vm1 =	vcmask $0x3F20;
	[sflag:s9] =	ssyncpa.u1 $0x0;
	s10 =	smov.u32 s6;
	s9 =	simm.s32 $0x0  }
.LBB2_7:
0xa: {  	p1 =	slt.u32 s9, $0x2;
	s11 =	sadd.s32 $0x100, s10  }
0xb: {  	s13 =	smov.u32 s6;
	s9 =	sadd.s32 $0x1, s9;
	p2 =	slt.s32 s11, s8  }
0xc: {  	s13 =	smov.u32 @p2 s11;
	p2 =	sne.s32 s9, $0x12  }
.Ltmp1:
0xd: {  	_ = 	snop;
	(pc) =	sbr.rel @!p2 .LBB2_8-.Ltmp1, $4  }
0xe: {  	s12 =	simm.s32 @!p1 $0x3  }
0xf: {  	_ =	swait.ge @!p1 [sflag:s12], $0x8000  }
0x10: {  	p0 =	por !p0, !p0;
	[sflag:s12] =	ssyncset.done @!p1 $0x0  }
0x11: {  	s11 =	smov.u32 s10;
	s10 =	smov.u32 s13;
	[sflag:s12] =	ssyncadd.s32 @!p1 $0xFFFF8000  }
.LBB2_1:
0x12: {  	p1 =	sgt.u32 s9, $0xF  }
0x13: {  	s12 =	sxor.u32 @!p1 $0xFFFFFFFF, s9  }
0x14: {  	s13 =	sshrl.u32 @!p1 s10, $0x3;
	s12 =	sshll.u32 @!p1 s12, $0x8  }
0x15: {  	s14 =	sand.u32 @!p1 $0x7, s10;
	s13 =	sadd.s32 @!p1 s3, s13;
	s12 =	sand.u32 @!p1 $0x100, s12  }
0x16: {  	[tilespmem:s12], [sflag:$0x2] =	stream.linear.gather @!p1 [hbm4b:s13+s14], $0x100, $0x38;
	[tilespmem:$0x10200] =	vst v63  }
0x17: {  	p1 =	seq.s32 s9, $0x0  }
0x18: {  	p2 =	seq.s32 @!p1 s9, $0x11  }
0x19: {  	p1 =	por p1, p2  }
.Ltmp2:
0x1a: {  	_ = 	snop;
	(pc) =	sbr.rel @p1 .LBB2_7-.Ltmp2, $1  }
0x1b: {  	_ =	sdelay $0x3  }
0x1c: {  	s12 =	simm.s32 $0x1  }
0x1d: {  	_ =	swait.ge [sflag:s5], $0x100;
	s12 =	simm.s32 @!p0 $0x0  }
0x1e: {  	[sflag:s5] =	ssyncset.done $0x0;
	s14 =	sshll.u32 s12, $0x8  }
0x1f: {  	[sflag:s5] =	ssyncadd.s32 $0xFFFFFF00;
	s13 =	sadd.s32 $0x0, s14  }
0x20: {  	v0 =	vld.msk [tilespmem:s13+$0x0 ss:$0x1], $0xffff;
	_ =	sdelay $0x4  }
0x21: {  	vm2 =	vgt.s32 v0, $0x0  }
0x22: {  	v0 =	vnsel vm2, $0x0, v0  }
0x23: {  	v0 =	vmin.u32 v0, $0x1FFFF  }
0x24: {  	v0 =	vshll.u32 v0, $0x4;
	_ =	sdelay $0x2  }
0x25: {  	s12 =	sshll.u32 s12, $0xF  }
0x26: {  	s12 =	sor.u32 $0x200, s12  }
0x27: {  	[tilespmem:s12], [sflag:$0x1] =	stream.indirect_vreg.gather [hbm:s2], $0x80, v0, vm0, $0x38;
	[tilespmem:$0x10200] =	vst v63  }
0x28: {  	s15 =	sadd.s32 $0x10, s14;
	s13 =	sadd.s32 $0x400, s12  }
0x29: {  	[tilespmem:s13], [sflag:$0x1] =	stream.indirect_vreg.gather [hbm:s2], $0x80, v0, vm1, $0x38;
	[tilespmem:$0x10200] =	vst v63  }
0x2a: {  	s16 =	simm.s32 $0x80;
	v0 =	vld.msk [tilespmem:s15+$0x0 ss:$0x1], $0xffff;
	s15 =	smov.u32 s12  }
.LBB2_3:
0x2b: {  	p1 =	sne.s32 s16, $0x3C0;
	_ =	sdelay $0x4  }
0x2c: {  	vm2 =	vgt.s32 v0, $0x0  }
0x2d: {  	v0 =	vnsel vm2, $0x0, v0  }
0x2e: {  	v0 =	vmin.u32 v0, $0x1FFFF  }
0x2f: {  	v0 =	vshll.u32 v0, $0x4;
	_ =	sdelay $0x3  }
.Ltmp3:
0x30: {  	s17 =	sshra.s32 s16, $0x2;
	s15 =	sadd.s32 $0x800, s15;
	(pc) =	sbr.rel @p1 .LBB2_3-.Ltmp3, $4  }
0x31: {  	[tilespmem:s15], [sflag:$0x1] =	stream.indirect_vreg.gather [hbm:s2], $0x80, v0, vm0, $0x38;
	[tilespmem:$0x10200] =	vst v63  }
0x32: {  	s17 =	sadd.s32 s17, s14;
	s18 =	sadd.s32 $0x400, s15  }
0x33: {  	[tilespmem:s18], [sflag:$0x1] =	stream.indirect_vreg.gather [hbm:s2], $0x80, v0, vm1, $0x38;
	[tilespmem:$0x10200] =	vst v63  }
0x34: {  	s16 =	sadd.s32 $0x40, s16;
	v0 =	vld.msk [tilespmem:s17+$0x0 ss:$0x1], $0xffff  }
0x35: {  	_ =	sdelay $0x3  }
0x36: {  	vm2 =	vgt.s32 v0, $0x0  }
0x37: {  	v0 =	vnsel vm2, $0x0, v0  }
0x38: {  	v0 =	vmin.u32 v0, $0x1FFFF  }
0x39: {  	v0 =	vshll.u32 v0, $0x4;
	_ =	sdelay $0x3  }
0x3a: {  	s14 =	sadd.s32 $0x800, s15  }
0x3b: {  	[tilespmem:s14], [sflag:$0x1] =	stream.indirect_vreg.gather [hbm:s2], $0x80, v0, vm0, $0x38;
	[tilespmem:$0x10200] =	vst v63  }
0x3c: {  	s14 =	sadd.s32 $0x400, s14  }
0x3d: {  	[tilespmem:s14], [sflag:$0x1] =	stream.indirect_vreg.gather [hbm:s2], $0x80, v0, vm1, $0x38;
	[tilespmem:$0x10200] =	vst v63  }
0x3e: {  	s11 =	sshll.u32 s11, $0x4;
	_ =	swait.ge [sflag:s4], $0x8000  }
0x3f: {  	s11 =	sadd.s32 s11, s7;
	[sflag:s4] =	ssyncset.done $0x0  }
0x40: {  	s15 =	sadd.s32 $0x0, s11;
	s14 =	simm.s32 $0x80;
	[sflag:s4] =	ssyncadd.s32 $0xFFFF8000  }
.LBB2_5:
0x41: {  	[hbm:s15] =	stream.linear.scatter [tilespmem:s12], [sflag:$0x3], $0x400, $0x38;
	[tilespmem:$0x10200] =	vst v63  }
0x42: {  	s15 =	smov.u32 s14;
	s12 =	smov.u32 s13;
	p1 =	sne.s32 s14, $0xF80  }
.Ltmp4:
0x43: {  	s14 =	sadd.s32 $0x80, s14;
	(pc) =	sbr.rel @p1 .LBB2_5-.Ltmp4, $2  }
0x44: {  	_ =	sdelay $0x2  }
0x45: {  	s13 =	sadd.s32 $0x400, s13;
	s15 =	sadd.s32 s15, s11  }
.Ltmp5:
0x46: {  	(pc) =	sbr.rel .LBB2_7-.Ltmp5, $2  }
0x47: {  	_ =	sdelay $0x2  }
0x48: {  	[hbm:s15] =	stream.linear.scatter [tilespmem:s12], [sflag:$0x3], $0x400, $0x38;
	[tilespmem:$0x10200] =	vst v63  }
.LBB2_8:
0x49: {  	_ =	sfence.sel $0x180000  }
0x4a: {  	s2 =	simm.s32 $0x2;
	[bflag:$0x0] =	sbarrier.arrive $0xFFFF  }
0x4b: {  	s30 =	simm.s32 $0x3;
	[sflag:s2] =	ssyncpa.u1 $0x1  }
0x4c: {  	s31 =	simm.s32 $0x1;
	[sflag:s30] =	ssyncpa.u1 $0x1  }
0x4d: {  	[sflag:s31] =	ssyncpa.u1 $0x1  }
0x4e: {  	p0 =	sne.s32 s1, $0x0;
	_ =	strace $0x90000059  }
0x4f: {  	s0 =	sadd.s32 @!p0 $0x100000, s0;
	[bflag:$0x2] =	sbarrier.arrive $0xFFFF  }
0x50: {  	[sflag:s0] =	ssyncadd.tile.s32 @!p0 $0x1;
	_ =	shalt  }
.Lfunc_end2:
_tile_overlayer_lowered:
.L_overlay_start_2:
0x51: {  	(tag) =	ssettag $0x2  }
0x52: {  	s0 =	rddreg [dreg:$0x0];
	s2 =	stileid.u32  }
0x53: {  	s1 =	rddreg [dreg:$0x1];
	p0 =	sne.s32 s2, $0x0  }
0x54: {  	s3 =	rddreg [dreg:$0x2];
	[bflag:$0x3] =	sbarrier.arrive $0xFFFF;
	s2 =	simm.s32 @!p0 $0x1C01  }
0x55: {  	[timem:s3], [sflag:s2] =	dma.local @!p0 [hbm:s0], s1  }
0x56: {  	s0 =	simm.s32 @!p0 $0x1  }
0x57: {  	_ =	swait.ge @!p0 [sflag:s0], s1  }
0x58: {  	s1 =	ssub.s32 @!p0 $0x0, s1;
	[sflag:s0] =	ssyncset.done @!p0 $0x0  }
0x59: {  	[sflag:s0] =	ssyncadd.s32 @!p0 s1  }
0x5a: {  	[bflag:$0x3] =	sbarrier.arrive $0xFFFF  }
0x5b: {  	_ =	shalt  }

// kernel: gather_offload_async_start.3
scs
__scs_entry_jumppad:
0x0: {  	(pc) =	sbr.rel $0x88, $3  }
0x1: {  	(tag) =	ssettag $0x0;
	lr =	simm.s32 $0x1  }
0x2: {  	[smem:$0x3F9C] =	sst lr;
	_ =	strace $0xD0000000  }
0x3: {  	_ = 	snop  }
0x4: {  	_ = 	snop  }
0x5: {  	_ = 	snop  }
0x6: {  	_ = 	snop  }
0x7: {  	_ = 	snop  }
__scs_overlays_trampoline_lowered:
0x8: {  	[smem:$0x3FAB] =	sst s0  }
0x9: {  	[smem:$0x3FAC] =	sst s1  }
0xa: {  	[smem:$0x3FAD] =	sst s2  }
0xb: {  	[smem:$0x3FAE] =	sst s3  }
0xc: {  	[smem:$0x3FAF] =	sst s4  }
0xd: {  	[smem:$0x3FB0] =	sst s5  }
0xe: {  	[smem:$0x3FB1] =	sst s6  }
0xf: {  	[smem:$0x3FB2] =	sst s7  }
0x10: {  	[smem:$0x3FB3] =	sst s8  }
0x11: {  	[smem:$0x3FB4] =	sst s9;
	s0 =	simm.s32 @!p0 $0x0  }
0x12: {  	s1 =	sld [smem:$0x3F9A];
	s0 =	simm.s32 @p0 $0x1  }
0x13: {  	[smem:$0x3FB5] =	sst s0;
	s0 =	simm.s32 @!p1 $0x0  }
0x14: {  	s2 =	sld [smem:$0x3F99];
	s0 =	simm.s32 @p1 $0x1  }
0x15: {  	[smem:$0x3FB6] =	sst s0;
	s0 =	simm.s32 @!p2 $0x0  }
0x16: {  	s3 =	sld [smem:$0x3FDB];
	s0 =	simm.s32 @p2 $0x1  }
0x17: {  	s4 =	simm.s32 $0x1BF5;
	[smem:$0x3FB8] =	sst s0  }
0x18: {  	s0 =	sld [smem:$0x3F9B];
	_ =	swait.ge [sflag:s4], $0x0  }
0x19: {  	s7 =	sld [smem:$0x3F9C]  }
0x1a: {  	s8 =	sadd.s32 $0xFFFFE003, lr  }
0x1b: {  	s9 =	sadd.s32 $0xFFFFFEF7, lr;
	s5 =	simm.s32 $0xFFFFFFFF;
	p2 =	slt.u32 s8, $0xFFFFF086  }
0x1c: {  	p1 =	slt.u32 s9, $0xF7A;
	s5 =	simm.s32 @!p2 $0x0  }
0x1d: {  	s5 =	simm.s32 @p1 $0x1;
	p0 =	seq.s32 s7, s2  }
0x1e: {  	s7 =	smul.u32 @!p0 $0xF7A, s2;
	p2 =	seq.s32 @!p0 s5, $0x0  }
0x1f: {  	s9 =	smul.u32 $0xF7A, s1;
	s8 =	simm.s32 @!p0 $0x1BF5;
	p2 =	por !p2, p0  }
0x20: {  	[sflag:s8] =	ssyncset.s32 @!p0 $0xFFFFF086;
	s6 =	sadd.s32 @!p0 s3, s7;
	s7 =	simm.s32 @!p0 $0x108  }
0x21: {  	s3 =	sadd.s32 s3, s9;
	s6 =	sadd.s32 @!p0 $0x88, s6;
	s7 =	simm.s32 @p2 $0x1082  }
0x22: {  	[simem:s7], [sflag:s8] =	dma.local @!p0 [hbm:s6], $0xF7A  }
0x23: {  	s9 =	sor.u32 $0xD0000000, s2;
	s6 =	simm.s32 $0x108;
	_ =	swait.ge @!p0 [sflag:s8], $0x0  }
0x24: {  	s3 =	sadd.s32 $0x88, s3;
	s6 =	simm.s32 @!p1 $0x1082;
	[sflag:s4] =	ssyncset.s32 $0xFFFFF086  }
0x25: {  	[simem:s6], [sflag:s4] =	dma.local [hbm:s3], $0xF7A  }
0x26: {  	[smem:$0x3F9C] =	sst s1;
	(tag) =	ssettag s2;
	_ =	strace s9  }
0x27: {  	s1 =	sld [smem:$0x3FAC]  }
0x28: {  	s2 =	sld [smem:$0x3FAD]  }
0x29: {  	s4 =	sld [smem:$0x3FAF]  }
0x2a: {  	p0 =	seq.s32 s5, $0x0;
	s5 =	sld [smem:$0x3FB0]  }
0x2b: {  	s6 =	sld [smem:$0x3FB1]  }
0x2c: {  	s7 =	sld [smem:$0x3FB2]  }
0x2d: {  	s3 =	simm.s32 $0x108;
	s8 =	sld [smem:$0x3FB3]  }
0x2e: {  	s3 =	simm.s32 @!p0 $0x1082;
	s9 =	sld [smem:$0x3FB4]  }
0x2f: {  	lr =	sadd.s32 s0, s3;
	s0 =	sld [smem:$0x3FAB]  }
0x30: {  	s3 =	sld [smem:$0x3FAE]  }
0x31: {  	[smem:$0x3FB7] =	sst s10  }
0x32: {  	s10 =	sld [smem:$0x3FB5];
	_ =	sdelay $0x3  }
0x33: {  	p0 =	seq.s32 s10, $0x1;
	s10 =	sld [smem:$0x3FB7];
	_ =	sdelay $0x3  }
0x34: {  	[smem:$0x3FB7] =	sst s10  }
0x35: {  	s10 =	sld [smem:$0x3FB6];
	_ =	sdelay $0x3  }
0x36: {  	p1 =	seq.s32 s10, $0x1;
	s10 =	sld [smem:$0x3FB7];
	_ =	sdelay $0x3  }
0x37: {  	[smem:$0x3FB7] =	sst s10  }
0x38: {  	s10 =	sld [smem:$0x3FB8]  }
0x39: {  	_ = 	snop;
	(pc) =	sbr.ind lr, $3  }
0x3a: {  	_ = 	snop  }
0x3b: {  	_ = 	snop  }
0x3c: {  	p2 =	seq.s32 s10, $0x1;
	s10 =	sld [smem:$0x3FB7]  }
0x3d: {  	_ =	shalt  }
0x3e: {  	_ =	shalt  }
0x3f: {  	_ =	shalt  }
0x40: {  	_ =	shalt  }
0x41: {  	_ =	shalt  }
0x42: {  	_ =	shalt  }
0x43: {  	_ =	shalt  }
0x44: {  	_ =	shalt  }
0x45: {  	_ =	shalt  }
0x46: {  	_ =	shalt  }
0x47: {  	_ =	shalt  }
0x48: {  	_ =	shalt  }
0x49: {  	_ =	shalt  }
0x4a: {  	_ =	shalt  }
0x4b: {  	_ =	shalt  }
0x4c: {  	_ =	shalt  }
0x4d: {  	_ =	shalt  }
0x4e: {  	_ =	shalt  }
0x4f: {  	_ =	shalt  }
0x50: {  	_ =	shalt  }
0x51: {  	_ =	shalt  }
0x52: {  	_ =	shalt  }
0x53: {  	_ =	shalt  }
0x54: {  	_ =	shalt  }
0x55: {  	_ =	shalt  }
0x56: {  	_ =	shalt  }
0x57: {  	_ =	shalt  }
0x58: {  	_ =	shalt  }
0x59: {  	_ =	shalt  }
0x5a: {  	_ =	shalt  }
0x5b: {  	_ =	shalt  }
0x5c: {  	_ =	shalt  }
0x5d: {  	_ =	shalt  }
0x5e: {  	_ =	shalt  }
0x5f: {  	_ =	shalt  }
0x60: {  	_ =	shalt  }
0x61: {  	_ =	shalt  }
0x62: {  	_ =	shalt  }
0x63: {  	_ =	shalt  }
0x64: {  	_ =	shalt  }
0x65: {  	_ =	shalt  }
0x66: {  	_ =	shalt  }
0x67: {  	_ =	shalt  }
0x68: {  	_ =	shalt  }
0x69: {  	_ =	shalt  }
0x6a: {  	_ =	shalt  }
0x6b: {  	_ =	shalt  }
0x6c: {  	_ =	shalt  }
0x6d: {  	_ =	shalt  }
0x6e: {  	_ =	shalt  }
0x6f: {  	_ =	shalt  }
0x70: {  	_ =	shalt  }
0x71: {  	_ =	shalt  }
0x72: {  	_ =	shalt  }
0x73: {  	_ =	shalt  }
0x74: {  	_ =	shalt  }
0x75: {  	_ =	shalt  }
0x76: {  	_ =	shalt  }
0x77: {  	_ =	shalt  }
0x78: {  	_ =	shalt  }
0x79: {  	_ =	shalt  }
0x7a: {  	_ =	shalt  }
0x7b: {  	_ =	shalt  }
0x7c: {  	_ =	shalt  }
0x7d: {  	_ =	shalt  }
0x7e: {  	_ =	shalt  }
0x7f: {  	_ =	shalt  }
0x80: {  	_ =	shalt  }
0x81: {  	_ =	shalt  }
0x82: {  	_ =	shalt  }
0x83: {  	_ =	shalt  }
0x84: {  	_ =	shalt  }
0x85: {  	_ =	shalt  }
0x86: {  	_ =	shalt  }
0x87: {  	_ =	shalt  }
.Lfunc_end0:
.L_simem_size_0:
called_computation.4_lowered:
.L_overlay_start_0:
0x88: {  	s2 =	sld [smem:$0x3FD9]  }
0x89: {  	s3 =	sld [smem:$0x3FFE];
	_ =	sdelay $0x1  }
0x8a: {  	s1 =	srdreg.scid  }
0x8b: {  	s0 =	sand.u32 $0x1, s1  }
0x8c: {  	s17 =	sshll.u32 s0, $0xA;
	s2 =	sadd.s32 s3, s2  }
0x8d: {  	s2 =	sadd.s32 s2, s17  }
0x8e: {  	[smem:$0x3FC3] =	sst s2  }
0x8f: {  	_ = 	snop  }
0x90: {  	s18 =	sld [smem:$0x3FD0];
	(tm) =	ssettm $0x1  }
0x91: {  	s19 =	sld [smem:$0x3FFB];
	_ =	sdelay $0x3  }
0x92: {  	_ =	strace s19  }
0x93: {  	s2 =	sld [smem:$0x3FFC];
	_ =	sdelay $0x3  }
0x94: {  	_ =	strace s2  }
0x95: {  	s2 =	sld [smem:$0x3FFD];
	_ =	sdelay $0x3  }
0x96: {  	_ =	strace s2  }
0x97: {  	_ =	strace $0x8FFFFFFF  }
0x98: {  	s20 =	sld [smem:$0x3FDB];
	_ =	sdelay $0x1  }
0x99: {  	s4 =	simm.s32 $_scs_section_size  }
0x9a: {  	s5 =	simm.s32 $_size__tile_overlayer_lowered;
	s6 =	simm.s32 $_tile_overlayer_lowered  }
0x9b: {  	s7 =	simm.s32 $0x1BFF;
	s21 =	sshll.u32 s6, $0x1;
	s4 =	sadd.s32 s4, s20  }
0x9c: {  	s22 =	simm.s32 $0x0;
	s5 =	sshll.u32 s5, $0x1;
	s6 =	sadd.s32 s21, s4  }
0x9d: {  	[timem:s22], [sflag:s7] =	dma.local [hbm:s6], s5  }
0x9e: {  	_ =	swait.ge [sflag:s7], s5  }
0x9f: {  	s5 =	ssub.s32 $0x0, s5;
	[sflag:s7] =	ssyncset.done $0x0  }
0xa0: {  	[sflag:s7] =	ssyncadd.s32 s5;
	_ =	sdelay $0x1  }
0xa1: {  	s23 =	simm.s32 $0x1B8B  }
0xa2: {  	_ =	swait.ge [sflag:s23], $0x1  }
0xa3: {  	[sflag:s23] =	ssyncset.done $0x0  }
0xa4: {  	[sflag:s23] =	ssyncadd.s32 $0xFFFFFFFF  }
0xa5: {  	s5 =	sld [smem:$0x0]  }
0xa6: {  	s6 =	sand.u32 $0xFFFFFFFE, s1  }
0xa7: {  	p0 =	sne.s32 s1, s6  }
0xa8: {  	s6 =	sshll.u32 @p0 s6, $0xE  }
0xa9: {  	s6 =	sadd.s32 @p0 $0x11B8D, s6;
	s7 =	sshll.u32 @p0 s5, $0x11  }
0xaa: {  	s6 =	sor.u32 @p0 s7, s6  }
0xab: {  	[sflag:s6] =	ssyncadd.remote.s32 @p0 $0x1;
	_ =	sdelay $0x1  }
0xac: {  	s6 =	simm.s32 @p0 $0x1B8D  }
0xad: {  	_ =	swait.eq @p0 [sflag:s6], $0x1  }
0xae: {  	[sflag:s6] =	ssyncadd.s32 @p0 $0xFFFFFFFF  }
0xaf: {  	s7 =	sshll.u32 @!p0 s1, $0xE  }
0xb0: {  	s7 =	sor.u32 @!p0 $0x4000, s7;
	s6 =	simm.s32 @!p0 $0x1B8D  }
0xb1: {  	s5 =	sshll.u32 @!p0 s5, $0x11;
	s7 =	sadd.s32 @!p0 $0x11B8D, s7;
	_ =	swait.eq @!p0 [sflag:s6], $0x1  }
0xb2: {  	s5 =	sor.u32 @!p0 s5, s7;
	[sflag:s6] =	ssyncadd.s32 @!p0 $0xFFFFFFFF  }
0xb3: {  	s25 =	simm.s32 $0x1B8E;
	s24 =	sld [smem:$0x3FFE];
	[sflag:s5] =	ssyncadd.remote.s32 @!p0 $0x1  }
0xb4: {  	s26 =	simm.s32 $execute0_lowered;
	[smem:$0x3FD2] =	sst s25  }
0xb5: {  	s6 =	sshll.u32 s26, $0x1;
	_ =	strace $0x8000004F;
	[dreg:$0x1] =	wrdreg $0xFFFFFFFF  }
0xb6: {  	s28 =	simm.s32 $_size_execute0_lowered;
	s4 =	sadd.s32 s4, s6;
	[dreg:$0x0] =	wrdreg $0x0  }
0xb7: {  	s6 =	sshll.u32 s28, $0x1;
	[dreg:$0x2] =	wrdreg s4  }
0xb8: {  	[dreg:$0x3] =	wrdreg s6  }
0xb9: {  	[dreg:$0x4] =	wrdreg $0xC0  }
0xba: {  	_ =	task [dreg:s22], $0x5FFFF  }
0xbb: {  	[dreg:$0x1] =	wrdreg $0xFFFFFFFF  }
0xbc: {  	[dreg:$0x0] =	wrdreg $0x60  }
0xbd: {  	[dreg:$0x2] =	wrdreg s24  }
0xbe: {  	[dreg:$0x3] =	wrdreg s18  }
0xbf: {  	[dreg:$0x4] =	wrdreg $0xC  }
0xc0: {  	_ =	task.clear_ibuf [dreg:s22], $0x5FFFF;
	_ =	strace $0x9000004F  }
0xc1: {  	s29 =	simm.s32 $0xC;
	_ =	strace $0x80000051  }
0xc2: {  	_ =	swait.ge [sflag:s29], $0x1  }
0xc3: {  	[sflag:s29] =	ssyncadd.s32 $0xFFFFFFFF  }
0xc4: {  	_ =	strace $0x90000051  }
0xc5: {  	_ =	sfence  }
0xc6: {  	s30 =	sld [smem:$0x0];
	_ =	sdelay $0x2  }
0xc7: {  	s31 =	sshll.u32 s1, $0xD;
	s1 =	sshrl.u32 s1, $0x2  }
0xc8: {  	s4 =	sand.u32 $0x4000, s31;
	s1 =	sadd.s32 s1, s30  }
0xc9: {  	s0 =	sor.u32 s4, s0;
	s1 =	sshll.u32 s1, $0x11  }
0xca: {  	s0 =	sor.u32 s1, s0  }
0xcb: {  	s0 =	sadd.s32 $0x8F2B, s0  }
0xcc: {  	[sflag:s0] =	ssyncadd.remote.s32 $0x1  }
0xcd: {  	_ =	sfence.sel $0xFFFF  }
0xce: {  	[dreg:$0x0] =	wrdreg $0xFFFFFFFF;
	(pc) =	sbr.abs _section_cstart, $3  }
0xcf: {  	[dreg:$0x1] =	wrdreg $0xFFFFFFFF  }
0xd0: {  	_ =	task.clear_ibuf [dreg:s22], $0x2FFFF;
	_ =	strace $0x9FFFFFFF  }
0xd1: {  	(tm) =	ssettm $0x7FFFFFFF  }
tec
execute0_lowered:
.L_overlay_start_1:
0x0: {  	(tag) =	ssettag $0x1  }
0x1: {  	s7 =	rddreg [dreg:$0x0]  }
0x2: {  	s2 =	rddreg [dreg:$0x1]  }
0x3: {  	s0 =	rddreg [dreg:$0x2]  }
0x4: {  	s1 =	srdreg.scid;
	_ =	strace $0x80000050;
	s4 =	simm.s32 $0x1  }
0x5: {  	s9 =	simm.s32 $0x3;
	s12 =	simm.s32 $0x0;
	s5 =	sshll.u32 s1, $0x4  }
.Ltmp0:
0x6: {  	s1 =	stileid.u32;
	s5 =	sand.u32 $0x10, s5;
	(pc) =	sbr.rel .LBB2_1-.Ltmp0, $4  }
0x7: {  	s10 =	simm.s32 $0x0;
	s3 =	sadd.s32 $0x212E00, s7;
	s6 =	sor.u32 s1, s5  }
0x8: {  	[sflag:s4] =	ssyncpa.u1 $0x0;
	s5 =	simm.s32 $0x2;
	s6 =	sshll.u32 s6, $0x8  }
0x9: {  	s7 =	sadd.s32 $0x412E00, s7;
	[sflag:s5] =	ssyncpa.u1 $0x0;
	s8 =	sadd.s32 $0x100, s6  }
0xa: {  	vm0 =	vmmov $0xff;
	vm1 =	vcmask $0x3F20;
	[sflag:s9] =	ssyncpa.u1 $0x0;
	s9 =	simm.s32 $0x100;
	s11 =	smov.u32 s6  }
.LBB2_9:
0xb: {  	p0 =	seq.s32 s10, $0x2  }
.Ltmp1:
0xc: {  	_ = 	snop;
	(pc) =	sbr.rel @p0 .LBB2_11-.Ltmp1, $1  }
0xd: {  	_ =	sdelay $0x3  }
.LBB2_10:
0xe: {  	s12 =	sadd.s32 $0x100, s11  }
0xf: {  	s13 =	smov.u32 s6;
	p0 =	slt.s32 s12, s8  }
0x10: {  	s13 =	smov.u32 @p0 s12  }
0x11: {  	s10 =	sadd.s32 $0x1, s10;
	s12 =	smov.u32 s11;
	s11 =	smov.u32 s13  }
.LBB2_1:
0x12: {  	p0 =	sne.s32 s10, $0x0  }
.Ltmp2:
0x13: {  	_ = 	snop;
	(pc) =	sbr.rel @!p0 .LBB2_2-.Ltmp2, $1  }
0x14: {  	_ =	sdelay $0x3  }
0x15: {  	s13 =	sand.u32 $0x1, s10  }
0x16: {  	p0 =	seq.s32 s13, $0x0  }
.Ltmp3:
0x17: {  	_ = 	snop;
	(pc) =	sbr.rel @p0 .LBB2_9-.Ltmp3, $1  }
0x18: {  	_ =	sdelay $0x3  }
0x19: {  	_ =	swait.ge [sflag:s5], $0x100  }
0x1a: {  	[sflag:s5] =	ssyncset.done $0x0  }
0x1b: {  	s13 =	simm.s32 $0x0;
	[sflag:s5] =	ssyncadd.s32 $0xFFFFFF00  }
0x1c: {  	v0 =	vld.msk [tilespmem:s13+$0x100 ss:$0x1], $0xffff;
	_ =	sdelay $0x4  }
0x1d: {  	vm2 =	vgt.s32 v0, $0x0  }
0x1e: {  	v0 =	vnsel vm2, $0x0, v0  }
0x1f: {  	v0 =	vmin.u32 v0, $0x1FFFF  }
0x20: {  	v0 =	vshll.u32 v0, $0x4;
	_ =	sdelay $0x3  }
0x21: {  	s13 =	simm.s32 $0x8200  }
0x22: {  	[tilespmem:s13], [sflag:$0x1] =	stream.indirect_vreg.gather [hbm:s3], $0x80, v0, vm0, $0x38;
	[tilespmem:$0x10200] =	vst v63  }
0x23: {  	s14 =	simm.s32 $0x8600;
	s31 =	simm.s32 $0x10  }
0x24: {  	[tilespmem:s14], [sflag:$0x1] =	stream.indirect_vreg.gather [hbm:s3], $0x80, v0, vm1, $0x38;
	[tilespmem:$0x10200] =	vst v63  }
0x25: {  	s14 =	simm.s32 $0x80;
	v0 =	vld.msk [tilespmem:s31+$0x100 ss:$0x1], $0xffff  }
.LBB2_5:
0x26: {  	p0 =	sne.s32 s14, $0x3C0;
	_ =	sdelay $0x4  }
0x27: {  	vm2 =	vgt.s32 v0, $0x0  }
0x28: {  	v0 =	vnsel vm2, $0x0, v0  }
0x29: {  	v0 =	vmin.u32 v0, $0x1FFFF  }
0x2a: {  	v0 =	vshll.u32 v0, $0x4;
	_ =	sdelay $0x3  }
.Ltmp4:
0x2b: {  	s13 =	sadd.s32 $0x800, s13;
	(pc) =	sbr.rel @p0 .LBB2_5-.Ltmp4, $4  }
0x2c: {  	[tilespmem:s13], [sflag:$0x1] =	stream.indirect_vreg.gather [hbm:s3], $0x80, v0, vm0, $0x38;
	[tilespmem:$0x10200] =	vst v63  }
0x2d: {  	s15 =	sshra.s32 s14, $0x2;
	s16 =	sadd.s32 $0x400, s13  }
0x2e: {  	[tilespmem:s16], [sflag:$0x1] =	stream.indirect_vreg.gather [hbm:s3], $0x80, v0, vm1, $0x38;
	[tilespmem:$0x10200] =	vst v63  }
0x2f: {  	s14 =	sadd.s32 $0x40, s14;
	v0 =	vld.msk [tilespmem:s15+$0x100 ss:$0x1], $0xffff  }
0x30: {  	_ =	sdelay $0x3  }
0x31: {  	vm2 =	vgt.s32 v0, $0x0  }
0x32: {  	v0 =	vnsel vm2, $0x0, v0  }
0x33: {  	v0 =	vmin.u32 v0, $0x1FFFF  }
0x34: {  	v0 =	vshll.u32 v0, $0x4;
	_ =	sdelay $0x3  }
0x35: {  	s13 =	sadd.s32 $0x800, s13  }
0x36: {  	[tilespmem:s13], [sflag:$0x1] =	stream.indirect_vreg.gather [hbm:s3], $0x80, v0, vm0, $0x38;
	[tilespmem:$0x10200] =	vst v63  }
0x37: {  	s13 =	sadd.s32 $0x400, s13  }
0x38: {  	[tilespmem:s13], [sflag:$0x1] =	stream.indirect_vreg.gather [hbm:s3], $0x80, v0, vm1, $0x38;
	[tilespmem:$0x10200] =	vst v63  }
0x39: {  	s12 =	sshll.u32 s12, $0x4;
	s14 =	simm.s32 $0x80;
	_ =	swait.ge [sflag:s4], $0x8000  }
0x3a: {  	s15 =	simm.s32 $0x8600;
	s12 =	sadd.s32 s12, s2;
	[sflag:s4] =	ssyncset.done $0x0  }
0x3b: {  	s16 =	sadd.s32 $0x0, s12;
	s13 =	simm.s32 $0x8200;
	[sflag:s4] =	ssyncadd.s32 $0xFFFF8000  }
.LBB2_7:
0x3c: {  	[hbm:s16] =	stream.linear.scatter [tilespmem:s13], [sflag:$0x3], $0x400, $0x38;
	[tilespmem:$0x10200] =	vst v63  }
0x3d: {  	s16 =	smov.u32 s14;
	s13 =	smov.u32 s15;
	p0 =	sne.s32 s14, $0xF80  }
.Ltmp5:
0x3e: {  	s14 =	sadd.s32 $0x80, s14;
	(pc) =	sbr.rel @p0 .LBB2_7-.Ltmp5, $2  }
0x3f: {  	_ =	sdelay $0x2  }
0x40: {  	s15 =	sadd.s32 $0x400, s15;
	s16 =	sadd.s32 s16, s12  }
.Ltmp6:
0x41: {  	(pc) =	sbr.rel .LBB2_9-.Ltmp6, $2  }
0x42: {  	_ =	sdelay $0x2  }
0x43: {  	[hbm:s16] =	stream.linear.scatter [tilespmem:s13], [sflag:$0x3], $0x400, $0x38;
	[tilespmem:$0x10200] =	vst v63  }
.LBB2_2:
.Ltmp7:
0x44: {  	(pc) =	sbr.rel .LBB2_10-.Ltmp7, $4  }
0x45: {  	_ = 	snop  }
0x46: {  	s12 =	sshrl.u32 s11, $0x3  }
0x47: {  	s13 =	sand.u32 $0x7, s11;
	s12 =	sadd.s32 s7, s12  }
0x48: {  	[tilespmem:s9], [sflag:$0x2] =	stream.linear.gather [hbm4b:s12+s13], $0x100, $0x38;
	[tilespmem:$0x10200] =	vst v63  }
.LBB2_11:
0x49: {  	s2 =	simm.s32 $0x3  }
0x4a: {  	_ =	swait.ge [sflag:s2], $0x8000  }
0x4b: {  	[sflag:s2] =	ssyncset.done $0x0  }
0x4c: {  	[sflag:s2] =	ssyncadd.s32 $0xFFFF8000  }
0x4d: {  	_ =	sfence.sel $0x180000  }
0x4e: {  	s3 =	simm.s32 $0x2;
	[bflag:$0x0] =	sbarrier.arrive $0xFFFF  }
0x4f: {  	[sflag:s3] =	ssyncpa.u1 $0x1  }
0x50: {  	s31 =	simm.s32 $0x1;
	[sflag:s2] =	ssyncpa.u1 $0x1  }
0x51: {  	[sflag:s31] =	ssyncpa.u1 $0x1  }
0x52: {  	p0 =	sne.s32 s1, $0x0;
	_ =	strace $0x90000050  }
0x53: {  	s0 =	sadd.s32 @!p0 $0x100000, s0;
	[bflag:$0x2] =	sbarrier.arrive $0xFFFF  }
0x54: {  	[sflag:s0] =	ssyncadd.tile.s32 @!p0 $0x1;
	_ =	shalt  }
.Lfunc_end2:
_tile_overlayer_lowered:
.L_overlay_start_2:
0x55: {  	(tag) =	ssettag $0x2  }
0x56: {  	s0 =	rddreg [dreg:$0x0];
	s2 =	stileid.u32  }
0x57: {  	s1 =	rddreg [dreg:$0x1];
	p0 =	sne.s32 s2, $0x0  }
0x58: {  	s3 =	rddreg [dreg:$0x2];
	[bflag:$0x3] =	sbarrier.arrive $0xFFFF;
	s2 =	simm.s32 @!p0 $0x1C01  }
0x59: {  	[timem:s3], [sflag:s2] =	dma.local @!p0 [hbm:s0], s1  }
0x5a: {  	s0 =	simm.s32 @!p0 $0x1  }
0x5b: {  	_ =	swait.ge @!p0 [sflag:s0], s1  }
0x5c: {  	s1 =	ssub.s32 @!p0 $0x0, s1;
	[sflag:s0] =	ssyncset.done @!p0 $0x0  }
0x5d: {  	[sflag:s0] =	ssyncadd.s32 @!p0 s1  }
0x5e: {  	[bflag:$0x3] =	sbarrier.arrive $0xFFFF  }
0x5f: {  	_ =	shalt  }

// kernel: gather_offload_async_start.4
scs
__scs_entry_jumppad:
0x0: {  	(pc) =	sbr.rel $0x88, $3  }
0x1: {  	(tag) =	ssettag $0x0;
	lr =	simm.s32 $0x1  }
0x2: {  	[smem:$0x3F9C] =	sst lr;
	_ =	strace $0xD0000000  }
0x3: {  	_ = 	snop  }
0x4: {  	_ = 	snop  }
0x5: {  	_ = 	snop  }
0x6: {  	_ = 	snop  }
0x7: {  	_ = 	snop  }
__scs_overlays_trampoline_lowered:
0x8: {  	[smem:$0x3FAB] =	sst s0  }
0x9: {  	[smem:$0x3FAC] =	sst s1  }
0xa: {  	[smem:$0x3FAD] =	sst s2  }
0xb: {  	[smem:$0x3FAE] =	sst s3  }
0xc: {  	[smem:$0x3FAF] =	sst s4  }
0xd: {  	[smem:$0x3FB0] =	sst s5  }
0xe: {  	[smem:$0x3FB1] =	sst s6  }
0xf: {  	[smem:$0x3FB2] =	sst s7  }
0x10: {  	[smem:$0x3FB3] =	sst s8  }
0x11: {  	[smem:$0x3FB4] =	sst s9;
	s0 =	simm.s32 @!p0 $0x0  }
0x12: {  	s1 =	sld [smem:$0x3F9A];
	s0 =	simm.s32 @p0 $0x1  }
0x13: {  	[smem:$0x3FB5] =	sst s0;
	s0 =	simm.s32 @!p1 $0x0  }
0x14: {  	s2 =	sld [smem:$0x3F99];
	s0 =	simm.s32 @p1 $0x1  }
0x15: {  	[smem:$0x3FB6] =	sst s0;
	s0 =	simm.s32 @!p2 $0x0  }
0x16: {  	s3 =	sld [smem:$0x3FDB];
	s0 =	simm.s32 @p2 $0x1  }
0x17: {  	s4 =	simm.s32 $0x1BF5;
	[smem:$0x3FB8] =	sst s0  }
0x18: {  	s0 =	sld [smem:$0x3F9B];
	_ =	swait.ge [sflag:s4], $0x0  }
0x19: {  	s7 =	sld [smem:$0x3F9C]  }
0x1a: {  	s8 =	sadd.s32 $0xFFFFE003, lr  }
0x1b: {  	s9 =	sadd.s32 $0xFFFFFEF7, lr;
	s5 =	simm.s32 $0xFFFFFFFF;
	p2 =	slt.u32 s8, $0xFFFFF086  }
0x1c: {  	p1 =	slt.u32 s9, $0xF7A;
	s5 =	simm.s32 @!p2 $0x0  }
0x1d: {  	s5 =	simm.s32 @p1 $0x1;
	p0 =	seq.s32 s7, s2  }
0x1e: {  	s7 =	smul.u32 @!p0 $0xF7A, s2;
	p2 =	seq.s32 @!p0 s5, $0x0  }
0x1f: {  	s9 =	smul.u32 $0xF7A, s1;
	s8 =	simm.s32 @!p0 $0x1BF5;
	p2 =	por !p2, p0  }
0x20: {  	[sflag:s8] =	ssyncset.s32 @!p0 $0xFFFFF086;
	s6 =	sadd.s32 @!p0 s3, s7;
	s7 =	simm.s32 @!p0 $0x108  }
0x21: {  	s3 =	sadd.s32 s3, s9;
	s6 =	sadd.s32 @!p0 $0x88, s6;
	s7 =	simm.s32 @p2 $0x1082  }
0x22: {  	[simem:s7], [sflag:s8] =	dma.local @!p0 [hbm:s6], $0xF7A  }
0x23: {  	s9 =	sor.u32 $0xD0000000, s2;
	s6 =	simm.s32 $0x108;
	_ =	swait.ge @!p0 [sflag:s8], $0x0  }
0x24: {  	s3 =	sadd.s32 $0x88, s3;
	s6 =	simm.s32 @!p1 $0x1082;
	[sflag:s4] =	ssyncset.s32 $0xFFFFF086  }
0x25: {  	[simem:s6], [sflag:s4] =	dma.local [hbm:s3], $0xF7A  }
0x26: {  	[smem:$0x3F9C] =	sst s1;
	(tag) =	ssettag s2;
	_ =	strace s9  }
0x27: {  	s1 =	sld [smem:$0x3FAC]  }
0x28: {  	s2 =	sld [smem:$0x3FAD]  }
0x29: {  	s4 =	sld [smem:$0x3FAF]  }
0x2a: {  	p0 =	seq.s32 s5, $0x0;
	s5 =	sld [smem:$0x3FB0]  }
0x2b: {  	s6 =	sld [smem:$0x3FB1]  }
0x2c: {  	s7 =	sld [smem:$0x3FB2]  }
0x2d: {  	s3 =	simm.s32 $0x108;
	s8 =	sld [smem:$0x3FB3]  }
0x2e: {  	s3 =	simm.s32 @!p0 $0x1082;
	s9 =	sld [smem:$0x3FB4]  }
0x2f: {  	lr =	sadd.s32 s0, s3;
	s0 =	sld [smem:$0x3FAB]  }
0x30: {  	s3 =	sld [smem:$0x3FAE]  }
0x31: {  	[smem:$0x3FB7] =	sst s10  }
0x32: {  	s10 =	sld [smem:$0x3FB5];
	_ =	sdelay $0x3  }
0x33: {  	p0 =	seq.s32 s10, $0x1;
	s10 =	sld [smem:$0x3FB7];
	_ =	sdelay $0x3  }
0x34: {  	[smem:$0x3FB7] =	sst s10  }
0x35: {  	s10 =	sld [smem:$0x3FB6];
	_ =	sdelay $0x3  }
0x36: {  	p1 =	seq.s32 s10, $0x1;
	s10 =	sld [smem:$0x3FB7];
	_ =	sdelay $0x3  }
0x37: {  	[smem:$0x3FB7] =	sst s10  }
0x38: {  	s10 =	sld [smem:$0x3FB8]  }
0x39: {  	_ = 	snop;
	(pc) =	sbr.ind lr, $3  }
0x3a: {  	_ = 	snop  }
0x3b: {  	_ = 	snop  }
0x3c: {  	p2 =	seq.s32 s10, $0x1;
	s10 =	sld [smem:$0x3FB7]  }
0x3d: {  	_ =	shalt  }
0x3e: {  	_ =	shalt  }
0x3f: {  	_ =	shalt  }
0x40: {  	_ =	shalt  }
0x41: {  	_ =	shalt  }
0x42: {  	_ =	shalt  }
0x43: {  	_ =	shalt  }
0x44: {  	_ =	shalt  }
0x45: {  	_ =	shalt  }
0x46: {  	_ =	shalt  }
0x47: {  	_ =	shalt  }
0x48: {  	_ =	shalt  }
0x49: {  	_ =	shalt  }
0x4a: {  	_ =	shalt  }
0x4b: {  	_ =	shalt  }
0x4c: {  	_ =	shalt  }
0x4d: {  	_ =	shalt  }
0x4e: {  	_ =	shalt  }
0x4f: {  	_ =	shalt  }
0x50: {  	_ =	shalt  }
0x51: {  	_ =	shalt  }
0x52: {  	_ =	shalt  }
0x53: {  	_ =	shalt  }
0x54: {  	_ =	shalt  }
0x55: {  	_ =	shalt  }
0x56: {  	_ =	shalt  }
0x57: {  	_ =	shalt  }
0x58: {  	_ =	shalt  }
0x59: {  	_ =	shalt  }
0x5a: {  	_ =	shalt  }
0x5b: {  	_ =	shalt  }
0x5c: {  	_ =	shalt  }
0x5d: {  	_ =	shalt  }
0x5e: {  	_ =	shalt  }
0x5f: {  	_ =	shalt  }
0x60: {  	_ =	shalt  }
0x61: {  	_ =	shalt  }
0x62: {  	_ =	shalt  }
0x63: {  	_ =	shalt  }
0x64: {  	_ =	shalt  }
0x65: {  	_ =	shalt  }
0x66: {  	_ =	shalt  }
0x67: {  	_ =	shalt  }
0x68: {  	_ =	shalt  }
0x69: {  	_ =	shalt  }
0x6a: {  	_ =	shalt  }
0x6b: {  	_ =	shalt  }
0x6c: {  	_ =	shalt  }
0x6d: {  	_ =	shalt  }
0x6e: {  	_ =	shalt  }
0x6f: {  	_ =	shalt  }
0x70: {  	_ =	shalt  }
0x71: {  	_ =	shalt  }
0x72: {  	_ =	shalt  }
0x73: {  	_ =	shalt  }
0x74: {  	_ =	shalt  }
0x75: {  	_ =	shalt  }
0x76: {  	_ =	shalt  }
0x77: {  	_ =	shalt  }
0x78: {  	_ =	shalt  }
0x79: {  	_ =	shalt  }
0x7a: {  	_ =	shalt  }
0x7b: {  	_ =	shalt  }
0x7c: {  	_ =	shalt  }
0x7d: {  	_ =	shalt  }
0x7e: {  	_ =	shalt  }
0x7f: {  	_ =	shalt  }
0x80: {  	_ =	shalt  }
0x81: {  	_ =	shalt  }
0x82: {  	_ =	shalt  }
0x83: {  	_ =	shalt  }
0x84: {  	_ =	shalt  }
0x85: {  	_ =	shalt  }
0x86: {  	_ =	shalt  }
0x87: {  	_ =	shalt  }
.Lfunc_end0:
.L_simem_size_0:
called_computation.5_lowered:
.L_overlay_start_0:
0x88: {  	s2 =	sld [smem:$0x3FD9]  }
0x89: {  	s3 =	sld [smem:$0x3FFE];
	_ =	sdelay $0x1  }
0x8a: {  	s1 =	srdreg.scid  }
0x8b: {  	s0 =	sand.u32 $0x1, s1  }
0x8c: {  	s16 =	sshll.u32 s0, $0xA;
	s2 =	sadd.s32 s3, s2  }
0x8d: {  	s2 =	sadd.s32 s2, s16  }
0x8e: {  	[smem:$0x3FC3] =	sst s2  }
0x8f: {  	_ = 	snop  }
0x90: {  	(tm) =	ssettm $0x1  }
0x91: {  	s17 =	sld [smem:$0x3FFB];
	_ =	sdelay $0x3  }
0x92: {  	_ =	strace s17  }
0x93: {  	s2 =	sld [smem:$0x3FFC];
	_ =	sdelay $0x3  }
0x94: {  	_ =	strace s2  }
0x95: {  	s2 =	sld [smem:$0x3FFD];
	_ =	sdelay $0x3  }
0x96: {  	_ =	strace s2  }
0x97: {  	_ =	strace $0x8FFFFFFF  }
0x98: {  	s18 =	sld [smem:$0x3FDB];
	_ =	sdelay $0x1  }
0x99: {  	s19 =	simm.s32 $_scs_section_size  }
0x9a: {  	s4 =	simm.s32 $_size__tile_overlayer_lowered;
	s5 =	simm.s32 $_tile_overlayer_lowered  }
0x9b: {  	s22 =	simm.s32 $0x1BFF;
	s21 =	sshll.u32 s5, $0x1;
	s2 =	sadd.s32 s19, s18  }
0x9c: {  	s6 =	simm.s32 $0x0;
	s20 =	sshll.u32 s4, $0x1;
	s4 =	sadd.s32 s21, s2  }
0x9d: {  	[timem:s6], [sflag:s22] =	dma.local [hbm:s4], s20  }
0x9e: {  	_ =	swait.ge [sflag:s22], s20  }
0x9f: {  	s3 =	ssub.s32 $0x0, s20;
	[sflag:s22] =	ssyncset.done $0x0  }
0xa0: {  	[sflag:s22] =	ssyncadd.s32 s3;
	_ =	sdelay $0x1  }
0xa1: {  	s23 =	simm.s32 $0x1B8B  }
0xa2: {  	_ =	swait.ge [sflag:s23], $0x1  }
0xa3: {  	[sflag:s23] =	ssyncset.done $0x0  }
0xa4: {  	s25 =	simm.s32 $0x1B8E;
	s24 =	sld [smem:$0x3FFE];
	[sflag:s23] =	ssyncadd.s32 $0xFFFFFFFF  }
0xa5: {  	s26 =	simm.s32 $execute0_lowered;
	[smem:$0x3FD2] =	sst s25  }
0xa6: {  	s4 =	sshll.u32 s26, $0x1;
	_ =	strace $0x8000004C;
	[dreg:$0x1] =	wrdreg $0xFFFFFFFF  }
0xa7: {  	s28 =	simm.s32 $_size_execute0_lowered;
	s2 =	sadd.s32 s2, s4;
	[dreg:$0x0] =	wrdreg $0x0  }
0xa8: {  	s4 =	sshll.u32 s28, $0x1;
	[dreg:$0x2] =	wrdreg s2  }
0xa9: {  	[dreg:$0x3] =	wrdreg s4  }
0xaa: {  	[dreg:$0x4] =	wrdreg $0xC0  }
0xab: {  	_ =	task [dreg:s6], $0x5FFFF  }
0xac: {  	[dreg:$0x1] =	wrdreg $0xFFFFFFFF  }
0xad: {  	[dreg:$0x0] =	wrdreg $0x60  }
0xae: {  	[dreg:$0x2] =	wrdreg s24  }
0xaf: {  	[dreg:$0x3] =	wrdreg $0xD  }
0xb0: {  	_ =	task.clear_ibuf [dreg:s6], $0x4FFFF;
	_ =	strace $0x9000004C  }
0xb1: {  	s29 =	simm.s32 $0xD;
	_ =	strace $0x8000004E  }
0xb2: {  	_ =	swait.ge [sflag:s29], $0x1  }
0xb3: {  	[sflag:s29] =	ssyncadd.s32 $0xFFFFFFFF  }
0xb4: {  	_ =	strace $0x9000004E  }
0xb5: {  	_ =	sfence  }
0xb6: {  	s30 =	sld [smem:$0x0];
	_ =	sdelay $0x2  }
0xb7: {  	s31 =	sshll.u32 s1, $0xD;
	s1 =	sshrl.u32 s1, $0x2  }
0xb8: {  	s3 =	sand.u32 $0x4000, s31;
	s1 =	sadd.s32 s1, s30  }
0xb9: {  	s0 =	sor.u32 s3, s0;
	s1 =	sshll.u32 s1, $0x11  }
0xba: {  	s0 =	sor.u32 s1, s0  }
0xbb: {  	s0 =	sadd.s32 $0x8F2B, s0  }
0xbc: {  	[sflag:s0] =	ssyncadd.remote.s32 $0x1  }
0xbd: {  	_ =	sfence.sel $0xFFFF  }
0xbe: {  	[dreg:$0x0] =	wrdreg $0xFFFFFFFF;
	(pc) =	sbr.abs _section_cstart, $3  }
0xbf: {  	[dreg:$0x1] =	wrdreg $0xFFFFFFFF  }
0xc0: {  	_ =	task.clear_ibuf [dreg:s6], $0x2FFFF;
	_ =	strace $0x9FFFFFFF  }
0xc1: {  	(tm) =	ssettm $0x7FFFFFFF  }
tec
execute0_lowered:
.L_overlay_start_1:
0x0: {  	(tag) =	ssettag $0x1  }
0x1: {  	s7 =	rddreg [dreg:$0x0]  }
0x2: {  	s0 =	rddreg [dreg:$0x1];
	_ =	strace $0x8000004D  }
0x3: {  	s1 =	srdreg.scid;
	s4 =	simm.s32 $0x1;
	s9 =	simm.s32 $0x3  }
0x4: {  	s12 =	simm.s32 $0x0;
	s10 =	simm.s32 $0x0;
	s5 =	sshll.u32 s1, $0x4  }
.Ltmp0:
0x5: {  	s1 =	stileid.u32;
	s5 =	sand.u32 $0x10, s5;
	(pc) =	sbr.rel .LBB2_1-.Ltmp0, $4  }
0x6: {  	s2 =	sadd.s32 $0x413200, s7;
	s3 =	sadd.s32 $0x412E00, s7;
	s6 =	sor.u32 s1, s5  }
0x7: {  	[sflag:s4] =	ssyncpa.u1 $0x0;
	s5 =	simm.s32 $0x2;
	s6 =	sshll.u32 s6, $0x8  }
0x8: {  	s7 =	sadd.s32 $0x613200, s7;
	[sflag:s5] =	ssyncpa.u1 $0x0;
	s8 =	sadd.s32 $0x100, s6  }
0x9: {  	vm0 =	vmmov $0xff;
	vm1 =	vcmask $0x3F20;
	[sflag:s9] =	ssyncpa.u1 $0x0;
	s9 =	simm.s32 $0x100;
	s11 =	smov.u32 s6  }
.LBB2_9:
0xa: {  	p0 =	seq.s32 s10, $0x2  }
.Ltmp1:
0xb: {  	_ = 	snop;
	(pc) =	sbr.rel @p0 .LBB2_11-.Ltmp1, $1  }
0xc: {  	_ =	sdelay $0x3  }
.LBB2_10:
0xd: {  	s12 =	sadd.s32 $0x100, s11  }
0xe: {  	s13 =	smov.u32 s6;
	p0 =	slt.s32 s12, s8  }
0xf: {  	s13 =	smov.u32 @p0 s12  }
0x10: {  	s10 =	sadd.s32 $0x1, s10;
	s12 =	smov.u32 s11;
	s11 =	smov.u32 s13  }
.LBB2_1:
0x11: {  	p0 =	sne.s32 s10, $0x0  }
.Ltmp2:
0x12: {  	_ = 	snop;
	(pc) =	sbr.rel @!p0 .LBB2_2-.Ltmp2, $1  }
0x13: {  	_ =	sdelay $0x3  }
0x14: {  	s13 =	sand.u32 $0x1, s10  }
0x15: {  	p0 =	seq.s32 s13, $0x0  }
.Ltmp3:
0x16: {  	_ = 	snop;
	(pc) =	sbr.rel @p0 .LBB2_9-.Ltmp3, $1  }
0x17: {  	_ =	sdelay $0x3  }
0x18: {  	_ =	swait.ge [sflag:s5], $0x100  }
0x19: {  	[sflag:s5] =	ssyncset.done $0x0  }
0x1a: {  	s13 =	simm.s32 $0x0;
	[sflag:s5] =	ssyncadd.s32 $0xFFFFFF00  }
0x1b: {  	v0 =	vld.msk [tilespmem:s13+$0x100 ss:$0x1], $0xffff;
	_ =	sdelay $0x4  }
0x1c: {  	vm2 =	vgt.s32 v0, $0x0  }
0x1d: {  	v0 =	vnsel vm2, $0x0, v0  }
0x1e: {  	v0 =	vmin.u32 v0, $0x1FFFF  }
0x1f: {  	v0 =	vshll.u32 v0, $0x4;
	_ =	sdelay $0x3  }
0x20: {  	s13 =	simm.s32 $0x8200  }
0x21: {  	[tilespmem:s13], [sflag:$0x1] =	stream.indirect_vreg.gather [hbm:s2], $0x80, v0, vm0, $0x38;
	[tilespmem:$0x10200] =	vst v63  }
0x22: {  	s14 =	simm.s32 $0x8600;
	s31 =	simm.s32 $0x10  }
0x23: {  	[tilespmem:s14], [sflag:$0x1] =	stream.indirect_vreg.gather [hbm:s2], $0x80, v0, vm1, $0x38;
	[tilespmem:$0x10200] =	vst v63  }
0x24: {  	s14 =	simm.s32 $0x80;
	v0 =	vld.msk [tilespmem:s31+$0x100 ss:$0x1], $0xffff  }
.LBB2_5:
0x25: {  	p0 =	sne.s32 s14, $0x3C0;
	_ =	sdelay $0x4  }
0x26: {  	vm2 =	vgt.s32 v0, $0x0  }
0x27: {  	v0 =	vnsel vm2, $0x0, v0  }
0x28: {  	v0 =	vmin.u32 v0, $0x1FFFF  }
0x29: {  	v0 =	vshll.u32 v0, $0x4;
	_ =	sdelay $0x3  }
.Ltmp4:
0x2a: {  	s13 =	sadd.s32 $0x800, s13;
	(pc) =	sbr.rel @p0 .LBB2_5-.Ltmp4, $4  }
0x2b: {  	[tilespmem:s13], [sflag:$0x1] =	stream.indirect_vreg.gather [hbm:s2], $0x80, v0, vm0, $0x38;
	[tilespmem:$0x10200] =	vst v63  }
0x2c: {  	s15 =	sshra.s32 s14, $0x2;
	s16 =	sadd.s32 $0x400, s13  }
0x2d: {  	[tilespmem:s16], [sflag:$0x1] =	stream.indirect_vreg.gather [hbm:s2], $0x80, v0, vm1, $0x38;
	[tilespmem:$0x10200] =	vst v63  }
0x2e: {  	s14 =	sadd.s32 $0x40, s14;
	v0 =	vld.msk [tilespmem:s15+$0x100 ss:$0x1], $0xffff  }
0x2f: {  	_ =	sdelay $0x3  }
0x30: {  	vm2 =	vgt.s32 v0, $0x0  }
0x31: {  	v0 =	vnsel vm2, $0x0, v0  }
0x32: {  	v0 =	vmin.u32 v0, $0x1FFFF  }
0x33: {  	v0 =	vshll.u32 v0, $0x4;
	_ =	sdelay $0x3  }
0x34: {  	s13 =	sadd.s32 $0x800, s13  }
0x35: {  	[tilespmem:s13], [sflag:$0x1] =	stream.indirect_vreg.gather [hbm:s2], $0x80, v0, vm0, $0x38;
	[tilespmem:$0x10200] =	vst v63  }
0x36: {  	s13 =	sadd.s32 $0x400, s13  }
0x37: {  	[tilespmem:s13], [sflag:$0x1] =	stream.indirect_vreg.gather [hbm:s2], $0x80, v0, vm1, $0x38;
	[tilespmem:$0x10200] =	vst v63  }
0x38: {  	s12 =	sshll.u32 s12, $0x4;
	s14 =	simm.s32 $0x80;
	_ =	swait.ge [sflag:s4], $0x8000  }
0x39: {  	s15 =	simm.s32 $0x8600;
	s12 =	sadd.s32 s12, s7;
	[sflag:s4] =	ssyncset.done $0x0  }
0x3a: {  	s16 =	sadd.s32 $0x0, s12;
	s13 =	simm.s32 $0x8200;
	[sflag:s4] =	ssyncadd.s32 $0xFFFF8000  }
.LBB2_7:
0x3b: {  	[hbm:s16] =	stream.linear.scatter [tilespmem:s13], [sflag:$0x3], $0x400, $0x38;
	[tilespmem:$0x10200] =	vst v63  }
0x3c: {  	s16 =	smov.u32 s14;
	s13 =	smov.u32 s15;
	p0 =	sne.s32 s14, $0xF80  }
.Ltmp5:
0x3d: {  	s14 =	sadd.s32 $0x80, s14;
	(pc) =	sbr.rel @p0 .LBB2_7-.Ltmp5, $2  }
0x3e: {  	_ =	sdelay $0x2  }
0x3f: {  	s15 =	sadd.s32 $0x400, s15;
	s16 =	sadd.s32 s16, s12  }
.Ltmp6:
0x40: {  	(pc) =	sbr.rel .LBB2_9-.Ltmp6, $2  }
0x41: {  	_ =	sdelay $0x2  }
0x42: {  	[hbm:s16] =	stream.linear.scatter [tilespmem:s13], [sflag:$0x3], $0x400, $0x38;
	[tilespmem:$0x10200] =	vst v63  }
.LBB2_2:
.Ltmp7:
0x43: {  	(pc) =	sbr.rel .LBB2_10-.Ltmp7, $4  }
0x44: {  	_ = 	snop  }
0x45: {  	s12 =	sshrl.u32 s11, $0x3  }
0x46: {  	s13 =	sand.u32 $0x7, s11;
	s12 =	sadd.s32 s3, s12  }
0x47: {  	[tilespmem:s9], [sflag:$0x2] =	stream.linear.gather [hbm4b:s12+s13], $0x100, $0x38;
	[tilespmem:$0x10200] =	vst v63  }
.LBB2_11:
0x48: {  	s2 =	simm.s32 $0x3  }
0x49: {  	_ =	swait.ge [sflag:s2], $0x8000  }
0x4a: {  	[sflag:s2] =	ssyncset.done $0x0  }
0x4b: {  	[sflag:s2] =	ssyncadd.s32 $0xFFFF8000  }
0x4c: {  	_ =	sfence.sel $0x180000  }
0x4d: {  	s3 =	simm.s32 $0x2;
	[bflag:$0x0] =	sbarrier.arrive $0xFFFF  }
0x4e: {  	[sflag:s3] =	ssyncpa.u1 $0x1  }
0x4f: {  	s31 =	simm.s32 $0x1;
	[sflag:s2] =	ssyncpa.u1 $0x1  }
0x50: {  	[sflag:s31] =	ssyncpa.u1 $0x1  }
0x51: {  	p0 =	sne.s32 s1, $0x0;
	_ =	strace $0x9000004D  }
0x52: {  	s0 =	sadd.s32 @!p0 $0x100000, s0;
	[bflag:$0x2] =	sbarrier.arrive $0xFFFF  }
0x53: {  	[sflag:s0] =	ssyncadd.tile.s32 @!p0 $0x1;
	_ =	shalt  }
.Lfunc_end2:
_tile_overlayer_lowered:
.L_overlay_start_2:
0x54: {  	(tag) =	ssettag $0x2  }
0x55: {  	s0 =	rddreg [dreg:$0x0];
	s2 =	stileid.u32  }
0x56: {  	s1 =	rddreg [dreg:$0x1];
	p0 =	sne.s32 s2, $0x0  }
0x57: {  	s3 =	rddreg [dreg:$0x2];
	[bflag:$0x3] =	sbarrier.arrive $0xFFFF;
	s2 =	simm.s32 @!p0 $0x1C01  }
0x58: {  	[timem:s3], [sflag:s2] =	dma.local @!p0 [hbm:s0], s1  }
0x59: {  	s0 =	simm.s32 @!p0 $0x1  }
0x5a: {  	_ =	swait.ge @!p0 [sflag:s0], s1  }
0x5b: {  	s1 =	ssub.s32 @!p0 $0x0, s1;
	[sflag:s0] =	ssyncset.done @!p0 $0x0  }
0x5c: {  	[sflag:s0] =	ssyncadd.s32 @!p0 s1  }
0x5d: {  	[bflag:$0x3] =	sbarrier.arrive $0xFFFF  }
0x5e: {  	_ =	shalt  }

// kernel: gather_offload_async_start.5
scs
__scs_entry_jumppad:
0x0: {  	(pc) =	sbr.rel $0x88, $3  }
0x1: {  	(tag) =	ssettag $0x0;
	lr =	simm.s32 $0x1  }
0x2: {  	[smem:$0x3F9C] =	sst lr;
	_ =	strace $0xD0000000  }
0x3: {  	_ = 	snop  }
0x4: {  	_ = 	snop  }
0x5: {  	_ = 	snop  }
0x6: {  	_ = 	snop  }
0x7: {  	_ = 	snop  }
__scs_overlays_trampoline_lowered:
0x8: {  	[smem:$0x3FAB] =	sst s0  }
0x9: {  	[smem:$0x3FAC] =	sst s1  }
0xa: {  	[smem:$0x3FAD] =	sst s2  }
0xb: {  	[smem:$0x3FAE] =	sst s3  }
0xc: {  	[smem:$0x3FAF] =	sst s4  }
0xd: {  	[smem:$0x3FB0] =	sst s5  }
0xe: {  	[smem:$0x3FB1] =	sst s6  }
0xf: {  	[smem:$0x3FB2] =	sst s7  }
0x10: {  	[smem:$0x3FB3] =	sst s8  }
0x11: {  	[smem:$0x3FB4] =	sst s9;
	s0 =	simm.s32 @!p0 $0x0  }
0x12: {  	s1 =	sld [smem:$0x3F9A];
	s0 =	simm.s32 @p0 $0x1  }
0x13: {  	[smem:$0x3FB5] =	sst s0;
	s0 =	simm.s32 @!p1 $0x0  }
0x14: {  	s2 =	sld [smem:$0x3F99];
	s0 =	simm.s32 @p1 $0x1  }
0x15: {  	[smem:$0x3FB6] =	sst s0;
	s0 =	simm.s32 @!p2 $0x0  }
0x16: {  	s3 =	sld [smem:$0x3FDB];
	s0 =	simm.s32 @p2 $0x1  }
0x17: {  	s4 =	simm.s32 $0x1BF5;
	[smem:$0x3FB8] =	sst s0  }
0x18: {  	s0 =	sld [smem:$0x3F9B];
	_ =	swait.ge [sflag:s4], $0x0  }
0x19: {  	s7 =	sld [smem:$0x3F9C]  }
0x1a: {  	s8 =	sadd.s32 $0xFFFFE003, lr  }
0x1b: {  	s9 =	sadd.s32 $0xFFFFFEF7, lr;
	s5 =	simm.s32 $0xFFFFFFFF;
	p2 =	slt.u32 s8, $0xFFFFF086  }
0x1c: {  	p1 =	slt.u32 s9, $0xF7A;
	s5 =	simm.s32 @!p2 $0x0  }
0x1d: {  	s5 =	simm.s32 @p1 $0x1;
	p0 =	seq.s32 s7, s2  }
0x1e: {  	s7 =	smul.u32 @!p0 $0xF7A, s2;
	p2 =	seq.s32 @!p0 s5, $0x0  }
0x1f: {  	s9 =	smul.u32 $0xF7A, s1;
	s8 =	simm.s32 @!p0 $0x1BF5;
	p2 =	por !p2, p0  }
0x20: {  	[sflag:s8] =	ssyncset.s32 @!p0 $0xFFFFF086;
	s6 =	sadd.s32 @!p0 s3, s7;
	s7 =	simm.s32 @!p0 $0x108  }
0x21: {  	s3 =	sadd.s32 s3, s9;
	s6 =	sadd.s32 @!p0 $0x88, s6;
	s7 =	simm.s32 @p2 $0x1082  }
0x22: {  	[simem:s7], [sflag:s8] =	dma.local @!p0 [hbm:s6], $0xF7A  }
0x23: {  	s9 =	sor.u32 $0xD0000000, s2;
	s6 =	simm.s32 $0x108;
	_ =	swait.ge @!p0 [sflag:s8], $0x0  }
0x24: {  	s3 =	sadd.s32 $0x88, s3;
	s6 =	simm.s32 @!p1 $0x1082;
	[sflag:s4] =	ssyncset.s32 $0xFFFFF086  }
0x25: {  	[simem:s6], [sflag:s4] =	dma.local [hbm:s3], $0xF7A  }
0x26: {  	[smem:$0x3F9C] =	sst s1;
	(tag) =	ssettag s2;
	_ =	strace s9  }
0x27: {  	s1 =	sld [smem:$0x3FAC]  }
0x28: {  	s2 =	sld [smem:$0x3FAD]  }
0x29: {  	s4 =	sld [smem:$0x3FAF]  }
0x2a: {  	p0 =	seq.s32 s5, $0x0;
	s5 =	sld [smem:$0x3FB0]  }
0x2b: {  	s6 =	sld [smem:$0x3FB1]  }
0x2c: {  	s7 =	sld [smem:$0x3FB2]  }
0x2d: {  	s3 =	simm.s32 $0x108;
	s8 =	sld [smem:$0x3FB3]  }
0x2e: {  	s3 =	simm.s32 @!p0 $0x1082;
	s9 =	sld [smem:$0x3FB4]  }
0x2f: {  	lr =	sadd.s32 s0, s3;
	s0 =	sld [smem:$0x3FAB]  }
0x30: {  	s3 =	sld [smem:$0x3FAE]  }
0x31: {  	[smem:$0x3FB7] =	sst s10  }
0x32: {  	s10 =	sld [smem:$0x3FB5];
	_ =	sdelay $0x3  }
0x33: {  	p0 =	seq.s32 s10, $0x1;
	s10 =	sld [smem:$0x3FB7];
	_ =	sdelay $0x3  }
0x34: {  	[smem:$0x3FB7] =	sst s10  }
0x35: {  	s10 =	sld [smem:$0x3FB6];
	_ =	sdelay $0x3  }
0x36: {  	p1 =	seq.s32 s10, $0x1;
	s10 =	sld [smem:$0x3FB7];
	_ =	sdelay $0x3  }
0x37: {  	[smem:$0x3FB7] =	sst s10  }
0x38: {  	s10 =	sld [smem:$0x3FB8]  }
0x39: {  	_ = 	snop;
	(pc) =	sbr.ind lr, $3  }
0x3a: {  	_ = 	snop  }
0x3b: {  	_ = 	snop  }
0x3c: {  	p2 =	seq.s32 s10, $0x1;
	s10 =	sld [smem:$0x3FB7]  }
0x3d: {  	_ =	shalt  }
0x3e: {  	_ =	shalt  }
0x3f: {  	_ =	shalt  }
0x40: {  	_ =	shalt  }
0x41: {  	_ =	shalt  }
0x42: {  	_ =	shalt  }
0x43: {  	_ =	shalt  }
0x44: {  	_ =	shalt  }
0x45: {  	_ =	shalt  }
0x46: {  	_ =	shalt  }
0x47: {  	_ =	shalt  }
0x48: {  	_ =	shalt  }
0x49: {  	_ =	shalt  }
0x4a: {  	_ =	shalt  }
0x4b: {  	_ =	shalt  }
0x4c: {  	_ =	shalt  }
0x4d: {  	_ =	shalt  }
0x4e: {  	_ =	shalt  }
0x4f: {  	_ =	shalt  }
0x50: {  	_ =	shalt  }
0x51: {  	_ =	shalt  }
0x52: {  	_ =	shalt  }
0x53: {  	_ =	shalt  }
0x54: {  	_ =	shalt  }
0x55: {  	_ =	shalt  }
0x56: {  	_ =	shalt  }
0x57: {  	_ =	shalt  }
0x58: {  	_ =	shalt  }
0x59: {  	_ =	shalt  }
0x5a: {  	_ =	shalt  }
0x5b: {  	_ =	shalt  }
0x5c: {  	_ =	shalt  }
0x5d: {  	_ =	shalt  }
0x5e: {  	_ =	shalt  }
0x5f: {  	_ =	shalt  }
0x60: {  	_ =	shalt  }
0x61: {  	_ =	shalt  }
0x62: {  	_ =	shalt  }
0x63: {  	_ =	shalt  }
0x64: {  	_ =	shalt  }
0x65: {  	_ =	shalt  }
0x66: {  	_ =	shalt  }
0x67: {  	_ =	shalt  }
0x68: {  	_ =	shalt  }
0x69: {  	_ =	shalt  }
0x6a: {  	_ =	shalt  }
0x6b: {  	_ =	shalt  }
0x6c: {  	_ =	shalt  }
0x6d: {  	_ =	shalt  }
0x6e: {  	_ =	shalt  }
0x6f: {  	_ =	shalt  }
0x70: {  	_ =	shalt  }
0x71: {  	_ =	shalt  }
0x72: {  	_ =	shalt  }
0x73: {  	_ =	shalt  }
0x74: {  	_ =	shalt  }
0x75: {  	_ =	shalt  }
0x76: {  	_ =	shalt  }
0x77: {  	_ =	shalt  }
0x78: {  	_ =	shalt  }
0x79: {  	_ =	shalt  }
0x7a: {  	_ =	shalt  }
0x7b: {  	_ =	shalt  }
0x7c: {  	_ =	shalt  }
0x7d: {  	_ =	shalt  }
0x7e: {  	_ =	shalt  }
0x7f: {  	_ =	shalt  }
0x80: {  	_ =	shalt  }
0x81: {  	_ =	shalt  }
0x82: {  	_ =	shalt  }
0x83: {  	_ =	shalt  }
0x84: {  	_ =	shalt  }
0x85: {  	_ =	shalt  }
0x86: {  	_ =	shalt  }
0x87: {  	_ =	shalt  }
.Lfunc_end0:
.L_simem_size_0:
called_computation.6_lowered:
.L_overlay_start_0:
0x88: {  	s2 =	sld [smem:$0x3FD9]  }
0x89: {  	s3 =	sld [smem:$0x3FFE];
	_ =	sdelay $0x1  }
0x8a: {  	s1 =	srdreg.scid  }
0x8b: {  	s0 =	sand.u32 $0x1, s1  }
0x8c: {  	s16 =	sshll.u32 s0, $0xA;
	s2 =	sadd.s32 s3, s2  }
0x8d: {  	s2 =	sadd.s32 s2, s16  }
0x8e: {  	[smem:$0x3FC3] =	sst s2  }
0x8f: {  	_ = 	snop  }
0x90: {  	(tm) =	ssettm $0x1  }
0x91: {  	s17 =	sld [smem:$0x3FFB];
	_ =	sdelay $0x3  }
0x92: {  	_ =	strace s17  }
0x93: {  	s2 =	sld [smem:$0x3FFC];
	_ =	sdelay $0x3  }
0x94: {  	_ =	strace s2  }
0x95: {  	s2 =	sld [smem:$0x3FFD];
	_ =	sdelay $0x3  }
0x96: {  	_ =	strace s2  }
0x97: {  	_ =	strace $0x8FFFFFFF  }
0x98: {  	s18 =	sld [smem:$0x3FDB];
	_ =	sdelay $0x1  }
0x99: {  	s19 =	simm.s32 $_scs_section_size  }
0x9a: {  	s4 =	simm.s32 $_size__tile_overlayer_lowered;
	s5 =	simm.s32 $_tile_overlayer_lowered  }
0x9b: {  	s22 =	simm.s32 $0x1BFF;
	s21 =	sshll.u32 s5, $0x1;
	s2 =	sadd.s32 s19, s18  }
0x9c: {  	s6 =	simm.s32 $0x0;
	s20 =	sshll.u32 s4, $0x1;
	s4 =	sadd.s32 s21, s2  }
0x9d: {  	[timem:s6], [sflag:s22] =	dma.local [hbm:s4], s20  }
0x9e: {  	_ =	swait.ge [sflag:s22], s20  }
0x9f: {  	s3 =	ssub.s32 $0x0, s20;
	[sflag:s22] =	ssyncset.done $0x0  }
0xa0: {  	[sflag:s22] =	ssyncadd.s32 s3;
	_ =	sdelay $0x1  }
0xa1: {  	s23 =	simm.s32 $0x1B8B  }
0xa2: {  	_ =	swait.ge [sflag:s23], $0x1  }
0xa3: {  	[sflag:s23] =	ssyncset.done $0x0  }
0xa4: {  	s25 =	simm.s32 $0x1B8E;
	s24 =	sld [smem:$0x3FFE];
	[sflag:s23] =	ssyncadd.s32 $0xFFFFFFFF  }
0xa5: {  	s26 =	simm.s32 $execute0_lowered;
	[smem:$0x3FD2] =	sst s25  }
0xa6: {  	s4 =	sshll.u32 s26, $0x1;
	_ =	strace $0x8000005B;
	[dreg:$0x1] =	wrdreg $0xFFFFFFFF  }
0xa7: {  	s28 =	simm.s32 $_size_execute0_lowered;
	s2 =	sadd.s32 s2, s4;
	[dreg:$0x0] =	wrdreg $0x0  }
0xa8: {  	s4 =	sshll.u32 s28, $0x1;
	[dreg:$0x2] =	wrdreg s2  }
0xa9: {  	[dreg:$0x3] =	wrdreg s4  }
0xaa: {  	[dreg:$0x4] =	wrdreg $0xC0  }
0xab: {  	_ =	task [dreg:s6], $0x5FFFF  }
0xac: {  	[dreg:$0x1] =	wrdreg $0xFFFFFFFF  }
0xad: {  	[dreg:$0x0] =	wrdreg $0x60  }
0xae: {  	[dreg:$0x2] =	wrdreg s24  }
0xaf: {  	[dreg:$0x3] =	wrdreg $0x9  }
0xb0: {  	_ =	task.clear_ibuf [dreg:s6], $0x4FFFF;
	_ =	strace $0x9000005B  }
0xb1: {  	s29 =	simm.s32 $0x9;
	_ =	strace $0x8000005D  }
0xb2: {  	_ =	swait.ge [sflag:s29], $0x1  }
0xb3: {  	[sflag:s29] =	ssyncadd.s32 $0xFFFFFFFF  }
0xb4: {  	_ =	strace $0x9000005D  }
0xb5: {  	_ =	sfence  }
0xb6: {  	s30 =	sld [smem:$0x0];
	_ =	sdelay $0x2  }
0xb7: {  	s31 =	sshll.u32 s1, $0xD;
	s1 =	sshrl.u32 s1, $0x2  }
0xb8: {  	s3 =	sand.u32 $0x4000, s31;
	s1 =	sadd.s32 s1, s30  }
0xb9: {  	s0 =	sor.u32 s3, s0;
	s1 =	sshll.u32 s1, $0x11  }
0xba: {  	s0 =	sor.u32 s1, s0  }
0xbb: {  	s0 =	sadd.s32 $0x8F2B, s0  }
0xbc: {  	[sflag:s0] =	ssyncadd.remote.s32 $0x1  }
0xbd: {  	_ =	sfence.sel $0xFFFF  }
0xbe: {  	[dreg:$0x0] =	wrdreg $0xFFFFFFFF;
	(pc) =	sbr.abs _section_cstart, $3  }
0xbf: {  	[dreg:$0x1] =	wrdreg $0xFFFFFFFF  }
0xc0: {  	_ =	task.clear_ibuf [dreg:s6], $0x2FFFF;
	_ =	strace $0x9FFFFFFF  }
0xc1: {  	(tm) =	ssettm $0x7FFFFFFF  }
tec
execute0_lowered:
.L_overlay_start_1:
0x0: {  	(tag) =	ssettag $0x1  }
0x1: {  	s7 =	rddreg [dreg:$0x0]  }
0x2: {  	s0 =	rddreg [dreg:$0x1];
	_ =	strace $0x8000005C  }
0x3: {  	s1 =	srdreg.scid;
	s4 =	simm.s32 $0x1;
	s9 =	simm.s32 $0x3  }
0x4: {  	s11 =	simm.s32 $0x0;
	p0 =	por $0x0, $0x0;
	s5 =	sshll.u32 s1, $0x4  }
.Ltmp0:
0x5: {  	s1 =	stileid.u32;
	s5 =	sand.u32 $0x10, s5;
	(pc) =	sbr.rel .LBB2_1-.Ltmp0, $4  }
0x6: {  	s2 =	sadd.s32 $0xF000, s7;
	s3 =	sadd.s32 $0xB000, s7;
	s6 =	sor.u32 s1, s5  }
0x7: {  	[sflag:s4] =	ssyncpa.u1 $0x0;
	s5 =	simm.s32 $0x2;
	s6 =	sshll.u32 s6, $0xC  }
0x8: {  	s7 =	sadd.s32 $0x20F000, s7;
	[sflag:s5] =	ssyncpa.u1 $0x0;
	s8 =	sadd.s32 $0x1000, s6  }
0x9: {  	vm0 =	vmmov $0xff;
	vm1 =	vcmask $0x3F20;
	[sflag:s9] =	ssyncpa.u1 $0x0;
	s10 =	smov.u32 s6;
	s9 =	simm.s32 $0x0  }
.LBB2_7:
0xa: {  	p1 =	slt.u32 s9, $0x2;
	s11 =	sadd.s32 $0x100, s10  }
0xb: {  	s13 =	smov.u32 s6;
	s9 =	sadd.s32 $0x1, s9;
	p2 =	slt.s32 s11, s8  }
0xc: {  	s13 =	smov.u32 @p2 s11;
	p2 =	sne.s32 s9, $0x12  }
.Ltmp1:
0xd: {  	_ = 	snop;
	(pc) =	sbr.rel @!p2 .LBB2_8-.Ltmp1, $4  }
0xe: {  	s12 =	simm.s32 @!p1 $0x3  }
0xf: {  	_ =	swait.ge @!p1 [sflag:s12], $0x8000  }
0x10: {  	p0 =	por !p0, !p0;
	[sflag:s12] =	ssyncset.done @!p1 $0x0  }
0x11: {  	s11 =	smov.u32 s10;
	s10 =	smov.u32 s13;
	[sflag:s12] =	ssyncadd.s32 @!p1 $0xFFFF8000  }
.LBB2_1:
0x12: {  	p1 =	sgt.u32 s9, $0xF  }
0x13: {  	s12 =	sxor.u32 @!p1 $0xFFFFFFFF, s9  }
0x14: {  	s13 =	sshrl.u32 @!p1 s10, $0x3;
	s12 =	sshll.u32 @!p1 s12, $0x8  }
0x15: {  	s14 =	sand.u32 @!p1 $0x7, s10;
	s13 =	sadd.s32 @!p1 s3, s13;
	s12 =	sand.u32 @!p1 $0x100, s12  }
0x16: {  	[tilespmem:s12], [sflag:$0x2] =	stream.linear.gather @!p1 [hbm4b:s13+s14], $0x100, $0x38;
	[tilespmem:$0x10200] =	vst v63  }
0x17: {  	p1 =	seq.s32 s9, $0x0  }
0x18: {  	p2 =	seq.s32 @!p1 s9, $0x11  }
0x19: {  	p1 =	por p1, p2  }
.Ltmp2:
0x1a: {  	_ = 	snop;
	(pc) =	sbr.rel @p1 .LBB2_7-.Ltmp2, $1  }
0x1b: {  	_ =	sdelay $0x3  }
0x1c: {  	s12 =	simm.s32 $0x1  }
0x1d: {  	_ =	swait.ge [sflag:s5], $0x100;
	s12 =	simm.s32 @!p0 $0x0  }
0x1e: {  	[sflag:s5] =	ssyncset.done $0x0;
	s14 =	sshll.u32 s12, $0x8  }
0x1f: {  	[sflag:s5] =	ssyncadd.s32 $0xFFFFFF00;
	s13 =	sadd.s32 $0x0, s14  }
0x20: {  	v0 =	vld.msk [tilespmem:s13+$0x0 ss:$0x1], $0xffff;
	_ =	sdelay $0x4  }
0x21: {  	vm2 =	vgt.s32 v0, $0x0  }
0x22: {  	v0 =	vnsel vm2, $0x0, v0  }
0x23: {  	v0 =	vmin.u32 v0, $0x1FFFF  }
0x24: {  	v0 =	vshll.u32 v0, $0x4;
	_ =	sdelay $0x2  }
0x25: {  	s12 =	sshll.u32 s12, $0xF  }
0x26: {  	s12 =	sor.u32 $0x200, s12  }
0x27: {  	[tilespmem:s12], [sflag:$0x1] =	stream.indirect_vreg.gather [hbm:s2], $0x80, v0, vm0, $0x38;
	[tilespmem:$0x10200] =	vst v63  }
0x28: {  	s15 =	sadd.s32 $0x10, s14;
	s13 =	sadd.s32 $0x400, s12  }
0x29: {  	[tilespmem:s13], [sflag:$0x1] =	stream.indirect_vreg.gather [hbm:s2], $0x80, v0, vm1, $0x38;
	[tilespmem:$0x10200] =	vst v63  }
0x2a: {  	s16 =	simm.s32 $0x80;
	v0 =	vld.msk [tilespmem:s15+$0x0 ss:$0x1], $0xffff;
	s15 =	smov.u32 s12  }
.LBB2_3:
0x2b: {  	p1 =	sne.s32 s16, $0x3C0;
	_ =	sdelay $0x4  }
0x2c: {  	vm2 =	vgt.s32 v0, $0x0  }
0x2d: {  	v0 =	vnsel vm2, $0x0, v0  }
0x2e: {  	v0 =	vmin.u32 v0, $0x1FFFF  }
0x2f: {  	v0 =	vshll.u32 v0, $0x4;
	_ =	sdelay $0x3  }
.Ltmp3:
0x30: {  	s17 =	sshra.s32 s16, $0x2;
	s15 =	sadd.s32 $0x800, s15;
	(pc) =	sbr.rel @p1 .LBB2_3-.Ltmp3, $4  }
0x31: {  	[tilespmem:s15], [sflag:$0x1] =	stream.indirect_vreg.gather [hbm:s2], $0x80, v0, vm0, $0x38;
	[tilespmem:$0x10200] =	vst v63  }
0x32: {  	s17 =	sadd.s32 s17, s14;
	s18 =	sadd.s32 $0x400, s15  }
0x33: {  	[tilespmem:s18], [sflag:$0x1] =	stream.indirect_vreg.gather [hbm:s2], $0x80, v0, vm1, $0x38;
	[tilespmem:$0x10200] =	vst v63  }
0x34: {  	s16 =	sadd.s32 $0x40, s16;
	v0 =	vld.msk [tilespmem:s17+$0x0 ss:$0x1], $0xffff  }
0x35: {  	_ =	sdelay $0x3  }
0x36: {  	vm2 =	vgt.s32 v0, $0x0  }
0x37: {  	v0 =	vnsel vm2, $0x0, v0  }
0x38: {  	v0 =	vmin.u32 v0, $0x1FFFF  }
0x39: {  	v0 =	vshll.u32 v0, $0x4;
	_ =	sdelay $0x3  }
0x3a: {  	s14 =	sadd.s32 $0x800, s15  }
0x3b: {  	[tilespmem:s14], [sflag:$0x1] =	stream.indirect_vreg.gather [hbm:s2], $0x80, v0, vm0, $0x38;
	[tilespmem:$0x10200] =	vst v63  }
0x3c: {  	s14 =	sadd.s32 $0x400, s14  }
0x3d: {  	[tilespmem:s14], [sflag:$0x1] =	stream.indirect_vreg.gather [hbm:s2], $0x80, v0, vm1, $0x38;
	[tilespmem:$0x10200] =	vst v63  }
0x3e: {  	s11 =	sshll.u32 s11, $0x4;
	_ =	swait.ge [sflag:s4], $0x8000  }
0x3f: {  	s11 =	sadd.s32 s11, s7;
	[sflag:s4] =	ssyncset.done $0x0  }
0x40: {  	s15 =	sadd.s32 $0x0, s11;
	s14 =	simm.s32 $0x80;
	[sflag:s4] =	ssyncadd.s32 $0xFFFF8000  }
.LBB2_5:
0x41: {  	[hbm:s15] =	stream.linear.scatter [tilespmem:s12], [sflag:$0x3], $0x400, $0x38;
	[tilespmem:$0x10200] =	vst v63  }
0x42: {  	s15 =	smov.u32 s14;
	s12 =	smov.u32 s13;
	p1 =	sne.s32 s14, $0xF80  }
.Ltmp4:
0x43: {  	s14 =	sadd.s32 $0x80, s14;
	(pc) =	sbr.rel @p1 .LBB2_5-.Ltmp4, $2  }
0x44: {  	_ =	sdelay $0x2  }
0x45: {  	s13 =	sadd.s32 $0x400, s13;
	s15 =	sadd.s32 s15, s11  }
.Ltmp5:
0x46: {  	(pc) =	sbr.rel .LBB2_7-.Ltmp5, $2  }
0x47: {  	_ =	sdelay $0x2  }
0x48: {  	[hbm:s15] =	stream.linear.scatter [tilespmem:s12], [sflag:$0x3], $0x400, $0x38;
	[tilespmem:$0x10200] =	vst v63  }
.LBB2_8:
0x49: {  	_ =	sfence.sel $0x180000  }
0x4a: {  	s2 =	simm.s32 $0x2;
	[bflag:$0x0] =	sbarrier.arrive $0xFFFF  }
0x4b: {  	s30 =	simm.s32 $0x3;
	[sflag:s2] =	ssyncpa.u1 $0x1  }
0x4c: {  	s31 =	simm.s32 $0x1;
	[sflag:s30] =	ssyncpa.u1 $0x1  }
0x4d: {  	[sflag:s31] =	ssyncpa.u1 $0x1  }
0x4e: {  	p0 =	sne.s32 s1, $0x0;
	_ =	strace $0x9000005C  }
0x4f: {  	s0 =	sadd.s32 @!p0 $0x100000, s0;
	[bflag:$0x2] =	sbarrier.arrive $0xFFFF  }
0x50: {  	[sflag:s0] =	ssyncadd.tile.s32 @!p0 $0x1;
	_ =	shalt  }
.Lfunc_end2:
_tile_overlayer_lowered:
.L_overlay_start_2:
0x51: {  	(tag) =	ssettag $0x2  }
0x52: {  	s0 =	rddreg [dreg:$0x0];
	s2 =	stileid.u32  }
0x53: {  	s1 =	rddreg [dreg:$0x1];
	p0 =	sne.s32 s2, $0x0  }
0x54: {  	s3 =	rddreg [dreg:$0x2];
	[bflag:$0x3] =	sbarrier.arrive $0xFFFF;
	s2 =	simm.s32 @!p0 $0x1C01  }
0x55: {  	[timem:s3], [sflag:s2] =	dma.local @!p0 [hbm:s0], s1  }
0x56: {  	s0 =	simm.s32 @!p0 $0x1  }
0x57: {  	_ =	swait.ge @!p0 [sflag:s0], s1  }
0x58: {  	s1 =	ssub.s32 @!p0 $0x0, s1;
	[sflag:s0] =	ssyncset.done @!p0 $0x0  }
0x59: {  	[sflag:s0] =	ssyncadd.s32 @!p0 s1  }
0x5a: {  	[bflag:$0x3] =	sbarrier.arrive $0xFFFF  }
0x5b: {  	_ =	shalt  }

// kernel: gather_offload_async_start.6
scs
__scs_entry_jumppad:
0x0: {  	(pc) =	sbr.rel $0x88, $3  }
0x1: {  	(tag) =	ssettag $0x0;
	lr =	simm.s32 $0x1  }
0x2: {  	[smem:$0x3F9C] =	sst lr;
	_ =	strace $0xD0000000  }
0x3: {  	_ = 	snop  }
0x4: {  	_ = 	snop  }
0x5: {  	_ = 	snop  }
0x6: {  	_ = 	snop  }
0x7: {  	_ = 	snop  }
__scs_overlays_trampoline_lowered:
0x8: {  	[smem:$0x3FAB] =	sst s0  }
0x9: {  	[smem:$0x3FAC] =	sst s1  }
0xa: {  	[smem:$0x3FAD] =	sst s2  }
0xb: {  	[smem:$0x3FAE] =	sst s3  }
0xc: {  	[smem:$0x3FAF] =	sst s4  }
0xd: {  	[smem:$0x3FB0] =	sst s5  }
0xe: {  	[smem:$0x3FB1] =	sst s6  }
0xf: {  	[smem:$0x3FB2] =	sst s7  }
0x10: {  	[smem:$0x3FB3] =	sst s8  }
0x11: {  	[smem:$0x3FB4] =	sst s9;
	s0 =	simm.s32 @!p0 $0x0  }
0x12: {  	s1 =	sld [smem:$0x3F9A];
	s0 =	simm.s32 @p0 $0x1  }
0x13: {  	[smem:$0x3FB5] =	sst s0;
	s0 =	simm.s32 @!p1 $0x0  }
0x14: {  	s2 =	sld [smem:$0x3F99];
	s0 =	simm.s32 @p1 $0x1  }
0x15: {  	[smem:$0x3FB6] =	sst s0;
	s0 =	simm.s32 @!p2 $0x0  }
0x16: {  	s3 =	sld [smem:$0x3FDB];
	s0 =	simm.s32 @p2 $0x1  }
0x17: {  	s4 =	simm.s32 $0x1BF5;
	[smem:$0x3FB8] =	sst s0  }
0x18: {  	s0 =	sld [smem:$0x3F9B];
	_ =	swait.ge [sflag:s4], $0x0  }
0x19: {  	s7 =	sld [smem:$0x3F9C]  }
0x1a: {  	s8 =	sadd.s32 $0xFFFFE003, lr  }
0x1b: {  	s9 =	sadd.s32 $0xFFFFFEF7, lr;
	s5 =	simm.s32 $0xFFFFFFFF;
	p2 =	slt.u32 s8, $0xFFFFF086  }
0x1c: {  	p1 =	slt.u32 s9, $0xF7A;
	s5 =	simm.s32 @!p2 $0x0  }
0x1d: {  	s5 =	simm.s32 @p1 $0x1;
	p0 =	seq.s32 s7, s2  }
0x1e: {  	s7 =	smul.u32 @!p0 $0xF7A, s2;
	p2 =	seq.s32 @!p0 s5, $0x0  }
0x1f: {  	s9 =	smul.u32 $0xF7A, s1;
	s8 =	simm.s32 @!p0 $0x1BF5;
	p2 =	por !p2, p0  }
0x20: {  	[sflag:s8] =	ssyncset.s32 @!p0 $0xFFFFF086;
	s6 =	sadd.s32 @!p0 s3, s7;
	s7 =	simm.s32 @!p0 $0x108  }
0x21: {  	s3 =	sadd.s32 s3, s9;
	s6 =	sadd.s32 @!p0 $0x88, s6;
	s7 =	simm.s32 @p2 $0x1082  }
0x22: {  	[simem:s7], [sflag:s8] =	dma.local @!p0 [hbm:s6], $0xF7A  }
0x23: {  	s9 =	sor.u32 $0xD0000000, s2;
	s6 =	simm.s32 $0x108;
	_ =	swait.ge @!p0 [sflag:s8], $0x0  }
0x24: {  	s3 =	sadd.s32 $0x88, s3;
	s6 =	simm.s32 @!p1 $0x1082;
	[sflag:s4] =	ssyncset.s32 $0xFFFFF086  }
0x25: {  	[simem:s6], [sflag:s4] =	dma.local [hbm:s3], $0xF7A  }
0x26: {  	[smem:$0x3F9C] =	sst s1;
	(tag) =	ssettag s2;
	_ =	strace s9  }
0x27: {  	s1 =	sld [smem:$0x3FAC]  }
0x28: {  	s2 =	sld [smem:$0x3FAD]  }
0x29: {  	s4 =	sld [smem:$0x3FAF]  }
0x2a: {  	p0 =	seq.s32 s5, $0x0;
	s5 =	sld [smem:$0x3FB0]  }
0x2b: {  	s6 =	sld [smem:$0x3FB1]  }
0x2c: {  	s7 =	sld [smem:$0x3FB2]  }
0x2d: {  	s3 =	simm.s32 $0x108;
	s8 =	sld [smem:$0x3FB3]  }
0x2e: {  	s3 =	simm.s32 @!p0 $0x1082;
	s9 =	sld [smem:$0x3FB4]  }
0x2f: {  	lr =	sadd.s32 s0, s3;
	s0 =	sld [smem:$0x3FAB]  }
0x30: {  	s3 =	sld [smem:$0x3FAE]  }
0x31: {  	[smem:$0x3FB7] =	sst s10  }
0x32: {  	s10 =	sld [smem:$0x3FB5];
	_ =	sdelay $0x3  }
0x33: {  	p0 =	seq.s32 s10, $0x1;
	s10 =	sld [smem:$0x3FB7];
	_ =	sdelay $0x3  }
0x34: {  	[smem:$0x3FB7] =	sst s10  }
0x35: {  	s10 =	sld [smem:$0x3FB6];
	_ =	sdelay $0x3  }
0x36: {  	p1 =	seq.s32 s10, $0x1;
	s10 =	sld [smem:$0x3FB7];
	_ =	sdelay $0x3  }
0x37: {  	[smem:$0x3FB7] =	sst s10  }
0x38: {  	s10 =	sld [smem:$0x3FB8]  }
0x39: {  	_ = 	snop;
	(pc) =	sbr.ind lr, $3  }
0x3a: {  	_ = 	snop  }
0x3b: {  	_ = 	snop  }
0x3c: {  	p2 =	seq.s32 s10, $0x1;
	s10 =	sld [smem:$0x3FB7]  }
0x3d: {  	_ =	shalt  }
0x3e: {  	_ =	shalt  }
0x3f: {  	_ =	shalt  }
0x40: {  	_ =	shalt  }
0x41: {  	_ =	shalt  }
0x42: {  	_ =	shalt  }
0x43: {  	_ =	shalt  }
0x44: {  	_ =	shalt  }
0x45: {  	_ =	shalt  }
0x46: {  	_ =	shalt  }
0x47: {  	_ =	shalt  }
0x48: {  	_ =	shalt  }
0x49: {  	_ =	shalt  }
0x4a: {  	_ =	shalt  }
0x4b: {  	_ =	shalt  }
0x4c: {  	_ =	shalt  }
0x4d: {  	_ =	shalt  }
0x4e: {  	_ =	shalt  }
0x4f: {  	_ =	shalt  }
0x50: {  	_ =	shalt  }
0x51: {  	_ =	shalt  }
0x52: {  	_ =	shalt  }
0x53: {  	_ =	shalt  }
0x54: {  	_ =	shalt  }
0x55: {  	_ =	shalt  }
0x56: {  	_ =	shalt  }
0x57: {  	_ =	shalt  }
0x58: {  	_ =	shalt  }
0x59: {  	_ =	shalt  }
0x5a: {  	_ =	shalt  }
0x5b: {  	_ =	shalt  }
0x5c: {  	_ =	shalt  }
0x5d: {  	_ =	shalt  }
0x5e: {  	_ =	shalt  }
0x5f: {  	_ =	shalt  }
0x60: {  	_ =	shalt  }
0x61: {  	_ =	shalt  }
0x62: {  	_ =	shalt  }
0x63: {  	_ =	shalt  }
0x64: {  	_ =	shalt  }
0x65: {  	_ =	shalt  }
0x66: {  	_ =	shalt  }
0x67: {  	_ =	shalt  }
0x68: {  	_ =	shalt  }
0x69: {  	_ =	shalt  }
0x6a: {  	_ =	shalt  }
0x6b: {  	_ =	shalt  }
0x6c: {  	_ =	shalt  }
0x6d: {  	_ =	shalt  }
0x6e: {  	_ =	shalt  }
0x6f: {  	_ =	shalt  }
0x70: {  	_ =	shalt  }
0x71: {  	_ =	shalt  }
0x72: {  	_ =	shalt  }
0x73: {  	_ =	shalt  }
0x74: {  	_ =	shalt  }
0x75: {  	_ =	shalt  }
0x76: {  	_ =	shalt  }
0x77: {  	_ =	shalt  }
0x78: {  	_ =	shalt  }
0x79: {  	_ =	shalt  }
0x7a: {  	_ =	shalt  }
0x7b: {  	_ =	shalt  }
0x7c: {  	_ =	shalt  }
0x7d: {  	_ =	shalt  }
0x7e: {  	_ =	shalt  }
0x7f: {  	_ =	shalt  }
0x80: {  	_ =	shalt  }
0x81: {  	_ =	shalt  }
0x82: {  	_ =	shalt  }
0x83: {  	_ =	shalt  }
0x84: {  	_ =	shalt  }
0x85: {  	_ =	shalt  }
0x86: {  	_ =	shalt  }
0x87: {  	_ =	shalt  }
.Lfunc_end0:
.L_simem_size_0:
called_computation.7_lowered:
.L_overlay_start_0:
0x88: {  	s2 =	sld [smem:$0x3FD9]  }
0x89: {  	s3 =	sld [smem:$0x3FFE];
	_ =	sdelay $0x1  }
0x8a: {  	s1 =	srdreg.scid  }
0x8b: {  	s0 =	sand.u32 $0x1, s1  }
0x8c: {  	s17 =	sshll.u32 s0, $0xA;
	s2 =	sadd.s32 s3, s2  }
0x8d: {  	s2 =	sadd.s32 s2, s17  }
0x8e: {  	[smem:$0x3FC3] =	sst s2  }
0x8f: {  	_ = 	snop  }
0x90: {  	s2 =	sld [smem:$0x3FD0];
	(tm) =	ssettm $0x1  }
0x91: {  	s18 =	sld [smem:$0x3FFB];
	_ =	sdelay $0x3  }
0x92: {  	_ =	strace s18  }
0x93: {  	s3 =	sld [smem:$0x3FFC];
	_ =	sdelay $0x3  }
0x94: {  	_ =	strace s3  }
0x95: {  	s3 =	sld [smem:$0x3FFD];
	_ =	sdelay $0x3  }
0x96: {  	_ =	strace s3  }
0x97: {  	_ =	strace $0x8FFFFFFF  }
0x98: {  	s19 =	sld [smem:$0x3FDB];
	_ =	sdelay $0x1  }
0x99: {  	s4 =	simm.s32 $_scs_section_size  }
0x9a: {  	s5 =	simm.s32 $_size__tile_overlayer_lowered;
	s6 =	simm.s32 $_tile_overlayer_lowered  }
0x9b: {  	s22 =	simm.s32 $0x1BFF;
	s21 =	sshll.u32 s6, $0x1;
	s3 =	sadd.s32 s4, s19  }
0x9c: {  	s7 =	simm.s32 $0x0;
	s20 =	sshll.u32 s5, $0x1;
	s5 =	sadd.s32 s21, s3  }
0x9d: {  	[timem:s7], [sflag:s22] =	dma.local [hbm:s5], s20  }
0x9e: {  	_ =	swait.ge [sflag:s22], s20  }
0x9f: {  	s4 =	ssub.s32 $0x0, s20;
	[sflag:s22] =	ssyncset.done $0x0  }
0xa0: {  	[sflag:s22] =	ssyncadd.s32 s4;
	_ =	sdelay $0x1  }
0xa1: {  	s23 =	simm.s32 $0x1B8B  }
0xa2: {  	_ =	swait.ge [sflag:s23], $0x1  }
0xa3: {  	[sflag:s23] =	ssyncset.done $0x0  }
0xa4: {  	s25 =	simm.s32 $0x1B8E;
	s24 =	sld [smem:$0x3FFE];
	[sflag:s23] =	ssyncadd.s32 $0xFFFFFFFF  }
0xa5: {  	s26 =	simm.s32 $execute0_lowered;
	[smem:$0x3FD2] =	sst s25  }
0xa6: {  	s5 =	sshll.u32 s26, $0x1;
	_ =	strace $0x80000049;
	[dreg:$0x1] =	wrdreg $0xFFFFFFFF  }
0xa7: {  	s28 =	simm.s32 $_size_execute0_lowered;
	s3 =	sadd.s32 s3, s5;
	[dreg:$0x0] =	wrdreg $0x0  }
0xa8: {  	s5 =	sshll.u32 s28, $0x1;
	[dreg:$0x2] =	wrdreg s3  }
0xa9: {  	[dreg:$0x3] =	wrdreg s5  }
0xaa: {  	[dreg:$0x4] =	wrdreg $0xC0  }
0xab: {  	_ =	task [dreg:s7], $0x5FFFF  }
0xac: {  	[dreg:$0x1] =	wrdreg $0xFFFFFFFF  }
0xad: {  	[dreg:$0x0] =	wrdreg $0x60  }
0xae: {  	[dreg:$0x2] =	wrdreg s24  }
0xaf: {  	[dreg:$0x3] =	wrdreg s2  }
0xb0: {  	[dreg:$0x4] =	wrdreg $0x9  }
0xb1: {  	_ =	task.clear_ibuf [dreg:s7], $0x5FFFF;
	_ =	strace $0x90000049  }
0xb2: {  	s29 =	simm.s32 $0x9;
	_ =	strace $0x8000004B  }
0xb3: {  	_ =	swait.ge [sflag:s29], $0x1  }
0xb4: {  	[sflag:s29] =	ssyncadd.s32 $0xFFFFFFFF  }
0xb5: {  	_ =	strace $0x9000004B  }
0xb6: {  	_ =	sfence  }
0xb7: {  	s30 =	sld [smem:$0x0];
	_ =	sdelay $0x2  }
0xb8: {  	s31 =	sshll.u32 s1, $0xD;
	s1 =	sshrl.u32 s1, $0x2  }
0xb9: {  	s3 =	sand.u32 $0x4000, s31;
	s1 =	sadd.s32 s1, s30  }
0xba: {  	s0 =	sor.u32 s3, s0;
	s1 =	sshll.u32 s1, $0x11  }
0xbb: {  	s0 =	sor.u32 s1, s0  }
0xbc: {  	s0 =	sadd.s32 $0x8F2B, s0  }
0xbd: {  	[sflag:s0] =	ssyncadd.remote.s32 $0x1  }
0xbe: {  	_ =	sfence.sel $0xFFFF  }
0xbf: {  	[dreg:$0x0] =	wrdreg $0xFFFFFFFF;
	(pc) =	sbr.abs _section_cstart, $3  }
0xc0: {  	[dreg:$0x1] =	wrdreg $0xFFFFFFFF  }
0xc1: {  	_ =	task.clear_ibuf [dreg:s7], $0x2FFFF;
	_ =	strace $0x9FFFFFFF  }
0xc2: {  	(tm) =	ssettm $0x7FFFFFFF  }
0xc3: {  	_ =	shalt  }
tec
execute0_lowered:
.L_overlay_start_1:
0x0: {  	(tag) =	ssettag $0x1  }
0x1: {  	s1 =	srdreg.scid;
	s5 =	rddreg [dreg:$0x0]  }
0x2: {  	s0 =	stileid.u32;
	s2 =	rddreg [dreg:$0x1];
	s6 =	simm.s32 $0x1  }
0x3: {  	s9 =	simm.s32 $0x1;
	s10 =	simm.s32 $0x3;
	s1 =	sshll.u32 s1, $0x7  }
0x4: {  	s13 =	simm.s32 $0x0;
	s3 =	sshll.u32 s0, $0x8;
	s4 =	sand.u32 $0x80, s1  }
0x5: {  	s12 =	simm.s32 $0x0;
	s1 =	rddreg [dreg:$0x2];
	s3 =	sor.u32 s3, s4  }
0x6: {  	_ =	strace $0x8000004A;
	s4 =	sadd.s32 $0xAE00, s5;
	s8 =	ssub.s32 $0x2000, s3  }
.Ltmp0:
0x7: {  	s5 =	sadd.s32 $0x412E00, s5;
	s7 =	sand.u32 $0xF80, s8;
	(pc) =	sbr.rel .LBB2_1-.Ltmp0, $4  }
0x8: {  	[sflag:s6] =	ssyncpa.u1 $0x0;
	s11 =	smov.u32 s3;
	p0 =	sne.s32 s7, $0x0  }
0x9: {  	s8 =	sshrl.u32 s8, $0xC;
	s7 =	simm.s32 $0x2;
	s9 =	simm.s32 @!p0 $0x0  }
0xa: {  	[sflag:s7] =	ssyncpa.u1 $0x0;
	p0 =	por $0x0, $0x0;
	s8 =	sadd.s32 s9, s8  }
0xb: {  	vm0 =	vmmov $0xffff;
	[sflag:s10] =	ssyncpa.u1 $0x0;
	s10 =	simm.s32 $0x0;
	s9 =	sadd.s32 $0x1, s8  }
.LBB2_4:
0xc: {  	vm1 =	veq.s32 v0, $0x80000000;
	v63 =	vand.u32 $0x1F, v0;
	v2 =	vand.u32 $0xFFF, v2  }
0xd: {  	v0 =	vsel vm1, $0xFFFFFFFF, v63;
	v2 =	vsel vm1, $0xFFFFFFFF, v2  }
0xe: {  	v3 =	vshll.u32 v0, $0xC;
	v4 =	vshll.u32 v2, $0x3  }
0xf: {  	v0 =	vshll.u32 v0, $0x7;
	v3 =	vand.u32 $0xFFFF8000, v3;
	v4 =	vand.u32 $0xFFFFFC00, v4  }
0x10: {  	v0 =	vand.u32 $0x380, v0;
	v3 =	vadd.s32 v3, v4  }
0x11: {  	v2 =	vand.u32 $0x7F, v2;
	v0 =	vor.u32 v0, v3  }
0x12: {  	v0 =	vor.u32 v2, v0;
	_ =	sdelay $0x1  }
0x13: {  	(ifvalue) =	ssetifvalue $0x7FFFFFFF;
	s14 =	sadd.s32 $0x10, s14  }
0x14: {  	[tilespmem:s14], [sflag:$0x1] =	stream.indirect_vreg.gather [hbm4b:s4+s10], $0x1, v1, vm0, $0x4038;
	[tilespmem:$0x200] =	vst v63  }
0x15: {  	(ifvalue) =	ssetifvalue $0x7FFFFFFF;
	s14 =	sadd.s32 $0x10, s14  }
0x16: {  	[tilespmem:s14], [sflag:$0x1] =	stream.indirect_vreg.gather [hbm4b:s4+s10], $0x1, v0, vm0, $0x4038;
	[tilespmem:$0x200] =	vst v63  }
0x17: {  	_ =	swait.ge [sflag:s6], $0x80  }
0x18: {  	s30 =	sshrl.u32 s13, $0x3;
	[sflag:s6] =	ssyncset.done $0x0  }
0x19: {  	s31 =	sand.u32 $0x7, s13;
	s14 =	sadd.s32 s2, s30;
	[sflag:s6] =	ssyncadd.s32 $0xFFFFFF80  }
0x1a: {  	[hbm4b:s14+s31] =	stream.linear.scatter [tilespmem:s15], [sflag:$0x3], $0x80, $0x38;
	[tilespmem:$0x200] =	vst v63  }
.LBB2_5:
0x1b: {  	s15 =	sadd.s32 $0x1000, s11  }
0x1c: {  	p2 =	sgt.s32 s15, $0x1FFF  }
0x1d: {  	s15 =	smov.u32 @p2 s3;
	p2 =	sne.s32 s12, s9  }
.Ltmp1:
0x1e: {  	p1 =	slt.u32 s12, $0x2;
	(pc) =	sbr.rel @!p2 .LBB2_6-.Ltmp1, $4  }
0x1f: {  	s14 =	simm.s32 @!p1 $0x3  }
0x20: {  	s16 =	sadd.s32 $0x1, s12;
	_ =	swait.ge @!p1 [sflag:s14], $0x80  }
0x21: {  	s13 =	smov.u32 s11;
	p0 =	por !p0, !p0;
	[sflag:s14] =	ssyncset.done @!p1 $0x0  }
0x22: {  	s12 =	smov.u32 s16;
	s11 =	smov.u32 s15;
	[sflag:s14] =	ssyncadd.s32 @!p1 $0xFFFFFF80  }
.LBB2_1:
0x23: {  	p1 =	sge.u32 s12, s8  }
0x24: {  	s14 =	sxor.u32 @!p1 $0xFFFFFFFF, s12  }
0x25: {  	s31 =	sadd.s32 $0xFFFFFFFF, s12;
	s15 =	sshrl.u32 @!p1 s11, $0x3;
	s14 =	sshll.u32 @!p1 s14, $0x7  }
0x26: {  	s16 =	sand.u32 @!p1 $0x7, s11;
	s15 =	sadd.s32 @!p1 s5, s15;
	s14 =	sand.u32 @!p1 $0x80, s14  }
0x27: {  	[tilespmem:s14], [sflag:$0x2] =	stream.linear.gather @!p1 [hbm4b:s15+s16], $0x80, $0x38;
	[tilespmem:$0x200] =	vst v63  }
0x28: {  	p1 =	sge.u32 s31, s8  }
.Ltmp2:
0x29: {  	_ = 	snop;
	(pc) =	sbr.rel @p1 .LBB2_5-.Ltmp2, $1  }
0x2a: {  	_ =	sdelay $0x3  }
0x2b: {  	s14 =	simm.s32 $0x1  }
0x2c: {  	_ =	swait.ge [sflag:s7], $0x80;
	s14 =	simm.s32 @!p0 $0x0  }
0x2d: {  	[sflag:s7] =	ssyncset.done $0x0;
	s14 =	sshll.u32 s14, $0x7  }
0x2e: {  	[sflag:s7] =	ssyncadd.s32 $0xFFFFFF80;
	(ifvalue) =	ssetifvalue $0x7FFFFFFF;
	v0 =	vld.msk [tilespmem:s14+$0x0 ss:$0x1], $0xffff;
	_ =	sdelay $0x3  }
0x2f: {  	s15 =	sadd.s32 $0x10, s14  }
0x30: {  	v2 =	vld.msk [tilespmem:s15+$0x0 ss:$0x1], $0xffff;
	v1 =	vshrl.u32 v0, $0x5  }
0x31: {  	vm1 =	veq.s32 v0, $0x80000000;
	v0 =	vand.u32 $0x1F, v0;
	v1 =	vand.u32 $0xFFF, v1  }
0x32: {  	v0 =	vsel vm1, $0xFFFFFFFF, v0;
	v1 =	vsel vm1, $0xFFFFFFFF, v1  }
0x33: {  	v3 =	vshll.u32 v0, $0xC;
	v4 =	vshll.u32 v1, $0x3  }
0x34: {  	v0 =	vshll.u32 v0, $0x7;
	v3 =	vand.u32 $0xFFFF8000, v3;
	v4 =	vand.u32 $0xFFFFFC00, v4  }
0x35: {  	vm1 =	veq.s32 v2, $0x80000000;
	v0 =	vand.u32 $0x380, v0;
	v3 =	vadd.s32 v3, v4  }
0x36: {  	v1 =	vand.u32 $0x7F, v1;
	v0 =	vor.u32 v0, v3;
	v3 =	vshrl.u32 v2, $0x5  }
0x37: {  	s17 =	sadd.s32 $0x10, s15;
	v2 =	vand.u32 $0x1F, v2;
	v1 =	vor.u32 v1, v0;
	v3 =	vand.u32 $0xFFF, v3  }
0x38: {  	v0 =	vld.msk [tilespmem:s17+$0x0 ss:$0x1], $0xffff;
	v2 =	vsel vm1, $0xFFFFFFFF, v2;
	v3 =	vsel vm1, $0xFFFFFFFF, v3  }
0x39: {  	v63 =	vshll.u32 v2, $0xC;
	v5 =	vshll.u32 v3, $0x3  }
0x3a: {  	s31 =	sshll.u32 s12, $0x7;
	v2 =	vshll.u32 v2, $0x7;
	v4 =	vand.u32 $0xFFFF8000, v63;
	v5 =	vand.u32 $0xFFFFFC00, v5  }
0x3b: {  	s14 =	sor.u32 $0x100, s14;
	s15 =	sand.u32 $0x80, s31;
	(ifvalue) =	ssetifvalue $0x7FFFFFFF;
	v2 =	vand.u32 $0x380, v2;
	v4 =	vadd.s32 v4, v5  }
0x3c: {  	[tilespmem:s14], [sflag:$0x1] =	stream.indirect_vreg.gather [hbm4b:s4+s10], $0x1, v1, vm0, $0x4038;
	v1 =	vand.u32 $0x7F, v3;
	v3 =	vor.u32 v2, v4;
	[tilespmem:$0x200] =	vst v63  }
0x3d: {  	s16 =	simm.s32 $0x20;
	s15 =	sor.u32 $0x100, s15;
	s17 =	sadd.s32 $0x10, s17;
	v2 =	vshrl.u32 v0, $0x5;
	v1 =	vor.u32 v1, v3  }
.LBB2_3:
0x3e: {  	s16 =	sadd.s32 $0x10, s16;
	vm1 =	veq.s32 v0, $0x80000000;
	v3 =	vand.u32 $0x1F, v0;
	v0 =	vld.msk [tilespmem:s17+$0x0 ss:$0x1], $0xffff;
	v2 =	vand.u32 $0xFFF, v2  }
0x3f: {  	p1 =	slt.u32 s16, $0x70;
	v3 =	vsel vm1, $0xFFFFFFFF, v3;
	v2 =	vsel vm1, $0xFFFFFFFF, v2  }
.Ltmp3:
0x40: {  	v4 =	vshll.u32 v3, $0xC;
	v5 =	vshll.u32 v2, $0x3;
	(pc) =	sbr.rel @p1 .LBB2_3-.Ltmp3, $4  }
0x41: {  	s14 =	sadd.s32 $0x10, s14;
	v3 =	vshll.u32 v3, $0x7;
	v4 =	vand.u32 $0xFFFF8000, v4;
	v5 =	vand.u32 $0xFFFFFC00, v5;
	(ifvalue) =	ssetifvalue $0x7FFFFFFF  }
0x42: {  	v3 =	vand.u32 $0x380, v3;
	v4 =	vadd.s32 v4, v5;
	[tilespmem:s14], [sflag:$0x1] =	stream.indirect_vreg.gather [hbm4b:s4+s10], $0x1, v1, vm0, $0x4038;
	[tilespmem:$0x200] =	vst v63  }
0x43: {  	v1 =	vand.u32 $0x7F, v2;
	v3 =	vor.u32 v3, v4  }
0x44: {  	s17 =	sadd.s32 $0x10, s17;
	v2 =	vshrl.u32 v0, $0x5;
	v1 =	vor.u32 v1, v3  }
.Ltmp4:
0x45: {  	_ = 	snop;
	(pc) =	sbr.rel .LBB2_4-.Ltmp4, $1  }
0x46: {  	_ =	sdelay $0x3  }
.LBB2_6:
0x47: {  	_ =	sfence.sel $0x180000  }
0x48: {  	s2 =	simm.s32 $0x2;
	[bflag:$0x0] =	sbarrier.arrive $0xFFFF  }
0x49: {  	s30 =	simm.s32 $0x3;
	[sflag:s2] =	ssyncpa.u1 $0x1  }
0x4a: {  	s31 =	simm.s32 $0x1;
	[sflag:s30] =	ssyncpa.u1 $0x1  }
0x4b: {  	[sflag:s31] =	ssyncpa.u1 $0x1  }
0x4c: {  	p0 =	sne.s32 s0, $0x0;
	_ =	strace $0x9000004A  }
0x4d: {  	s0 =	sadd.s32 @!p0 $0x100000, s1;
	[bflag:$0x2] =	sbarrier.arrive $0xFFFF  }
0x4e: {  	[sflag:s0] =	ssyncadd.tile.s32 @!p0 $0x1;
	_ =	shalt  }
.Lfunc_end2:
_tile_overlayer_lowered:
.L_overlay_start_2:
0x4f: {  	(tag) =	ssettag $0x2  }
0x50: {  	s0 =	rddreg [dreg:$0x0];
	s2 =	stileid.u32  }
0x51: {  	s1 =	rddreg [dreg:$0x1];
	p0 =	sne.s32 s2, $0x0  }
0x52: {  	s3 =	rddreg [dreg:$0x2];
	[bflag:$0x3] =	sbarrier.arrive $0xFFFF;
	s2 =	simm.s32 @!p0 $0x1C01  }
0x53: {  	[timem:s3], [sflag:s2] =	dma.local @!p0 [hbm:s0], s1  }
0x54: {  	s0 =	simm.s32 @!p0 $0x1  }
0x55: {  	_ =	swait.ge @!p0 [sflag:s0], s1  }
0x56: {  	s1 =	ssub.s32 @!p0 $0x0, s1;
	[sflag:s0] =	ssyncset.done @!p0 $0x0  }
0x57: {  	[sflag:s0] =	ssyncadd.s32 @!p0 s1  }
0x58: {  	[bflag:$0x3] =	sbarrier.arrive $0xFFFF  }
0x59: {  	_ =	shalt  }

// kernel: gather_offload_async_start
scs
__scs_entry_jumppad:
0x0: {  	(pc) =	sbr.rel $0x88, $3  }
0x1: {  	(tag) =	ssettag $0x0;
	lr =	simm.s32 $0x1  }
0x2: {  	[smem:$0x3F9C] =	sst lr;
	_ =	strace $0xD0000000  }
0x3: {  	_ = 	snop  }
0x4: {  	_ = 	snop  }
0x5: {  	_ = 	snop  }
0x6: {  	_ = 	snop  }
0x7: {  	_ = 	snop  }
__scs_overlays_trampoline_lowered:
0x8: {  	[smem:$0x3FAB] =	sst s0  }
0x9: {  	[smem:$0x3FAC] =	sst s1  }
0xa: {  	[smem:$0x3FAD] =	sst s2  }
0xb: {  	[smem:$0x3FAE] =	sst s3  }
0xc: {  	[smem:$0x3FAF] =	sst s4  }
0xd: {  	[smem:$0x3FB0] =	sst s5  }
0xe: {  	[smem:$0x3FB1] =	sst s6  }
0xf: {  	[smem:$0x3FB2] =	sst s7  }
0x10: {  	[smem:$0x3FB3] =	sst s8  }
0x11: {  	[smem:$0x3FB4] =	sst s9;
	s0 =	simm.s32 @!p0 $0x0  }
0x12: {  	s1 =	sld [smem:$0x3F9A];
	s0 =	simm.s32 @p0 $0x1  }
0x13: {  	[smem:$0x3FB5] =	sst s0;
	s0 =	simm.s32 @!p1 $0x0  }
0x14: {  	s2 =	sld [smem:$0x3F99];
	s0 =	simm.s32 @p1 $0x1  }
0x15: {  	[smem:$0x3FB6] =	sst s0;
	s0 =	simm.s32 @!p2 $0x0  }
0x16: {  	s3 =	sld [smem:$0x3FDB];
	s0 =	simm.s32 @p2 $0x1  }
0x17: {  	s4 =	simm.s32 $0x1BF5;
	[smem:$0x3FB8] =	sst s0  }
0x18: {  	s0 =	sld [smem:$0x3F9B];
	_ =	swait.ge [sflag:s4], $0x0  }
0x19: {  	s7 =	sld [smem:$0x3F9C]  }
0x1a: {  	s8 =	sadd.s32 $0xFFFFE003, lr  }
0x1b: {  	s9 =	sadd.s32 $0xFFFFFEF7, lr;
	s5 =	simm.s32 $0xFFFFFFFF;
	p2 =	slt.u32 s8, $0xFFFFF086  }
0x1c: {  	p1 =	slt.u32 s9, $0xF7A;
	s5 =	simm.s32 @!p2 $0x0  }
0x1d: {  	s5 =	simm.s32 @p1 $0x1;
	p0 =	seq.s32 s7, s2  }
0x1e: {  	s7 =	smul.u32 @!p0 $0xF7A, s2;
	p2 =	seq.s32 @!p0 s5, $0x0  }
0x1f: {  	s9 =	smul.u32 $0xF7A, s1;
	s8 =	simm.s32 @!p0 $0x1BF5;
	p2 =	por !p2, p0  }
0x20: {  	[sflag:s8] =	ssyncset.s32 @!p0 $0xFFFFF086;
	s6 =	sadd.s32 @!p0 s3, s7;
	s7 =	simm.s32 @!p0 $0x108  }
0x21: {  	s3 =	sadd.s32 s3, s9;
	s6 =	sadd.s32 @!p0 $0x88, s6;
	s7 =	simm.s32 @p2 $0x1082  }
0x22: {  	[simem:s7], [sflag:s8] =	dma.local @!p0 [hbm:s6], $0xF7A  }
0x23: {  	s9 =	sor.u32 $0xD0000000, s2;
	s6 =	simm.s32 $0x108;
	_ =	swait.ge @!p0 [sflag:s8], $0x0  }
0x24: {  	s3 =	sadd.s32 $0x88, s3;
	s6 =	simm.s32 @!p1 $0x1082;
	[sflag:s4] =	ssyncset.s32 $0xFFFFF086  }
0x25: {  	[simem:s6], [sflag:s4] =	dma.local [hbm:s3], $0xF7A  }
0x26: {  	[smem:$0x3F9C] =	sst s1;
	(tag) =	ssettag s2;
	_ =	strace s9  }
0x27: {  	s1 =	sld [smem:$0x3FAC]  }
0x28: {  	s2 =	sld [smem:$0x3FAD]  }
0x29: {  	s4 =	sld [smem:$0x3FAF]  }
0x2a: {  	p0 =	seq.s32 s5, $0x0;
	s5 =	sld [smem:$0x3FB0]  }
0x2b: {  	s6 =	sld [smem:$0x3FB1]  }
0x2c: {  	s7 =	sld [smem:$0x3FB2]  }
0x2d: {  	s3 =	simm.s32 $0x108;
	s8 =	sld [smem:$0x3FB3]  }
0x2e: {  	s3 =	simm.s32 @!p0 $0x1082;
	s9 =	sld [smem:$0x3FB4]  }
0x2f: {  	lr =	sadd.s32 s0, s3;
	s0 =	sld [smem:$0x3FAB]  }
0x30: {  	s3 =	sld [smem:$0x3FAE]  }
0x31: {  	[smem:$0x3FB7] =	sst s10  }
0x32: {  	s10 =	sld [smem:$0x3FB5];
	_ =	sdelay $0x3  }
0x33: {  	p0 =	seq.s32 s10, $0x1;
	s10 =	sld [smem:$0x3FB7];
	_ =	sdelay $0x3  }
0x34: {  	[smem:$0x3FB7] =	sst s10  }
0x35: {  	s10 =	sld [smem:$0x3FB6];
	_ =	sdelay $0x3  }
0x36: {  	p1 =	seq.s32 s10, $0x1;
	s10 =	sld [smem:$0x3FB7];
	_ =	sdelay $0x3  }
0x37: {  	[smem:$0x3FB7] =	sst s10  }
0x38: {  	s10 =	sld [smem:$0x3FB8]  }
0x39: {  	_ = 	snop;
	(pc) =	sbr.ind lr, $3  }
0x3a: {  	_ = 	snop  }
0x3b: {  	_ = 	snop  }
0x3c: {  	p2 =	seq.s32 s10, $0x1;
	s10 =	sld [smem:$0x3FB7]  }
0x3d: {  	_ =	shalt  }
0x3e: {  	_ =	shalt  }
0x3f: {  	_ =	shalt  }
0x40: {  	_ =	shalt  }
0x41: {  	_ =	shalt  }
0x42: {  	_ =	shalt  }
0x43: {  	_ =	shalt  }
0x44: {  	_ =	shalt  }
0x45: {  	_ =	shalt  }
0x46: {  	_ =	shalt  }
0x47: {  	_ =	shalt  }
0x48: {  	_ =	shalt  }
0x49: {  	_ =	shalt  }
0x4a: {  	_ =	shalt  }
0x4b: {  	_ =	shalt  }
0x4c: {  	_ =	shalt  }
0x4d: {  	_ =	shalt  }
0x4e: {  	_ =	shalt  }
0x4f: {  	_ =	shalt  }
0x50: {  	_ =	shalt  }
0x51: {  	_ =	shalt  }
0x52: {  	_ =	shalt  }
0x53: {  	_ =	shalt  }
0x54: {  	_ =	shalt  }
0x55: {  	_ =	shalt  }
0x56: {  	_ =	shalt  }
0x57: {  	_ =	shalt  }
0x58: {  	_ =	shalt  }
0x59: {  	_ =	shalt  }
0x5a: {  	_ =	shalt  }
0x5b: {  	_ =	shalt  }
0x5c: {  	_ =	shalt  }
0x5d: {  	_ =	shalt  }
0x5e: {  	_ =	shalt  }
0x5f: {  	_ =	shalt  }
0x60: {  	_ =	shalt  }
0x61: {  	_ =	shalt  }
0x62: {  	_ =	shalt  }
0x63: {  	_ =	shalt  }
0x64: {  	_ =	shalt  }
0x65: {  	_ =	shalt  }
0x66: {  	_ =	shalt  }
0x67: {  	_ =	shalt  }
0x68: {  	_ =	shalt  }
0x69: {  	_ =	shalt  }
0x6a: {  	_ =	shalt  }
0x6b: {  	_ =	shalt  }
0x6c: {  	_ =	shalt  }
0x6d: {  	_ =	shalt  }
0x6e: {  	_ =	shalt  }
0x6f: {  	_ =	shalt  }
0x70: {  	_ =	shalt  }
0x71: {  	_ =	shalt  }
0x72: {  	_ =	shalt  }
0x73: {  	_ =	shalt  }
0x74: {  	_ =	shalt  }
0x75: {  	_ =	shalt  }
0x76: {  	_ =	shalt  }
0x77: {  	_ =	shalt  }
0x78: {  	_ =	shalt  }
0x79: {  	_ =	shalt  }
0x7a: {  	_ =	shalt  }
0x7b: {  	_ =	shalt  }
0x7c: {  	_ =	shalt  }
0x7d: {  	_ =	shalt  }
0x7e: {  	_ =	shalt  }
0x7f: {  	_ =	shalt  }
0x80: {  	_ =	shalt  }
0x81: {  	_ =	shalt  }
0x82: {  	_ =	shalt  }
0x83: {  	_ =	shalt  }
0x84: {  	_ =	shalt  }
0x85: {  	_ =	shalt  }
0x86: {  	_ =	shalt  }
0x87: {  	_ =	shalt  }
.Lfunc_end0:
.L_simem_size_0:
called_computation.1_lowered:
.L_overlay_start_0:
0x88: {  	s2 =	sld [smem:$0x3FD9]  }
0x89: {  	s3 =	sld [smem:$0x3FFE];
	_ =	sdelay $0x1  }
0x8a: {  	s1 =	srdreg.scid  }
0x8b: {  	s0 =	sand.u32 $0x1, s1  }
0x8c: {  	s17 =	sshll.u32 s0, $0xA;
	s2 =	sadd.s32 s3, s2  }
0x8d: {  	s2 =	sadd.s32 s2, s17  }
0x8e: {  	[smem:$0x3FC3] =	sst s2  }
0x8f: {  	_ = 	snop  }
0x90: {  	(tm) =	ssettm $0x1  }
0x91: {  	s18 =	sld [smem:$0x3FFB];
	_ =	sdelay $0x3  }
0x92: {  	_ =	strace s18  }
0x93: {  	s2 =	sld [smem:$0x3FFC];
	_ =	sdelay $0x3  }
0x94: {  	_ =	strace s2  }
0x95: {  	s2 =	sld [smem:$0x3FFD];
	_ =	sdelay $0x3  }
0x96: {  	_ =	strace s2  }
0x97: {  	_ =	strace $0x8FFFFFFF  }
0x98: {  	s19 =	sld [smem:$0x3FDB];
	_ =	sdelay $0x1  }
0x99: {  	s20 =	simm.s32 $_scs_section_size  }
0x9a: {  	s4 =	simm.s32 $_size__tile_overlayer_lowered;
	s5 =	simm.s32 $_tile_overlayer_lowered  }
0x9b: {  	s6 =	simm.s32 $0x1BFF;
	s21 =	sshll.u32 s5, $0x1;
	s3 =	sadd.s32 s20, s19  }
0x9c: {  	s22 =	simm.s32 $0x0;
	s4 =	sshll.u32 s4, $0x1;
	s5 =	sadd.s32 s21, s3  }
0x9d: {  	[timem:s22], [sflag:s6] =	dma.local [hbm:s5], s4  }
0x9e: {  	_ =	swait.ge [sflag:s6], s4  }
0x9f: {  	s4 =	ssub.s32 $0x0, s4;
	[sflag:s6] =	ssyncset.done $0x0  }
0xa0: {  	[sflag:s6] =	ssyncadd.s32 s4;
	_ =	sdelay $0x1  }
0xa1: {  	s23 =	simm.s32 $0x1B8B  }
0xa2: {  	_ =	swait.ge [sflag:s23], $0x1  }
0xa3: {  	[sflag:s23] =	ssyncset.done $0x0  }
0xa4: {  	[sflag:s23] =	ssyncadd.s32 $0xFFFFFFFF  }
0xa5: {  	s4 =	sld [smem:$0x0]  }
0xa6: {  	s5 =	sand.u32 $0xFFFFFFFE, s1  }
0xa7: {  	p0 =	sne.s32 s1, s5  }
0xa8: {  	s5 =	sshll.u32 @p0 s5, $0xE  }
0xa9: {  	s5 =	sadd.s32 @p0 $0x11B8D, s5;
	s6 =	sshll.u32 @p0 s4, $0x11  }
0xaa: {  	s5 =	sor.u32 @p0 s6, s5  }
0xab: {  	[sflag:s5] =	ssyncadd.remote.s32 @p0 $0x1;
	_ =	sdelay $0x1  }
0xac: {  	s5 =	simm.s32 @p0 $0x1B8D  }
0xad: {  	_ =	swait.eq @p0 [sflag:s5], $0x1  }
0xae: {  	[sflag:s5] =	ssyncadd.s32 @p0 $0xFFFFFFFF  }
0xaf: {  	s6 =	sshll.u32 @!p0 s1, $0xE  }
0xb0: {  	s6 =	sor.u32 @!p0 $0x4000, s6;
	s5 =	simm.s32 @!p0 $0x1B8D  }
0xb1: {  	s4 =	sshll.u32 @!p0 s4, $0x11;
	s6 =	sadd.s32 @!p0 $0x11B8D, s6;
	_ =	swait.eq @!p0 [sflag:s5], $0x1  }
0xb2: {  	s4 =	sor.u32 @!p0 s4, s6;
	[sflag:s5] =	ssyncadd.s32 @!p0 $0xFFFFFFFF  }
0xb3: {  	s25 =	simm.s32 $0x1B8E;
	s24 =	sld [smem:$0x3FFE];
	[sflag:s4] =	ssyncadd.remote.s32 @!p0 $0x1  }
0xb4: {  	s26 =	simm.s32 $execute0_lowered;
	[smem:$0x3FD2] =	sst s25  }
0xb5: {  	s5 =	sshll.u32 s26, $0x1;
	_ =	strace $0x80000055;
	[dreg:$0x1] =	wrdreg $0xFFFFFFFF  }
0xb6: {  	s28 =	simm.s32 $_size_execute0_lowered;
	s3 =	sadd.s32 s3, s5;
	[dreg:$0x0] =	wrdreg $0x0  }
0xb7: {  	s5 =	sshll.u32 s28, $0x1;
	[dreg:$0x2] =	wrdreg s3  }
0xb8: {  	[dreg:$0x3] =	wrdreg s5  }
0xb9: {  	[dreg:$0x4] =	wrdreg $0xC0  }
0xba: {  	_ =	task [dreg:s22], $0x5FFFF  }
0xbb: {  	[dreg:$0x1] =	wrdreg $0xFFFFFFFF  }
0xbc: {  	[dreg:$0x0] =	wrdreg $0x60  }
0xbd: {  	[dreg:$0x2] =	wrdreg s24  }
0xbe: {  	[dreg:$0x3] =	wrdreg $0x9  }
0xbf: {  	_ =	task.clear_ibuf [dreg:s22], $0x4FFFF;
	_ =	strace $0x90000055  }
0xc0: {  	s29 =	simm.s32 $0x9;
	_ =	strace $0x80000057  }
0xc1: {  	_ =	swait.ge [sflag:s29], $0x1  }
0xc2: {  	[sflag:s29] =	ssyncadd.s32 $0xFFFFFFFF  }
0xc3: {  	_ =	strace $0x90000057  }
0xc4: {  	_ =	sfence  }
0xc5: {  	s30 =	sld [smem:$0x0];
	_ =	sdelay $0x2  }
0xc6: {  	s31 =	sshll.u32 s1, $0xD;
	s1 =	sshrl.u32 s1, $0x2  }
0xc7: {  	s4 =	sand.u32 $0x4000, s31;
	s1 =	sadd.s32 s1, s30  }
0xc8: {  	s0 =	sor.u32 s4, s0;
	s1 =	sshll.u32 s1, $0x11  }
0xc9: {  	s0 =	sor.u32 s1, s0  }
0xca: {  	s0 =	sadd.s32 $0x8F2B, s0  }
0xcb: {  	[sflag:s0] =	ssyncadd.remote.s32 $0x1  }
0xcc: {  	_ =	sfence.sel $0xFFFF  }
0xcd: {  	[dreg:$0x0] =	wrdreg $0xFFFFFFFF;
	(pc) =	sbr.abs _section_cstart, $3  }
0xce: {  	[dreg:$0x1] =	wrdreg $0xFFFFFFFF  }
0xcf: {  	_ =	task.clear_ibuf [dreg:s22], $0x2FFFF;
	_ =	strace $0x9FFFFFFF  }
0xd0: {  	(tm) =	ssettm $0x7FFFFFFF  }
0xd1: {  	_ =	shalt  }
tec
execute0_lowered:
.L_overlay_start_1:
0x0: {  	(tag) =	ssettag $0x1  }
0x1: {  	s7 =	rddreg [dreg:$0x0]  }
0x2: {  	s0 =	rddreg [dreg:$0x1];
	_ =	strace $0x80000056  }
0x3: {  	s1 =	srdreg.scid;
	s4 =	simm.s32 $0x1;
	s9 =	simm.s32 $0x3  }
0x4: {  	s11 =	simm.s32 $0x0;
	p0 =	por $0x0, $0x0;
	s5 =	sshll.u32 s1, $0x4  }
.Ltmp0:
0x5: {  	s1 =	stileid.u32;
	s5 =	sand.u32 $0x10, s5;
	(pc) =	sbr.rel .LBB2_1-.Ltmp0, $4  }
0x6: {  	s2 =	sadd.s32 $0x12E00, s7;
	s3 =	sadd.s32 $0x6C00, s7;
	s6 =	sor.u32 s1, s5  }
0x7: {  	[sflag:s4] =	ssyncpa.u1 $0x0;
	s5 =	simm.s32 $0x2;
	s6 =	sshll.u32 s6, $0xC  }
0x8: {  	s7 =	sadd.s32 $0x833200, s7;
	[sflag:s5] =	ssyncpa.u1 $0x0;
	s8 =	sadd.s32 $0x1000, s6  }
0x9: {  	vm0 =	vmmov $0xff;
	vm1 =	vcmask $0x3F20;
	[sflag:s9] =	ssyncpa.u1 $0x0;
	s10 =	smov.u32 s6;
	s9 =	simm.s32 $0x0  }
.LBB2_7:
0xa: {  	p1 =	slt.u32 s9, $0x2;
	s11 =	sadd.s32 $0x100, s10  }
0xb: {  	s13 =	smov.u32 s6;
	s9 =	sadd.s32 $0x1, s9;
	p2 =	slt.s32 s11, s8  }
0xc: {  	s13 =	smov.u32 @p2 s11;
	p2 =	sne.s32 s9, $0x12  }
.Ltmp1:
0xd: {  	_ = 	snop;
	(pc) =	sbr.rel @!p2 .LBB2_8-.Ltmp1, $4  }
0xe: {  	s12 =	simm.s32 @!p1 $0x3  }
0xf: {  	_ =	swait.ge @!p1 [sflag:s12], $0x8000  }
0x10: {  	p0 =	por !p0, !p0;
	[sflag:s12] =	ssyncset.done @!p1 $0x0  }
0x11: {  	s11 =	smov.u32 s10;
	s10 =	smov.u32 s13;
	[sflag:s12] =	ssyncadd.s32 @!p1 $0xFFFF8000  }
.LBB2_1:
0x12: {  	p1 =	sgt.u32 s9, $0xF  }
0x13: {  	s12 =	sxor.u32 @!p1 $0xFFFFFFFF, s9  }
0x14: {  	s13 =	sshrl.u32 @!p1 s10, $0x3;
	s12 =	sshll.u32 @!p1 s12, $0x8  }
0x15: {  	s14 =	sand.u32 @!p1 $0x7, s10;
	s13 =	sadd.s32 @!p1 s3, s13;
	s12 =	sand.u32 @!p1 $0x100, s12  }
0x16: {  	[tilespmem:s12], [sflag:$0x2] =	stream.linear.gather @!p1 [hbm4b:s13+s14], $0x100, $0x38;
	[tilespmem:$0x10200] =	vst v63  }
0x17: {  	p1 =	seq.s32 s9, $0x0  }
0x18: {  	p2 =	seq.s32 @!p1 s9, $0x11  }
0x19: {  	p1 =	por p1, p2  }
.Ltmp2:
0x1a: {  	_ = 	snop;
	(pc) =	sbr.rel @p1 .LBB2_7-.Ltmp2, $1  }
0x1b: {  	_ =	sdelay $0x3  }
0x1c: {  	s12 =	simm.s32 $0x1  }
0x1d: {  	_ =	swait.ge [sflag:s5], $0x100;
	s12 =	simm.s32 @!p0 $0x0  }
0x1e: {  	[sflag:s5] =	ssyncset.done $0x0;
	s14 =	sshll.u32 s12, $0x8  }
0x1f: {  	[sflag:s5] =	ssyncadd.s32 $0xFFFFFF00;
	s13 =	sadd.s32 $0x0, s14  }
0x20: {  	v0 =	vld.msk [tilespmem:s13+$0x0 ss:$0x1], $0xffff;
	_ =	sdelay $0x4  }
0x21: {  	vm2 =	vgt.s32 v0, $0x0  }
0x22: {  	v0 =	vnsel vm2, $0x0, v0  }
0x23: {  	v0 =	vmin.u32 v0, $0x1FFFF  }
0x24: {  	v0 =	vshll.u32 v0, $0x4;
	_ =	sdelay $0x2  }
0x25: {  	s12 =	sshll.u32 s12, $0xF  }
0x26: {  	s12 =	sor.u32 $0x200, s12  }
0x27: {  	[tilespmem:s12], [sflag:$0x1] =	stream.indirect_vreg.gather [hbm:s2], $0x80, v0, vm0, $0x38;
	[tilespmem:$0x10200] =	vst v63  }
0x28: {  	s15 =	sadd.s32 $0x10, s14;
	s13 =	sadd.s32 $0x400, s12  }
0x29: {  	[tilespmem:s13], [sflag:$0x1] =	stream.indirect_vreg.gather [hbm:s2], $0x80, v0, vm1, $0x38;
	[tilespmem:$0x10200] =	vst v63  }
0x2a: {  	s16 =	simm.s32 $0x80;
	v0 =	vld.msk [tilespmem:s15+$0x0 ss:$0x1], $0xffff;
	s15 =	smov.u32 s12  }
.LBB2_3:
0x2b: {  	p1 =	sne.s32 s16, $0x3C0;
	_ =	sdelay $0x4  }
0x2c: {  	vm2 =	vgt.s32 v0, $0x0  }
0x2d: {  	v0 =	vnsel vm2, $0x0, v0  }
0x2e: {  	v0 =	vmin.u32 v0, $0x1FFFF  }
0x2f: {  	v0 =	vshll.u32 v0, $0x4;
	_ =	sdelay $0x3  }
.Ltmp3:
0x30: {  	s17 =	sshra.s32 s16, $0x2;
	s15 =	sadd.s32 $0x800, s15;
	(pc) =	sbr.rel @p1 .LBB2_3-.Ltmp3, $4  }
0x31: {  	[tilespmem:s15], [sflag:$0x1] =	stream.indirect_vreg.gather [hbm:s2], $0x80, v0, vm0, $0x38;
	[tilespmem:$0x10200] =	vst v63  }
0x32: {  	s17 =	sadd.s32 s17, s14;
	s18 =	sadd.s32 $0x400, s15  }
0x33: {  	[tilespmem:s18], [sflag:$0x1] =	stream.indirect_vreg.gather [hbm:s2], $0x80, v0, vm1, $0x38;
	[tilespmem:$0x10200] =	vst v63  }
0x34: {  	s16 =	sadd.s32 $0x40, s16;
	v0 =	vld.msk [tilespmem:s17+$0x0 ss:$0x1], $0xffff  }
0x35: {  	_ =	sdelay $0x3  }
0x36: {  	vm2 =	vgt.s32 v0, $0x0  }
0x37: {  	v0 =	vnsel vm2, $0x0, v0  }
0x38: {  	v0 =	vmin.u32 v0, $0x1FFFF  }
0x39: {  	v0 =	vshll.u32 v0, $0x4;
	_ =	sdelay $0x3  }
0x3a: {  	s14 =	sadd.s32 $0x800, s15  }
0x3b: {  	[tilespmem:s14], [sflag:$0x1] =	stream.indirect_vreg.gather [hbm:s2], $0x80, v0, vm0, $0x38;
	[tilespmem:$0x10200] =	vst v63  }
0x3c: {  	s14 =	sadd.s32 $0x400, s14  }
0x3d: {  	[tilespmem:s14], [sflag:$0x1] =	stream.indirect_vreg.gather [hbm:s2], $0x80, v0, vm1, $0x38;
	[tilespmem:$0x10200] =	vst v63  }
0x3e: {  	s11 =	sshll.u32 s11, $0x4;
	_ =	swait.ge [sflag:s4], $0x8000  }
0x3f: {  	s11 =	sadd.s32 s11, s7;
	[sflag:s4] =	ssyncset.done $0x0  }
0x40: {  	s15 =	sadd.s32 $0x0, s11;
	s14 =	simm.s32 $0x80;
	[sflag:s4] =	ssyncadd.s32 $0xFFFF8000  }
.LBB2_5:
0x41: {  	[hbm:s15] =	stream.linear.scatter [tilespmem:s12], [sflag:$0x3], $0x400, $0x38;
	[tilespmem:$0x10200] =	vst v63  }
0x42: {  	s15 =	smov.u32 s14;
	s12 =	smov.u32 s13;
	p1 =	sne.s32 s14, $0xF80  }
.Ltmp4:
0x43: {  	s14 =	sadd.s32 $0x80, s14;
	(pc) =	sbr.rel @p1 .LBB2_5-.Ltmp4, $2  }
0x44: {  	_ =	sdelay $0x2  }
0x45: {  	s13 =	sadd.s32 $0x400, s13;
	s15 =	sadd.s32 s15, s11  }
.Ltmp5:
0x46: {  	(pc) =	sbr.rel .LBB2_7-.Ltmp5, $2  }
0x47: {  	_ =	sdelay $0x2  }
0x48: {  	[hbm:s15] =	stream.linear.scatter [tilespmem:s12], [sflag:$0x3], $0x400, $0x38;
	[tilespmem:$0x10200] =	vst v63  }
.LBB2_8:
0x49: {  	_ =	sfence.sel $0x180000  }
0x4a: {  	s2 =	simm.s32 $0x2;
	[bflag:$0x0] =	sbarrier.arrive $0xFFFF  }
0x4b: {  	s30 =	simm.s32 $0x3;
	[sflag:s2] =	ssyncpa.u1 $0x1  }
0x4c: {  	s31 =	simm.s32 $0x1;
	[sflag:s30] =	ssyncpa.u1 $0x1  }
0x4d: {  	[sflag:s31] =	ssyncpa.u1 $0x1  }
0x4e: {  	p0 =	sne.s32 s1, $0x0;
	_ =	strace $0x90000056  }
0x4f: {  	s0 =	sadd.s32 @!p0 $0x100000, s0;
	[bflag:$0x2] =	sbarrier.arrive $0xFFFF  }
0x50: {  	[sflag:s0] =	ssyncadd.tile.s32 @!p0 $0x1;
	_ =	shalt  }
.Lfunc_end2:
_tile_overlayer_lowered:
.L_overlay_start_2:
0x51: {  	(tag) =	ssettag $0x2  }
0x52: {  	s0 =	rddreg [dreg:$0x0];
	s2 =	stileid.u32  }
0x53: {  	s1 =	rddreg [dreg:$0x1];
	p0 =	sne.s32 s2, $0x0  }
0x54: {  	s3 =	rddreg [dreg:$0x2];
	[bflag:$0x3] =	sbarrier.arrive $0xFFFF;
	s2 =	simm.s32 @!p0 $0x1C01  }
0x55: {  	[timem:s3], [sflag:s2] =	dma.local @!p0 [hbm:s0], s1  }
0x56: {  	s0 =	simm.s32 @!p0 $0x1  }
0x57: {  	_ =	swait.ge @!p0 [sflag:s0], s1  }
0x58: {  	s1 =	ssub.s32 @!p0 $0x0, s1;
	[sflag:s0] =	ssyncset.done @!p0 $0x0  }
0x59: {  	[sflag:s0] =	ssyncadd.s32 @!p0 s1  }
0x5a: {  	[bflag:$0x3] =	sbarrier.arrive $0xFFFF  }
0x5b: {  	_ =	shalt  }

// kernel: kernel.4.cloned.1.call-start
scs
__scs_entry_jumppad:
0x0: {  	(pc) =	sbr.rel $0x88, $3  }
0x1: {  	(tag) =	ssettag $0x0;
	lr =	simm.s32 $0x1  }
0x2: {  	[smem:$0x3F9C] =	sst lr;
	_ =	strace $0xD0000000  }
0x3: {  	_ = 	snop  }
0x4: {  	_ = 	snop  }
0x5: {  	_ = 	snop  }
0x6: {  	_ = 	snop  }
0x7: {  	_ = 	snop  }
__scs_overlays_trampoline_lowered:
0x8: {  	[smem:$0x3FAB] =	sst s0  }
0x9: {  	[smem:$0x3FAC] =	sst s1  }
0xa: {  	[smem:$0x3FAD] =	sst s2  }
0xb: {  	[smem:$0x3FAE] =	sst s3  }
0xc: {  	[smem:$0x3FAF] =	sst s4  }
0xd: {  	[smem:$0x3FB0] =	sst s5  }
0xe: {  	[smem:$0x3FB1] =	sst s6  }
0xf: {  	[smem:$0x3FB2] =	sst s7  }
0x10: {  	[smem:$0x3FB3] =	sst s8  }
0x11: {  	[smem:$0x3FB4] =	sst s9;
	s0 =	simm.s32 @!p0 $0x0  }
0x12: {  	s1 =	sld [smem:$0x3F9A];
	s0 =	simm.s32 @p0 $0x1  }
0x13: {  	[smem:$0x3FB5] =	sst s0;
	s0 =	simm.s32 @!p1 $0x0  }
0x14: {  	s2 =	sld [smem:$0x3F99];
	s0 =	simm.s32 @p1 $0x1  }
0x15: {  	[smem:$0x3FB6] =	sst s0;
	s0 =	simm.s32 @!p2 $0x0  }
0x16: {  	s3 =	sld [smem:$0x3FDB];
	s0 =	simm.s32 @p2 $0x1  }
0x17: {  	s4 =	simm.s32 $0x1BF5;
	[smem:$0x3FB8] =	sst s0  }
0x18: {  	s0 =	sld [smem:$0x3F9B];
	_ =	swait.ge [sflag:s4], $0x0  }
0x19: {  	s7 =	sld [smem:$0x3F9C]  }
0x1a: {  	s8 =	sadd.s32 $0xFFFFE003, lr  }
0x1b: {  	s9 =	sadd.s32 $0xFFFFFEF7, lr;
	s5 =	simm.s32 $0xFFFFFFFF;
	p2 =	slt.u32 s8, $0xFFFFF086  }
0x1c: {  	p1 =	slt.u32 s9, $0xF7A;
	s5 =	simm.s32 @!p2 $0x0  }
0x1d: {  	s5 =	simm.s32 @p1 $0x1;
	p0 =	seq.s32 s7, s2  }
0x1e: {  	s7 =	smul.u32 @!p0 $0xF7A, s2;
	p2 =	seq.s32 @!p0 s5, $0x0  }
0x1f: {  	s9 =	smul.u32 $0xF7A, s1;
	s8 =	simm.s32 @!p0 $0x1BF5;
	p2 =	por !p2, p0  }
0x20: {  	[sflag:s8] =	ssyncset.s32 @!p0 $0xFFFFF086;
	s6 =	sadd.s32 @!p0 s3, s7;
	s7 =	simm.s32 @!p0 $0x108  }
0x21: {  	s3 =	sadd.s32 s3, s9;
	s6 =	sadd.s32 @!p0 $0x88, s6;
	s7 =	simm.s32 @p2 $0x1082  }
0x22: {  	[simem:s7], [sflag:s8] =	dma.local @!p0 [hbm:s6], $0xF7A  }
0x23: {  	s9 =	sor.u32 $0xD0000000, s2;
	s6 =	simm.s32 $0x108;
	_ =	swait.ge @!p0 [sflag:s8], $0x0  }
0x24: {  	s3 =	sadd.s32 $0x88, s3;
	s6 =	simm.s32 @!p1 $0x1082;
	[sflag:s4] =	ssyncset.s32 $0xFFFFF086  }
0x25: {  	[simem:s6], [sflag:s4] =	dma.local [hbm:s3], $0xF7A  }
0x26: {  	[smem:$0x3F9C] =	sst s1;
	(tag) =	ssettag s2;
	_ =	strace s9  }
0x27: {  	s1 =	sld [smem:$0x3FAC]  }
0x28: {  	s2 =	sld [smem:$0x3FAD]  }
0x29: {  	s4 =	sld [smem:$0x3FAF]  }
0x2a: {  	p0 =	seq.s32 s5, $0x0;
	s5 =	sld [smem:$0x3FB0]  }
0x2b: {  	s6 =	sld [smem:$0x3FB1]  }
0x2c: {  	s7 =	sld [smem:$0x3FB2]  }
0x2d: {  	s3 =	simm.s32 $0x108;
	s8 =	sld [smem:$0x3FB3]  }
0x2e: {  	s3 =	simm.s32 @!p0 $0x1082;
	s9 =	sld [smem:$0x3FB4]  }
0x2f: {  	lr =	sadd.s32 s0, s3;
	s0 =	sld [smem:$0x3FAB]  }
0x30: {  	s3 =	sld [smem:$0x3FAE]  }
0x31: {  	[smem:$0x3FB7] =	sst s10  }
0x32: {  	s10 =	sld [smem:$0x3FB5];
	_ =	sdelay $0x3  }
0x33: {  	p0 =	seq.s32 s10, $0x1;
	s10 =	sld [smem:$0x3FB7];
	_ =	sdelay $0x3  }
0x34: {  	[smem:$0x3FB7] =	sst s10  }
0x35: {  	s10 =	sld [smem:$0x3FB6];
	_ =	sdelay $0x3  }
0x36: {  	p1 =	seq.s32 s10, $0x1;
	s10 =	sld [smem:$0x3FB7];
	_ =	sdelay $0x3  }
0x37: {  	[smem:$0x3FB7] =	sst s10  }
0x38: {  	s10 =	sld [smem:$0x3FB8]  }
0x39: {  	_ = 	snop;
	(pc) =	sbr.ind lr, $3  }
0x3a: {  	_ = 	snop  }
0x3b: {  	_ = 	snop  }
0x3c: {  	p2 =	seq.s32 s10, $0x1;
	s10 =	sld [smem:$0x3FB7]  }
0x3d: {  	_ =	shalt  }
0x3e: {  	_ =	shalt  }
0x3f: {  	_ =	shalt  }
0x40: {  	_ =	shalt  }
0x41: {  	_ =	shalt  }
0x42: {  	_ =	shalt  }
0x43: {  	_ =	shalt  }
0x44: {  	_ =	shalt  }
0x45: {  	_ =	shalt  }
0x46: {  	_ =	shalt  }
0x47: {  	_ =	shalt  }
0x48: {  	_ =	shalt  }
0x49: {  	_ =	shalt  }
0x4a: {  	_ =	shalt  }
0x4b: {  	_ =	shalt  }
0x4c: {  	_ =	shalt  }
0x4d: {  	_ =	shalt  }
0x4e: {  	_ =	shalt  }
0x4f: {  	_ =	shalt  }
0x50: {  	_ =	shalt  }
0x51: {  	_ =	shalt  }
0x52: {  	_ =	shalt  }
0x53: {  	_ =	shalt  }
0x54: {  	_ =	shalt  }
0x55: {  	_ =	shalt  }
0x56: {  	_ =	shalt  }
0x57: {  	_ =	shalt  }
0x58: {  	_ =	shalt  }
0x59: {  	_ =	shalt  }
0x5a: {  	_ =	shalt  }
0x5b: {  	_ =	shalt  }
0x5c: {  	_ =	shalt  }
0x5d: {  	_ =	shalt  }
0x5e: {  	_ =	shalt  }
0x5f: {  	_ =	shalt  }
0x60: {  	_ =	shalt  }
0x61: {  	_ =	shalt  }
0x62: {  	_ =	shalt  }
0x63: {  	_ =	shalt  }
0x64: {  	_ =	shalt  }
0x65: {  	_ =	shalt  }
0x66: {  	_ =	shalt  }
0x67: {  	_ =	shalt  }
0x68: {  	_ =	shalt  }
0x69: {  	_ =	shalt  }
0x6a: {  	_ =	shalt  }
0x6b: {  	_ =	shalt  }
0x6c: {  	_ =	shalt  }
0x6d: {  	_ =	shalt  }
0x6e: {  	_ =	shalt  }
0x6f: {  	_ =	shalt  }
0x70: {  	_ =	shalt  }
0x71: {  	_ =	shalt  }
0x72: {  	_ =	shalt  }
0x73: {  	_ =	shalt  }
0x74: {  	_ =	shalt  }
0x75: {  	_ =	shalt  }
0x76: {  	_ =	shalt  }
0x77: {  	_ =	shalt  }
0x78: {  	_ =	shalt  }
0x79: {  	_ =	shalt  }
0x7a: {  	_ =	shalt  }
0x7b: {  	_ =	shalt  }
0x7c: {  	_ =	shalt  }
0x7d: {  	_ =	shalt  }
0x7e: {  	_ =	shalt  }
0x7f: {  	_ =	shalt  }
0x80: {  	_ =	shalt  }
0x81: {  	_ =	shalt  }
0x82: {  	_ =	shalt  }
0x83: {  	_ =	shalt  }
0x84: {  	_ =	shalt  }
0x85: {  	_ =	shalt  }
0x86: {  	_ =	shalt  }
0x87: {  	_ =	shalt  }
.Lfunc_end0:
.L_simem_size_0:
called_computation.8_lowered:
.L_overlay_start_0:
0x88: {  	s2 =	sld [smem:$0x3FD9]  }
0x89: {  	s3 =	sld [smem:$0x3FFE];
	_ =	sdelay $0x1  }
0x8a: {  	s1 =	srdreg.scid  }
0x8b: {  	s0 =	sand.u32 $0x1, s1  }
0x8c: {  	s17 =	sshll.u32 s0, $0xA;
	s2 =	sadd.s32 s3, s2  }
0x8d: {  	s2 =	sadd.s32 s2, s17  }
0x8e: {  	[smem:$0x3FC3] =	sst s2  }
0x8f: {  	_ = 	snop  }
0x90: {  	s2 =	sld [smem:$0x3FD0];
	(tm) =	ssettm $0x1  }
0x91: {  	s18 =	sld [smem:$0x3FFB];
	_ =	sdelay $0x3  }
0x92: {  	_ =	strace s18  }
0x93: {  	s3 =	sld [smem:$0x3FFC];
	_ =	sdelay $0x3  }
0x94: {  	_ =	strace s3  }
0x95: {  	s3 =	sld [smem:$0x3FFD];
	_ =	sdelay $0x3  }
0x96: {  	_ =	strace s3  }
0x97: {  	_ =	strace $0x8FFFFFFF  }
0x98: {  	s19 =	sld [smem:$0x3FDB];
	_ =	sdelay $0x1  }
0x99: {  	s4 =	simm.s32 $_scs_section_size  }
0x9a: {  	s5 =	simm.s32 $_size__tile_overlayer_lowered;
	s6 =	simm.s32 $_tile_overlayer_lowered  }
0x9b: {  	s22 =	simm.s32 $0x1BFF;
	s21 =	sshll.u32 s6, $0x1;
	s3 =	sadd.s32 s4, s19  }
0x9c: {  	s7 =	simm.s32 $0x0;
	s20 =	sshll.u32 s5, $0x1;
	s5 =	sadd.s32 s21, s3  }
0x9d: {  	[timem:s7], [sflag:s22] =	dma.local [hbm:s5], s20  }
0x9e: {  	_ =	swait.ge [sflag:s22], s20  }
0x9f: {  	s4 =	ssub.s32 $0x0, s20;
	[sflag:s22] =	ssyncset.done $0x0  }
0xa0: {  	[sflag:s22] =	ssyncadd.s32 s4;
	_ =	sdelay $0x1  }
0xa1: {  	s23 =	simm.s32 $0x1B8B  }
0xa2: {  	_ =	swait.ge [sflag:s23], $0x1  }
0xa3: {  	[sflag:s23] =	ssyncset.done $0x0  }
0xa4: {  	s25 =	simm.s32 $0x1B8E;
	s24 =	sld [smem:$0x3FFE];
	[sflag:s23] =	ssyncadd.s32 $0xFFFFFFFF  }
0xa5: {  	s26 =	simm.s32 $execute0_lowered;
	[smem:$0x3FD2] =	sst s25  }
0xa6: {  	s5 =	sshll.u32 s26, $0x1;
	_ =	strace $0x80000046;
	[dreg:$0x1] =	wrdreg $0xFFFFFFFF  }
0xa7: {  	s28 =	simm.s32 $_size_execute0_lowered;
	s3 =	sadd.s32 s3, s5;
	[dreg:$0x0] =	wrdreg $0x0  }
0xa8: {  	s5 =	sshll.u32 s28, $0x1;
	[dreg:$0x2] =	wrdreg s3  }
0xa9: {  	[dreg:$0x3] =	wrdreg s5  }
0xaa: {  	[dreg:$0x4] =	wrdreg $0xC0  }
0xab: {  	_ =	task [dreg:s7], $0x5FFFF  }
0xac: {  	[dreg:$0x1] =	wrdreg $0xFFFFFFFF  }
0xad: {  	[dreg:$0x0] =	wrdreg $0x60  }
0xae: {  	[dreg:$0x2] =	wrdreg s24  }
0xaf: {  	[dreg:$0x3] =	wrdreg s2  }
0xb0: {  	[dreg:$0x4] =	wrdreg $0x9  }
0xb1: {  	_ =	task.clear_ibuf [dreg:s7], $0x5FFFF;
	_ =	strace $0x90000046  }
0xb2: {  	s29 =	simm.s32 $0x9;
	_ =	strace $0x80000048  }
0xb3: {  	_ =	swait.ge [sflag:s29], $0x1  }
0xb4: {  	[sflag:s29] =	ssyncadd.s32 $0xFFFFFFFF  }
0xb5: {  	_ =	strace $0x90000048  }
0xb6: {  	_ =	sfence  }
0xb7: {  	s30 =	sld [smem:$0x0];
	_ =	sdelay $0x2  }
0xb8: {  	s31 =	sshll.u32 s1, $0xD;
	s1 =	sshrl.u32 s1, $0x2  }
0xb9: {  	s3 =	sand.u32 $0x4000, s31;
	s1 =	sadd.s32 s1, s30  }
0xba: {  	s0 =	sor.u32 s3, s0;
	s1 =	sshll.u32 s1, $0x11  }
0xbb: {  	s0 =	sor.u32 s1, s0  }
0xbc: {  	s0 =	sadd.s32 $0x8F2B, s0  }
0xbd: {  	[sflag:s0] =	ssyncadd.remote.s32 $0x1  }
0xbe: {  	_ =	sfence.sel $0xFFFF  }
0xbf: {  	[dreg:$0x0] =	wrdreg $0xFFFFFFFF;
	(pc) =	sbr.abs _section_cstart, $3  }
0xc0: {  	[dreg:$0x1] =	wrdreg $0xFFFFFFFF  }
0xc1: {  	_ =	task.clear_ibuf [dreg:s7], $0x2FFFF;
	_ =	strace $0x9FFFFFFF  }
0xc2: {  	(tm) =	ssettm $0x7FFFFFFF  }
0xc3: {  	_ =	shalt  }
tec
execute0_lowered:
.L_overlay_start_1:
0x0: {  	(tag) =	ssettag $0x1  }
0x1: {  	s4 =	rddreg [dreg:$0x0]  }
0x2: {  	s5 =	rddreg [dreg:$0x1]  }
0x3: {  	s0 =	rddreg [dreg:$0x2]  }
0x4: {  	s3 =	srdreg.scid;
	s1 =	stileid.u32  }
0x5: {  	s2 =	simm.s32 $0x0;
	s10 =	simm.s32 $0x3100;
	s11 =	simm.s32 $0x1  }
0x6: {  	s12 =	simm.s32 $0x80;
	s13 =	simm.s32 $0x400;
	s14 =	simm.s32 $0x3000  }
0x7: {  	s15 =	simm.s32 $0x1000;
	s16 =	simm.s32 $0x2000;
	s17 =	simm.s32 $0x0  }
0x8: {  	s3 =	sand.u32 $0x1, s3;
	s6 =	sshll.u32 s1, $0x5;
	s7 =	sshll.u32 s1, $0xA  }
0x9: {  	[smem:$0x7FF] =	sst s2;
	s8 =	sshll.u32 s3, $0x4;
	s6 =	sand.u32 $0x60, s6  }
0xa: {  	s7 =	sand.u32 $0x3000, s7;
	s29 =	ssub.s32 $0x2, s3;
	s6 =	sor.u32 s8, s6  }
0xb: {  	_ =	strace $0x80000047;
	s31 =	sshrl.u32 s29, $0x1;
	s6 =	sor.u32 s7, s6  }
0xc: {  	s3 =	sadd.s32 $0x6C00, s4;
	s9 =	ssub.s32 s29, s31;
	s30 =	sadd.s32 s6, s4  }
0xd: {  	s4 =	sadd.s32 s5, s6;
	s9 =	smax.u32 s9, $0x1;
	s5 =	sadd.s32 $0xAE00, s30  }
0xe: {  	v0 =	vimm.s32 $0x0;
	v1 =	vlaneseq.u32;
	s6 =	sadd.s32 $0x2C00, s30;
	s7 =	sadd.s32 $0x6E00, s30;
	s8 =	sadd.s32 $0xEE00, s30  }
.LBB2_1:
0xf: {  	[tilespmem:s10], [sflag:$0x1] =	stream.linear.gather [hbm4b:s3+s2], $0x100, $0x38;
	[tilespmem:$0x3200] =	vst v63  }
0x10: {  	_ =	swait.ge [sflag:s11], $0x100  }
0x11: {  	[sflag:s11] =	ssyncset.done $0x0  }
0x12: {  	[sflag:s11] =	ssyncadd.s32 $0xFFFFFF00  }
0x13: {  	[tilespmem:s2], [sflag:$0x1] =	stream.strided.gather [hbm4b:s4+s12], $0x1000, s13, s12, $0x38;
	[tilespmem:$0x3200] =	vst v63  }
0x14: {  	_ =	swait.ge [sflag:s11], $0x1000  }
0x15: {  	[sflag:s11] =	ssyncset.done $0x0  }
0x16: {  	[sflag:s11] =	ssyncadd.s32 $0xFFFFF000  }
0x17: {  	[tilespmem:$0x3000] =	vst v0  }
0x18: {  	[tilespmem:$0x3010] =	vst v0  }
0x19: {  	[tilespmem:$0x3020] =	vst v0  }
0x1a: {  	[tilespmem:$0x3030] =	vst v0  }
0x1b: {  	[tilespmem:$0x3040] =	vst v0  }
0x1c: {  	[tilespmem:$0x3050] =	vst v0  }
0x1d: {  	[tilespmem:$0x3060] =	vst v0  }
0x1e: {  	[tilespmem:$0x3070] =	vst v0  }
0x1f: {  	[tilespmem:$0x3080] =	vst v0  }
0x20: {  	[tilespmem:$0x3090] =	vst v0  }
0x21: {  	[tilespmem:$0x30A0] =	vst v0  }
0x22: {  	[tilespmem:$0x30B0] =	vst v0  }
0x23: {  	[tilespmem:$0x30C0] =	vst v0  }
0x24: {  	[tilespmem:$0x30D0] =	vst v0  }
0x25: {  	[tilespmem:$0x30E0] =	vst v0  }
0x26: {  	s19 =	simm.s32 $0x0;
	s18 =	simm.s32 $0x40;
	[tilespmem:$0x30F0] =	vst v0  }
.LBB2_2:
0x27: {  	p0 =	sne.s32 s18, $0x3FC0;
	v2 =	vld [tilespmem:s19+$0x0];
	_ =	sdelay $0x4  }
0x28: {  	(xrf1) =	vunique.msk.u32 $0xffff, v2;
	_ =	sdelay $0xd  }
0x29: {  	_, v3, vm0 =	vpop (xrf1);
	_ =	sdelay $0x1  }
.Ltmp0:
0x2a: {  	(pc) =	sbr.rel @p0 .LBB2_2-.Ltmp0, $2  }
0x2b: {  	_ =	sdelay $0x2  }
0x2c: {  	s19 =	sshra.s32 s18, $0x2;
	s18 =	sadd.s32 $0x40, s18;
	[tilespmem:v2+s14+$0x0] =	vst.idx.add.s32.msk vm0, v3  }
0x2d: {  	v2 =	vld [tilespmem:s19+$0x0];
	_ =	sdelay $0x4  }
0x2e: {  	(xrf1) =	vunique.msk.u32 $0xffff, v2;
	_ =	sdelay $0xd  }
0x2f: {  	_, v3, vm0 =	vpop (xrf1);
	_ =	sdelay $0x5  }
0x30: {  	s18 =	simm.s32 $0x0;
	[tilespmem:v2+s14+$0x0] =	vst.idx.add.s32.msk vm0, v3  }
0x31: {  	v2 =	vld [tilespmem:s18+$0x3100];
	_ =	sdelay $0x7  }
0x32: {  	v3 =	vld.idx.msk [tilespmem:v2+s14+$0x0], $0xffff;
	_ =	sdelay $0x4  }
0x33: {  	(xrf0) =	vadd.scan.msk.s32 $0xffff, v3;
	_ =	sdelay $0x4  }
0x34: {  	s18 =	simm.s32 $0x0  }
0x35: {  	v3 =	vsub.s32 s18, v3;
	v4, _, _ =	vpop (xrf0)  }
0x36: {  	v3 =	vadd.s32 v4, v3;
	(v2sf) =	vpush v4, $0xF  }
0x37: {  	s21 =	simm.s32 $0x10;
	s20 =	simm.s32 $0x80;
	s19 =	simm.s32 $0x0;
	[tilespmem:v2+s14+$0x0] =	vst.idx.msk $0xffff, v3  }
.LBB2_4:
0x38: {  	p0 =	sne.s32 s20, $0x3C0;
	v2 =	vld [tilespmem:s21+$0x3100];
	_ =	sdelay $0x7  }
0x39: {  	v3 =	vld.idx.msk [tilespmem:v2+s14+$0x0], $0xffff;
	_ =	sdelay $0x4  }
0x3a: {  	s21 =	spop (v2sf)  }
0x3b: {  	(xrf0) =	vadd.scan.msk.s32 $0xffff, v3;
	s19 =	sadd.s32 s19, s21  }
0x3c: {  	v3 =	vsub.s32 s19, v3;
	_ =	sdelay $0x2  }
.Ltmp1:
0x3d: {  	(pc) =	sbr.rel @p0 .LBB2_4-.Ltmp1, $4  }
0x3e: {  	_ = 	snop  }
0x3f: {  	v4, _, _ =	vpop (xrf0)  }
0x40: {  	v3 =	vadd.s32 v4, v3;
	(v2sf) =	vpush v4, $0xF  }
0x41: {  	s21 =	sshra.s32 s20, $0x2;
	s20 =	sadd.s32 $0x40, s20;
	[tilespmem:v2+s14+$0x0] =	vst.idx.msk $0xffff, v3  }
0x42: {  	v2 =	vld [tilespmem:s21+$0x3100];
	_ =	sdelay $0x7  }
0x43: {  	v3 =	vld.idx.msk [tilespmem:v2+s14+$0x0], $0xffff;
	_ =	sdelay $0x4  }
0x44: {  	(xrf0) =	vadd.scan.msk.s32 $0xffff, v3;
	_ =	sdelay $0x3  }
0x45: {  	s20 =	spop (v2sf)  }
0x46: {  	s19 =	sadd.s32 s19, s20  }
0x47: {  	v3 =	vsub.s32 s19, v3;
	v4, _, _ =	vpop (xrf0)  }
0x48: {  	v3 =	vadd.s32 v4, v3  }
0x49: {  	[tilespmem:v2+s14+$0x0] =	vst.idx.msk $0xffff, v3  }
0x4a: {  	v2 =	vld [tilespmem:s18+$0x0];
	_ =	sdelay $0x4  }
0x4b: {  	(xrf1) =	vunique.msk.u32 $0xffff, v2;
	_ =	sdelay $0x9  }
0x4c: {  	v3 =	vld.idx.msk [tilespmem:v2+s14+$0x0], $0xffff  }
0x4d: {  	(v2sf) =	vpush v4, $0xF;
	_ =	sdelay $0x2  }
0x4e: {  	_, v63, vm0 =	vpop (xrf1)  }
0x4f: {  	v3 =	vadd.s32 v3, v63  }
0x50: {  	v4 =	vadd.s32 $0xFFFFFFFF, v3;
	_ =	sdelay $0x3  }
0x51: {  	v5 =	vor.u32 s18, v1  }
0x52: {  	s18 =	simm.s32 $0x2000;
	[tilespmem:v4+s15+$0x0] =	vst.idx.msk $0xffff, v5  }
0x53: {  	[tilespmem:s18+$0x0] =	vst v4  }
0x54: {  	s19 =	simm.s32 $0x10;
	[tilespmem:v2+s14+$0x0] =	vst.idx.msk vm0, v3  }
0x55: {  	v2 =	vld [tilespmem:s19+$0x0];
	_ =	sdelay $0x1  }
0x56: {  	s21 =	simm.s32 $0x10;
	s20 =	simm.s32 $0x20;
	s31 =	spop (v2sf)  }
.LBB2_6:
0x57: {  	p0 =	sne.s32 s20, $0xFF0;
	_ =	sdelay $0x1  }
0x58: {  	(xrf1) =	vunique.msk.u32 $0xffff, v2;
	_ =	sdelay $0x8  }
0x59: {  	v3 =	vld.idx.msk [tilespmem:v2+s14+$0x0], $0xffff;
	_ =	sdelay $0x4  }
0x5a: {  	_, v4, vm0 =	vpop (xrf1)  }
0x5b: {  	v3 =	vadd.s32 v3, v4  }
0x5c: {  	v4 =	vadd.s32 $0xFFFFFFFF, v3;
	_ =	sdelay $0x3  }
0x5d: {  	v5 =	vor.u32 s19, v1;
	s19 =	smov.u32 s20  }
0x5e: {  	s18 =	sadd.s32 $0x10, s18;
	[tilespmem:v4+s15+$0x0] =	vst.idx.msk $0xffff, v5  }
.Ltmp2:
0x5f: {  	[tilespmem:s18+$0x0] =	vst v4;
	(pc) =	sbr.rel @p0 .LBB2_6-.Ltmp2, $3  }
0x60: {  	s21 =	sadd.s32 $0x10, s21;
	[tilespmem:v2+s14+$0x0] =	vst.idx.msk vm0, v3  }
0x61: {  	v2 =	vld [tilespmem:s21+$0x0];
	_ =	sdelay $0x1  }
0x62: {  	s20 =	sadd.s32 $0x10, s20  }
0x63: {  	_ =	sdelay $0x1  }
0x64: {  	(xrf1) =	vunique.msk.u32 $0xffff, v2;
	_ =	sdelay $0x9  }
0x65: {  	v3 =	vld.idx.msk [tilespmem:v2+s14+$0x0], $0xffff;
	_ =	sdelay $0x3  }
0x66: {  	_, v4, vm0 =	vpop (xrf1)  }
0x67: {  	v3 =	vadd.s32 v3, v4  }
0x68: {  	v4 =	vadd.s32 $0xFFFFFFFF, v3;
	_ =	sdelay $0x3  }
0x69: {  	v5 =	vor.u32 s19, v1  }
0x6a: {  	s18 =	sadd.s32 $0x10, s18;
	[tilespmem:v4+s15+$0x0] =	vst.idx.msk $0xffff, v5  }
0x6b: {  	[tilespmem:s18+$0x0] =	vst v4  }
0x6c: {  	[tilespmem:v2+s14+$0x0] =	vst.idx.msk vm0, v3  }
0x6d: {  	[hbm4b:s5+s12] =	stream.strided.scatter [tilespmem:s15], [sflag:$0x1], $0x1000, s13, s12, $0x38;
	[tilespmem:$0x3200] =	vst v63  }
0x6e: {  	_ =	swait.ge [sflag:s11], $0x1000  }
0x6f: {  	[sflag:s11] =	ssyncset.done $0x0  }
0x70: {  	s18 =	simm.s32 $0x0;
	[sflag:s11] =	ssyncadd.s32 $0xFFFFF000  }
0x71: {  	[tilespmem:s18], [sflag:$0x1] =	stream.strided.gather [hbm4b:s6+s12], $0x1000, s13, s12, $0x38;
	[tilespmem:$0x3200] =	vst v63  }
0x72: {  	_ =	swait.ge [sflag:s11], $0x1000  }
0x73: {  	[sflag:s11] =	ssyncset.done $0x0  }
0x74: {  	[sflag:s11] =	ssyncadd.s32 $0xFFFFF000  }
0x75: {  	[tilespmem:$0x3000] =	vst v0  }
0x76: {  	[tilespmem:$0x3010] =	vst v0  }
0x77: {  	[tilespmem:$0x3020] =	vst v0  }
0x78: {  	[tilespmem:$0x3030] =	vst v0  }
0x79: {  	[tilespmem:$0x3040] =	vst v0  }
0x7a: {  	[tilespmem:$0x3050] =	vst v0  }
0x7b: {  	[tilespmem:$0x3060] =	vst v0  }
0x7c: {  	[tilespmem:$0x3070] =	vst v0  }
0x7d: {  	[tilespmem:$0x3080] =	vst v0  }
0x7e: {  	[tilespmem:$0x3090] =	vst v0  }
0x7f: {  	[tilespmem:$0x30A0] =	vst v0  }
0x80: {  	[tilespmem:$0x30B0] =	vst v0  }
0x81: {  	[tilespmem:$0x30C0] =	vst v0  }
0x82: {  	[tilespmem:$0x30D0] =	vst v0  }
0x83: {  	[tilespmem:$0x30E0] =	vst v0  }
0x84: {  	s20 =	simm.s32 $0x0;
	s19 =	simm.s32 $0x40;
	[tilespmem:$0x30F0] =	vst v0  }
.LBB2_8:
0x85: {  	p0 =	sne.s32 s19, $0x3FC0;
	v2 =	vld [tilespmem:s20+$0x0];
	_ =	sdelay $0x4  }
0x86: {  	(xrf1) =	vunique.msk.u32 $0xffff, v2;
	_ =	sdelay $0xd  }
0x87: {  	_, v3, vm0 =	vpop (xrf1);
	_ =	sdelay $0x1  }
.Ltmp3:
0x88: {  	(pc) =	sbr.rel @p0 .LBB2_8-.Ltmp3, $2  }
0x89: {  	_ =	sdelay $0x2  }
0x8a: {  	s20 =	sshra.s32 s19, $0x2;
	s19 =	sadd.s32 $0x40, s19;
	[tilespmem:v2+s14+$0x0] =	vst.idx.add.s32.msk vm0, v3  }
0x8b: {  	v2 =	vld [tilespmem:s20+$0x0];
	_ =	sdelay $0x4  }
0x8c: {  	(xrf1) =	vunique.msk.u32 $0xffff, v2;
	_ =	sdelay $0xd  }
0x8d: {  	_, v3, vm0 =	vpop (xrf1);
	_ =	sdelay $0x5  }
0x8e: {  	s19 =	simm.s32 $0x0;
	[tilespmem:v2+s14+$0x0] =	vst.idx.add.s32.msk vm0, v3  }
0x8f: {  	v2 =	vld [tilespmem:s19+$0x3100];
	_ =	sdelay $0x7  }
0x90: {  	v3 =	vld.idx.msk [tilespmem:v2+s14+$0x0], $0xffff;
	_ =	sdelay $0x4  }
0x91: {  	(xrf0) =	vadd.scan.msk.s32 $0xffff, v3;
	_ =	sdelay $0x5  }
0x92: {  	v3 =	vsub.s32 s18, v3;
	v4, _, _ =	vpop (xrf0)  }
0x93: {  	v3 =	vadd.s32 v4, v3;
	(v2sf) =	vpush v4, $0xF  }
0x94: {  	s20 =	simm.s32 $0x10;
	s19 =	simm.s32 $0x80;
	[tilespmem:v2+s14+$0x0] =	vst.idx.msk $0xffff, v3  }
.LBB2_10:
0x95: {  	p0 =	sne.s32 s19, $0x3C0;
	v2 =	vld [tilespmem:s20+$0x3100];
	_ =	sdelay $0x7  }
0x96: {  	v3 =	vld.idx.msk [tilespmem:v2+s14+$0x0], $0xffff;
	_ =	sdelay $0x4  }
0x97: {  	s20 =	spop (v2sf)  }
0x98: {  	(xrf0) =	vadd.scan.msk.s32 $0xffff, v3;
	s18 =	sadd.s32 s18, s20  }
0x99: {  	v3 =	vsub.s32 s18, v3;
	_ =	sdelay $0x2  }
.Ltmp4:
0x9a: {  	(pc) =	sbr.rel @p0 .LBB2_10-.Ltmp4, $4  }
0x9b: {  	_ = 	snop  }
0x9c: {  	v4, _, _ =	vpop (xrf0)  }
0x9d: {  	v3 =	vadd.s32 v4, v3;
	(v2sf) =	vpush v4, $0xF  }
0x9e: {  	s20 =	sshra.s32 s19, $0x2;
	s19 =	sadd.s32 $0x40, s19;
	[tilespmem:v2+s14+$0x0] =	vst.idx.msk $0xffff, v3  }
0x9f: {  	v2 =	vld [tilespmem:s20+$0x3100];
	_ =	sdelay $0x7  }
0xa0: {  	v3 =	vld.idx.msk [tilespmem:v2+s14+$0x0], $0xffff;
	_ =	sdelay $0x4  }
0xa1: {  	(xrf0) =	vadd.scan.msk.s32 $0xffff, v3;
	_ =	sdelay $0x3  }
0xa2: {  	s19 =	spop (v2sf)  }
0xa3: {  	s18 =	sadd.s32 s18, s19  }
0xa4: {  	v3 =	vsub.s32 s18, v3;
	v4, _, _ =	vpop (xrf0)  }
0xa5: {  	v3 =	vadd.s32 v4, v3  }
0xa6: {  	s30 =	simm.s32 $0x0;
	[tilespmem:v2+s14+$0x0] =	vst.idx.msk $0xffff, v3  }
0xa7: {  	v2 =	vld [tilespmem:s30+$0x0];
	_ =	sdelay $0x4  }
0xa8: {  	(xrf1) =	vunique.msk.u32 $0xffff, v2;
	_ =	sdelay $0x9  }
0xa9: {  	v3 =	vld.idx.msk [tilespmem:v2+s14+$0x0], $0xffff  }
0xaa: {  	(v2sf) =	vpush v4, $0xF;
	_ =	sdelay $0x2  }
0xab: {  	_, v63, vm0 =	vpop (xrf1)  }
0xac: {  	v3 =	vadd.s32 v3, v63  }
0xad: {  	v4 =	vadd.s32 $0xFFFFFFFF, v3;
	_ =	sdelay $0x3  }
0xae: {  	v5 =	vor.u32 s30, v1  }
0xaf: {  	s18 =	simm.s32 $0x2000;
	[tilespmem:v4+s15+$0x0] =	vst.idx.msk $0xffff, v5  }
0xb0: {  	[tilespmem:s18+$0x0] =	vst v4  }
0xb1: {  	s19 =	simm.s32 $0x10;
	[tilespmem:v2+s14+$0x0] =	vst.idx.msk vm0, v3  }
0xb2: {  	v2 =	vld [tilespmem:s19+$0x0];
	_ =	sdelay $0x1  }
0xb3: {  	s20 =	simm.s32 $0x20;
	s21 =	simm.s32 $0x10;
	s31 =	spop (v2sf)  }
.LBB2_12:
0xb4: {  	p0 =	sne.s32 s20, $0xFF0;
	_ =	sdelay $0x1  }
0xb5: {  	(xrf1) =	vunique.msk.u32 $0xffff, v2;
	_ =	sdelay $0x8  }
0xb6: {  	v3 =	vld.idx.msk [tilespmem:v2+s14+$0x0], $0xffff;
	_ =	sdelay $0x4  }
0xb7: {  	_, v4, vm0 =	vpop (xrf1)  }
0xb8: {  	v3 =	vadd.s32 v3, v4  }
0xb9: {  	v4 =	vadd.s32 $0xFFFFFFFF, v3;
	_ =	sdelay $0x3  }
0xba: {  	v5 =	vor.u32 s19, v1;
	s19 =	smov.u32 s20  }
0xbb: {  	s18 =	sadd.s32 $0x10, s18;
	[tilespmem:v4+s15+$0x0] =	vst.idx.msk $0xffff, v5  }
.Ltmp5:
0xbc: {  	[tilespmem:s18+$0x0] =	vst v4;
	(pc) =	sbr.rel @p0 .LBB2_12-.Ltmp5, $3  }
0xbd: {  	s21 =	sadd.s32 $0x10, s21;
	[tilespmem:v2+s14+$0x0] =	vst.idx.msk vm0, v3  }
0xbe: {  	v2 =	vld [tilespmem:s21+$0x0];
	_ =	sdelay $0x1  }
0xbf: {  	s20 =	sadd.s32 $0x10, s20  }
0xc0: {  	_ =	sdelay $0x1  }
0xc1: {  	(xrf1) =	vunique.msk.u32 $0xffff, v2;
	_ =	sdelay $0x9  }
0xc2: {  	v3 =	vld.idx.msk [tilespmem:v2+s14+$0x0], $0xffff;
	_ =	sdelay $0x3  }
0xc3: {  	_, v4, vm0 =	vpop (xrf1)  }
0xc4: {  	v3 =	vadd.s32 v3, v4  }
0xc5: {  	v4 =	vadd.s32 $0xFFFFFFFF, v3;
	_ =	sdelay $0x3  }
0xc6: {  	v5 =	vor.u32 s19, v1  }
0xc7: {  	s18 =	sadd.s32 $0x10, s18;
	[tilespmem:v4+s15+$0x0] =	vst.idx.msk $0xffff, v5  }
0xc8: {  	[tilespmem:s18+$0x0] =	vst v4  }
0xc9: {  	[tilespmem:v2+s14+$0x0] =	vst.idx.msk vm0, v3  }
0xca: {  	[hbm4b:s7+s12] =	stream.strided.scatter [tilespmem:s15], [sflag:$0x1], $0x1000, s13, s12, $0x38;
	[tilespmem:$0x3200] =	vst v63  }
0xcb: {  	s17 =	sadd.s32 $0x1, s17;
	_ =	swait.ge [sflag:s11], $0x1000  }
0xcc: {  	p0 =	sne.s32 s17, s9;
	[sflag:s11] =	ssyncset.done $0x0  }
.Ltmp6:
0xcd: {  	[sflag:s11] =	ssyncadd.s32 $0xFFFFF000;
	(pc) =	sbr.rel @p0 .LBB2_1-.Ltmp6, $4  }
0xce: {  	[hbm4b:s8+s12] =	stream.strided.scatter [tilespmem:s16], [sflag:$0x1], $0x1000, s13, s12, $0x38;
	[tilespmem:$0x3200] =	vst v63  }
0xcf: {  	_ =	swait.ge [sflag:s11], $0x1000  }
0xd0: {  	[sflag:s11] =	ssyncset.done $0x0  }
0xd1: {  	[sflag:s11] =	ssyncadd.s32 $0xFFFFF000  }
0xd2: {  	_ =	sfence.sel $0x180000  }
0xd3: {  	[bflag:$0x0] =	sbarrier.arrive $0xFFFF  }
0xd4: {  	p0 =	sne.s32 s1, $0x0;
	_ =	strace $0x90000047  }
0xd5: {  	s0 =	sadd.s32 @!p0 $0x100000, s0;
	[bflag:$0x2] =	sbarrier.arrive $0xFFFF  }
0xd6: {  	[sflag:s0] =	ssyncadd.tile.s32 @!p0 $0x1;
	_ =	shalt  }
.Lfunc_end2:
_tile_overlayer_lowered:
.L_overlay_start_2:
0xd7: {  	(tag) =	ssettag $0x2  }
0xd8: {  	s0 =	rddreg [dreg:$0x0];
	s2 =	stileid.u32  }
0xd9: {  	s1 =	rddreg [dreg:$0x1];
	p0 =	sne.s32 s2, $0x0  }
0xda: {  	s3 =	rddreg [dreg:$0x2];
	[bflag:$0x3] =	sbarrier.arrive $0xFFFF;
	s2 =	simm.s32 @!p0 $0x1C01  }
0xdb: {  	[timem:s3], [sflag:s2] =	dma.local @!p0 [hbm:s0], s1  }
0xdc: {  	s0 =	simm.s32 @!p0 $0x1  }
0xdd: {  	_ =	swait.ge @!p0 [sflag:s0], s1  }
0xde: {  	s1 =	ssub.s32 @!p0 $0x0, s1;
	[sflag:s0] =	ssyncset.done @!p0 $0x0  }
0xdf: {  	[sflag:s0] =	ssyncadd.s32 @!p0 s1  }
0xe0: {  	[bflag:$0x3] =	sbarrier.arrive $0xFFFF  }
0xe1: {  	_ =	shalt  }

// kernel: sparse-core-data-format-call.cloned.1.call-start
scs
called_computation_lowered:
.L_overlay_start_0:
0x0: {  	s2 =	sld [smem:$0x3FD9]  }
0x1: {  	s3 =	sld [smem:$0x3FFE];
	_ =	sdelay $0x1  }
0x2: {  	s1 =	srdreg.scid  }
0x3: {  	s0 =	sand.u32 $0x1, s1  }
0x4: {  	s18 =	sshll.u32 s0, $0xA;
	s2 =	sadd.s32 s3, s2  }
0x5: {  	s2 =	sadd.s32 s2, s18  }
0x6: {  	[smem:$0x3FC3] =	sst s2  }
0x7: {  	_ = 	snop  }
0x8: {  	s2 =	sld [smem:$0x3FD0];
	(tm) =	ssettm $0x1  }
0x9: {  	s19 =	sld [smem:$0x3FFB];
	_ =	sdelay $0x3  }
0xa: {  	_ =	strace s19  }
0xb: {  	s3 =	sld [smem:$0x3FFC];
	_ =	sdelay $0x3  }
0xc: {  	_ =	strace s3  }
0xd: {  	s3 =	sld [smem:$0x3FFD];
	_ =	sdelay $0x3  }
0xe: {  	_ =	strace s3  }
0xf: {  	_ =	strace $0x8FFFFFFF  }
0x10: {  	s20 =	sld [smem:$0x3FDB];
	_ =	sdelay $0x1  }
0x11: {  	s4 =	simm.s32 $_scs_section_size  }
0x12: {  	s5 =	simm.s32 $_size__tile_overlayer_lowered;
	s6 =	simm.s32 $_tile_overlayer_lowered  }
0x13: {  	s23 =	simm.s32 $0x1BFF;
	s22 =	sshll.u32 s6, $0x1;
	s3 =	sadd.s32 s4, s20  }
0x14: {  	s7 =	simm.s32 $0x0;
	s21 =	sshll.u32 s5, $0x1;
	s5 =	sadd.s32 s22, s3  }
0x15: {  	[timem:s7], [sflag:s23] =	dma.local [hbm:s5], s21  }
0x16: {  	_ =	swait.ge [sflag:s23], s21  }
0x17: {  	s4 =	ssub.s32 $0x0, s21;
	[sflag:s23] =	ssyncset.done $0x0  }
0x18: {  	[sflag:s23] =	ssyncadd.s32 s4;
	_ =	sdelay $0x1  }
0x19: {  	s24 =	simm.s32 $0x1B8B  }
0x1a: {  	_ =	swait.ge [sflag:s24], $0x1  }
0x1b: {  	[sflag:s24] =	ssyncset.done $0x0  }
0x1c: {  	s26 =	simm.s32 $0x1B8E;
	s25 =	sld [smem:$0x3FFE];
	[sflag:s24] =	ssyncadd.s32 $0xFFFFFFFF  }
0x1d: {  	s27 =	simm.s32 $execute0_lowered;
	[smem:$0x3FD2] =	sst s26  }
0x1e: {  	s5 =	sshll.u32 s27, $0x1;
	_ =	strace $0x8000005E;
	[dreg:$0x1] =	wrdreg $0xFFFFFFFF  }
0x1f: {  	s28 =	simm.s32 $_size_execute0_lowered;
	s3 =	sadd.s32 s3, s5;
	[dreg:$0x0] =	wrdreg $0x0  }
0x20: {  	s5 =	sshll.u32 s28, $0x1;
	[dreg:$0x2] =	wrdreg s3  }
0x21: {  	[dreg:$0x3] =	wrdreg s5  }
0x22: {  	[dreg:$0x4] =	wrdreg $0xC0  }
0x23: {  	_ =	task [dreg:s7], $0x5FFFF  }
0x24: {  	[dreg:$0x1] =	wrdreg $0xFFFFFFFF  }
0x25: {  	[dreg:$0x0] =	wrdreg $0x60  }
0x26: {  	[dreg:$0x2] =	wrdreg s25  }
0x27: {  	[dreg:$0x3] =	wrdreg s2  }
0x28: {  	[dreg:$0x4] =	wrdreg $0x9  }
0x29: {  	_ =	task.clear_ibuf [dreg:s7], $0x5FFFF;
	_ =	strace $0x9000005E  }
0x2a: {  	s29 =	simm.s32 $0x9;
	_ =	strace $0x80000060  }
0x2b: {  	_ =	swait.ge [sflag:s29], $0x1  }
0x2c: {  	[sflag:s29] =	ssyncadd.s32 $0xFFFFFFFF  }
0x2d: {  	_ =	strace $0x90000060  }
0x2e: {  	_ =	sfence  }
0x2f: {  	s30 =	sld [smem:$0x0];
	_ =	sdelay $0x2  }
0x30: {  	s31 =	sshll.u32 s1, $0xD;
	s1 =	sshrl.u32 s1, $0x2  }
0x31: {  	s3 =	sand.u32 $0x4000, s31;
	s1 =	sadd.s32 s1, s30  }
0x32: {  	s0 =	sor.u32 s3, s0;
	s1 =	sshll.u32 s1, $0x11  }
0x33: {  	s0 =	sor.u32 s1, s0  }
0x34: {  	s0 =	sadd.s32 $0x8F2B, s0  }
0x35: {  	[sflag:s0] =	ssyncadd.remote.s32 $0x1  }
0x36: {  	_ =	sfence.sel $0xFFFF  }
0x37: {  	[dreg:$0x0] =	wrdreg $0xFFFFFFFF;
	(pc) =	sbr.abs _section_cstart, $3  }
0x38: {  	[dreg:$0x1] =	wrdreg $0xFFFFFFFF  }
0x39: {  	_ =	task.clear_ibuf [dreg:s7], $0x2FFFF;
	_ =	strace $0x9FFFFFFF  }
0x3a: {  	(tm) =	ssettm $0x7FFFFFFF  }
0x3b: {  	_ =	shalt  }
tec
execute0_lowered:
.L_overlay_start_1:
0x0: {  	(tag) =	ssettag $0x1  }
0x1: {  	s0 =	stileid.u32  }
0x2: {  	s1 =	srdreg.scid;
	s5 =	rddreg [dreg:$0x0];
	s31 =	simm.s32 $0x2  }
0x3: {  	s14 =	simm.s32 $0x0;
	s2 =	sshll.u32 s0, $0x6;
	s1 =	sshll.u32 s1, $0xA  }
0x4: {  	s9 =	simm.s32 $0x8000;
	s15 =	simm.s32 $0x0;
	s1 =	sor.u32 s2, s1  }
0x5: {  	s16 =	simm.s32 $0x0;
	s10 =	simm.s32 $0x0;
	s1 =	sand.u32 $0x780, s1  }
0x6: {  	s13 =	simm.s32 $0x0;
	s2 =	sand.u32 $0x1, s0;
	s3 =	ssub.s32 $0x1000, s1  }
0x7: {  	s5 =	sadd.s32 $0x20F000, s5;
	s4 =	ssub.s32 $0x2, s2;
	s6 =	sand.u32 $0x780, s3  }
0x8: {  	s7 =	sshrl.u32 s4, $0x1;
	p0 =	sne.s32 s6, $0x0;
	s6 =	simm.s32 $0x1  }
0x9: {  	s8 =	sand.u32 $0x1, s4;
	s3 =	sshrl.u32 s3, $0xB;
	s6 =	simm.s32 @!p0 $0x0  }
.Ltmp0:
0xa: {  	s7 =	sadd.s32 s8, s7;
	s6 =	sadd.s32 s6, s3;
	(pc) =	sbr.rel .LBB1_1-.Ltmp0, $4  }
0xb: {  	s12 =	smov.u32 s2;
	s4 =	rddreg [dreg:$0x1];
	s7 =	smul.u32 s6, s7  }
0xc: {  	s3 =	rddreg [dreg:$0x2];
	_ =	strace $0x8000005F;
	s6 =	simm.s32 $0x1  }
0xd: {  	s11 =	smov.u32 s1;
	[sflag:s6] =	ssyncpa.u1 $0x0;
	s7 =	sshll.u32 s7, $0x4  }
0xe: {  	p0 =	por $0x0, $0x0;
	[sflag:s31] =	ssyncpa.u1 $0x0;
	s8 =	sor.u32 $0x1, s7  }
.LBB1_4:
0xf: {  	s19 =	sshll.u32 s15, $0x3  }
0x10: {  	s20 =	sand.u32 $0x78, s15;
	s16 =	sshll.u32 s16, $0x13;
	s30 =	sand.u32 $0x7E00, s15  }
0x11: {  	s14 =	sshll.u32 s14, $0xF;
	s19 =	sand.u32 $0xC00, s19;
	s16 =	sadd.s32 s4, s16  }
0x12: {  	[tilespmem:s18+$0x810 ss:$0x81] =	vst.msk $0xffff, v2;
	s31 =	sand.u32 $0x7, s15;
	s19 =	sor.u32 s20, s19;
	s16 =	sadd.s32 s30, s16  }
0x13: {  	[tilespmem:s18+$0x1020 ss:$0x81] =	vst.msk $0xffff, v0;
	s15 =	sshll.u32 s31, $0x12;
	s19 =	sshrl.u32 s19, $0x3;
	s14 =	sadd.s32 s14, s16  }
0x14: {  	[tilespmem:s18+$0x0 ss:$0x81] =	vst.msk $0xffff, v1;
	s15 =	sor.u32 $0x400, s15;
	s14 =	sadd.s32 s19, s14  }
0x15: {  	[hbm4b:s14+s15] =	stream.strided.scatter [tilespmem:s17], [sflag:$0x2], $0x2000, s9, s15, $0x20;
	[tilespmem:$0x8080] =	vst v63  }
.LBB1_5:
0x16: {  	s17 =	sadd.s32 $0x1, s10  }
0x17: {  	s14 =	sadd.s32 $0x800, s11;
	s18 =	smov.u32 s11;
	p2 =	sgt.s32 s17, $0xF  }
0x18: {  	s18 =	smov.u32 @p2 s14  }
0x19: {  	s20 =	smov.u32 s12;
	s14 =	sadd.s32 $0x2, s12;
	p3 =	sgt.s32 s18, $0xFFF  }
0x1a: {  	s20 =	smov.u32 @p3 s14  }
0x1b: {  	s17 =	simm.s32 @p2 $0x0;
	p2 =	sgt.s32 s20, $0x1  }
0x1c: {  	p1 =	slt.u32 s13, $0x2;
	s20 =	smov.u32 @p2 s2;
	p2 =	sne.s32 s13, s8  }
.Ltmp1:
0x1d: {  	s19 =	simm.s32 @!p1 $0x2;
	(pc) =	sbr.rel @!p2 .LBB1_6-.Ltmp1, $4  }
0x1e: {  	s15 =	smov.u32 s11;
	s16 =	smov.u32 s12;
	_ =	swait.ge @!p1 [sflag:s19], $0x2000  }
0x1f: {  	p0 =	por !p0, !p0;
	[sflag:s19] =	ssyncset.done @!p1 $0x0;
	s18 =	smov.u32 @p3 s1  }
0x20: {  	s14 =	smov.u32 s10;
	[sflag:s19] =	ssyncadd.s32 @!p1 $0xFFFFE000;
	s10 =	smov.u32 s17  }
0x21: {  	s11 =	smov.u32 s18;
	s13 =	sadd.s32 $0x1, s13;
	s12 =	smov.u32 s20  }
.LBB1_1:
0x22: {  	p1 =	sge.u32 s13, s7;
	s31 =	sadd.s32 $0xFFFFFFFF, s13  }
0x23: {  	s17 =	sxor.u32 @!p1 $0xFFFFFFFF, s13;
	s18 =	sshll.u32 @!p1 s12, $0x14;
	s19 =	sshll.u32 @!p1 s11, $0x8  }
0x24: {  	s20 =	sshll.u32 @!p1 s10, $0x4;
	s17 =	sshll.u32 @!p1 s17, $0xD;
	s18 =	sadd.s32 @!p1 s5, s18  }
0x25: {  	s20 =	sand.u32 @!p1 $0xF0, s20;
	s17 =	sand.u32 @!p1 $0x2000, s17;
	s18 =	sadd.s32 @!p1 s19, s18  }
0x26: {  	s19 =	simm.s32 @!p1 $0x40;
	s18 =	sadd.s32 @!p1 s20, s18;
	s20 =	simm.s32 @!p1 $0x800  }
0x27: {  	[tilespmem:s17], [sflag:$0x1] =	stream.strided.gather @!p1 [hbm4b:s18+s19], $0x2000, s20, s19, $0x38;
	[tilespmem:$0x8080] =	vst v63  }
0x28: {  	p1 =	sge.u32 s31, s7  }
.Ltmp2:
0x29: {  	_ = 	snop;
	(pc) =	sbr.rel @p1 .LBB1_5-.Ltmp2, $1  }
0x2a: {  	_ =	sdelay $0x3  }
0x2b: {  	s17 =	simm.s32 $0x1  }
0x2c: {  	_ =	swait.ge [sflag:s6], $0x2000;
	s17 =	simm.s32 @!p0 $0x0  }
0x2d: {  	[sflag:s6] =	ssyncset.done $0x0;
	s18 =	sshll.u32 s17, $0xD  }
0x2e: {  	[sflag:s6] =	ssyncadd.s32 $0xFFFFE000;
	s21 =	sor.u32 $0x20, s18  }
0x2f: {  	s17 =	smul.u32 $0x8100, s17;
	v3 =	vld [tilespmem:s21+$0x10]  }
0x30: {  	s30 =	sand.u32 $0x1, s13;
	v2 =	vld [tilespmem:s21+$0xFFFFFFF0]  }
0x31: {  	s18 =	smul.u32 $0x8100, s30;
	s17 =	sshrl.u32 s17, $0x2;
	v0 =	vld [tilespmem:s21+$0x0]  }
0x32: {  	v1 =	vld [tilespmem:s21+$0xFFFFFFE0];
	s19 =	sor.u32 $0x4000, s17  }
0x33: {  	s31 =	sshrl.u32 s18, $0x2;
	s18 =	sadd.s32 $0x0, s19  }
0x34: {  	s20 =	simm.s32 $0x4;
	s21 =	sadd.s32 $0x40, s21;
	s17 =	sor.u32 $0x4000, s31;
	[tilespmem:s18+$0x1830 ss:$0x81] =	vst.msk $0xffff, v3  }
.LBB1_3:
0x35: {  	v3 =	vld [tilespmem:s21+$0x10];
	p1 =	sne.s32 s20, $0x1FC;
	[tilespmem:s18+$0x810 ss:$0x81] =	vst.msk $0xffff, v2;
	s22 =	smov.u32 s20;
	s20 =	sadd.s32 $0x4, s20  }
.Ltmp3:
0x36: {  	v2 =	vld [tilespmem:s21+$0xFFFFFFF0];
	[tilespmem:s18+$0x1020 ss:$0x81] =	vst.msk $0xffff, v0;
	(pc) =	sbr.rel @p1 .LBB1_3-.Ltmp3, $4  }
0x37: {  	v0 =	vld [tilespmem:s21+$0x0];
	[tilespmem:s18+$0x0 ss:$0x81] =	vst.msk $0xffff, v1  }
0x38: {  	s18 =	sshra.s32 s22, $0x2;
	v1 =	vld [tilespmem:s21+$0xFFFFFFE0]  }
0x39: {  	s18 =	sadd.s32 s18, s19  }
0x3a: {  	s21 =	sadd.s32 $0x40, s21;
	[tilespmem:s18+$0x1830 ss:$0x81] =	vst.msk $0xffff, v3  }
.Ltmp4:
0x3b: {  	_ = 	snop;
	(pc) =	sbr.rel .LBB1_4-.Ltmp4, $1  }
0x3c: {  	_ =	sdelay $0x3  }
.LBB1_6:
0x3d: {  	_ =	sfence.sel $0x180000  }
0x3e: {  	s1 =	simm.s32 $0x1;
	[bflag:$0x0] =	sbarrier.arrive $0xFFFF  }
0x3f: {  	s31 =	simm.s32 $0x2;
	[sflag:s1] =	ssyncpa.u1 $0x1  }
0x40: {  	[sflag:s31] =	ssyncpa.u1 $0x1  }
0x41: {  	p0 =	sne.s32 s0, $0x0;
	_ =	strace $0x9000005F  }
0x42: {  	s0 =	sadd.s32 @!p0 $0x100000, s3;
	[bflag:$0x2] =	sbarrier.arrive $0xFFFF  }
0x43: {  	[sflag:s0] =	ssyncadd.tile.s32 @!p0 $0x1;
	_ =	shalt  }
.Lfunc_end1:
_tile_overlayer_lowered:
.L_overlay_start_2:
0x44: {  	(tag) =	ssettag $0x2  }
0x45: {  	s0 =	rddreg [dreg:$0x0];
	s2 =	stileid.u32  }
0x46: {  	s1 =	rddreg [dreg:$0x1];
	p0 =	sne.s32 s2, $0x0  }
0x47: {  	s3 =	rddreg [dreg:$0x2];
	[bflag:$0x3] =	sbarrier.arrive $0xFFFF;
	s2 =	simm.s32 @!p0 $0x1C01  }
0x48: {  	[timem:s3], [sflag:s2] =	dma.local @!p0 [hbm:s0], s1  }
0x49: {  	s0 =	simm.s32 @!p0 $0x1  }
0x4a: {  	_ =	swait.ge @!p0 [sflag:s0], s1  }
0x4b: {  	s1 =	ssub.s32 @!p0 $0x0, s1;
	[sflag:s0] =	ssyncset.done @!p0 $0x0  }
0x4c: {  	[sflag:s0] =	ssyncadd.s32 @!p0 s1  }
0x4d: {  	[bflag:$0x3] =	sbarrier.arrive $0xFFFF  }
0x4e: {  	_ =	shalt  }

</sc_bundles>
